<compile_context>
chip_gen: v7x
topology: tpu7x:2x2x1
jax: 0.10.2.dev20260603
libtpu: 0.0.44.dev20260713+nightly
codegen_flags: <defaults>
</compile_context>

<pallas_src>
import functools

import jax
import jax.numpy as jnp
from jax import lax
from jax.experimental import pallas as pl
from jax.experimental.pallas import tpu as pltpu
from jax.experimental.pallas import tpu_sc as plsc

N = 10000
E = 320000
D = 128

NC = 2
NS = 16
NW = NC * NS
EPW = E // NW
CHUNK = 80
NCHUNK = EPW // CHUNK
NBUF = 2
ROWS_PT = 624
TAIL_BASE = NS * ROWS_PT
TAIL = N - TAIL_BASE
NP = 10240
DEG_PT = NP // NS

_MESH = plsc.VectorSubcoreMesh(core_axis_name="c", subcore_axis_name="s",
                               num_cores=NC, num_subcores=NS)


def _sc_deg_body(dst_hbm, out_hbm, deg_sh, ones_v, zeros_v, didx_v):
    cid = lax.axis_index("c")
    sid = lax.axis_index("s")
    wid = cid * NS + sid

    ones16 = jnp.ones((16,), jnp.float32)
    zeros16 = jnp.zeros((16,), jnp.float32)
    for i in range(CHUNK // 16):
        ones_v[pl.ds(16 * i, 16)] = ones16
    for i in range(DEG_PT // 16):
        zeros_v[pl.ds(16 * i, 16)] = zeros16

    pltpu.sync_copy(dst_hbm.at[wid], didx_v)
    pltpu.sync_copy(zeros_v, deg_sh.at[pl.ds(sid * DEG_PT, DEG_PT)])
    plsc.subcore_barrier()

    def step(i, carry):
        pltpu.sync_copy(ones_v, deg_sh.at[didx_v.at[i]], add=True)
        return carry

    lax.fori_loop(0, NCHUNK, step, 0)
    plsc.subcore_barrier()

    pltpu.sync_copy(
        deg_sh.at[pl.ds(sid * DEG_PT, DEG_PT)],
        out_hbm.at[pl.ds(cid * NP + sid * DEG_PT, DEG_PT)],
    )


_sc_deg = functools.partial(
    pl.kernel,
    out_type=jax.ShapeDtypeStruct((2 * NP,), jnp.float32),
    mesh=_MESH,
    scratch_types=[
        pltpu.VMEM_SHARED((NP,), jnp.float32),
        pltpu.VMEM((CHUNK,), jnp.float32),
        pltpu.VMEM((DEG_PT,), jnp.float32),
        pltpu.VMEM((NCHUNK, CHUNK), jnp.int32),
    ],
)(_sc_deg_body)


def _sc_agg_body(g_hbm, src_hbm, dst_hbm, out_hbm, acc_sh, sidx_v, didx_v,
                 *rows_and_sems):
    rows = rows_and_sems[:NBUF]
    sems = rows_and_sems[NBUF:]
    cid = lax.axis_index("c")
    sid = lax.axis_index("s")
    wid = cid * NS + sid

    pltpu.sync_copy(src_hbm.at[wid], sidx_v)
    pltpu.sync_copy(dst_hbm.at[wid], didx_v)

    rbase = sid * ROWS_PT
    pltpu.sync_copy(g_hbm.at[pl.ds(rbase, ROWS_PT)],
                    acc_sh.at[pl.ds(rbase, ROWS_PT)])

    @pl.when(sid == 0)
    def _():
        pltpu.sync_copy(g_hbm.at[pl.ds(TAIL_BASE, TAIL)],
                        acc_sh.at[pl.ds(TAIL_BASE, TAIL)])

    plsc.subcore_barrier()

    gsems = sems[:NBUF]
    ssems = sems[NBUF:]

    def _drain(buf, sem):
        pltpu.make_async_copy(g_hbm.at[pl.ds(0, CHUNK)], buf, sem).wait()

    pltpu.async_copy(g_hbm.at[sidx_v.at[pl.ds(0, CHUNK)]], rows[0], gsems[0])

    def outer(k, carry):
        i0 = k * NBUF
        for b in range(NBUF):
            i = i0 + b
            nb = (b + 1) % NBUF

            @pl.when(i + 1 < NCHUNK)
            def _():
                @pl.when(i >= 1)
                def _():
                    _drain(rows[nb], ssems[nb])

                pltpu.async_copy(
                    g_hbm.at[sidx_v.at[pl.ds((i + 1) * CHUNK, CHUNK)]],
                    rows[nb], gsems[nb])

            @pl.when(i < NCHUNK)
            def _():
                _drain(rows[b], gsems[b])
                pltpu.async_copy(rows[b], acc_sh.at[didx_v.at[i]], ssems[b],
                                 add=True)
        return carry

    lax.fori_loop(0, (NCHUNK + NBUF - 1) // NBUF, outer, 0)
    _drain(rows[(NCHUNK - 2) % NBUF], ssems[(NCHUNK - 2) % NBUF])
    _drain(rows[(NCHUNK - 1) % NBUF], ssems[(NCHUNK - 1) % NBUF])
    plsc.subcore_barrier()

    pltpu.sync_copy(acc_sh.at[pl.ds(rbase, ROWS_PT)],
                    out_hbm.at[pl.ds(cid * N + rbase, ROWS_PT)])

    @pl.when(sid == 0)
    def _():
        pltpu.sync_copy(acc_sh.at[pl.ds(TAIL_BASE, TAIL)],
                        out_hbm.at[pl.ds(cid * N + TAIL_BASE, TAIL)])


_sc_agg = functools.partial(
    pl.kernel,
    out_type=jax.ShapeDtypeStruct((2 * N, D), jnp.float32),
    mesh=_MESH,
    scratch_types=(
        [pltpu.VMEM_SHARED((N, D), jnp.float32),
         pltpu.VMEM((EPW,), jnp.int32),
         pltpu.VMEM((NCHUNK, CHUNK), jnp.int32)]
        + [pltpu.VMEM((CHUNK, D), jnp.float32)] * NBUF
        + [pltpu.SemaphoreType.DMA] * (2 * NBUF)
    ),
)(_sc_agg_body)


def _tc_pre_body(deg0, deg1, x, w0, g_out, dinv_out):
    dinv = lax.rsqrt(deg0[...] + deg1[...] + 1.0)
    dinv_out[...] = dinv
    g_out[...] = jnp.dot(x[...], w0[...],
                         preferred_element_type=jnp.float32) * dinv


_tc_pre = pl.pallas_call(
    _tc_pre_body,
    out_shape=[
        jax.ShapeDtypeStruct((N, D), jnp.float32),
        jax.ShapeDtypeStruct((N, 1), jnp.float32),
    ],
)


def _bn_relu(c, gamma, beta):
    m = jnp.mean(c, axis=0, keepdims=True)
    v = jnp.mean((c - m) * (c - m), axis=0, keepdims=True)
    return jax.nn.relu((c - m) * lax.rsqrt(v + 1e-5) * gamma + beta)


def _tc_mid_body(acc0, acc1, g, hprev, dinv, b, gamma, beta, w_next,
                 h_out, g_out, *, residual):
    c = dinv[...] * (acc0[...] + acc1[...] - g[...]) + b[...]
    if residual:
        c = hprev[...] + c
    h = _bn_relu(c, gamma[...], beta[...])
    h_out[...] = h
    g_out[...] = jnp.dot(h, w_next[...],
                         preferred_element_type=jnp.float32) * dinv[...]


def _tc_mid(residual):
    return pl.pallas_call(
        functools.partial(_tc_mid_body, residual=residual),
        out_shape=[
            jax.ShapeDtypeStruct((N, D), jnp.float32),
            jax.ShapeDtypeStruct((N, D), jnp.float32),
        ],
    )


_tc_mid0 = _tc_mid(False)
_tc_mid1 = _tc_mid(True)


def _tc_post_body(acc0, acc1, g, hprev, dinv, b, gamma, beta, fc_w, fc_b,
                  out):
    c = hprev[...] + dinv[...] * (acc0[...] + acc1[...] - g[...]) + b[...]
    h = _bn_relu(c, gamma[...], beta[...])
    logits = jnp.dot(h, fc_w[...], preferred_element_type=jnp.float32)
    out[...] = jax.nn.sigmoid(logits + fc_b[...])


_tc_post = pl.pallas_call(
    _tc_post_body,
    out_shape=jax.ShapeDtypeStruct((N, 1), jnp.float32),
)


def kernel(x, edge_index, W0, b0, gamma0, beta0, W1, b1, gamma1, beta1,
           W2, b2, gamma2, beta2, fc_W, fc_b):
    src2 = edge_index[0].reshape(NW, EPW)
    dst3 = edge_index[1].reshape(NW, NCHUNK, CHUNK)

    degs = _sc_deg(dst3)
    deg0 = degs[:N, None]
    deg1 = degs[NP:NP + N, None]

    g0, dinv = _tc_pre(deg0, deg1, x, W0)

    acc = _sc_agg(g0, src2, dst3)
    h1, g1 = _tc_mid0(acc[:N], acc[N:], g0, g0, dinv,
                      b0[None, :], gamma0[None, :], beta0[None, :], W1)

    acc = _sc_agg(g1, src2, dst3)
    h2, g2 = _tc_mid1(acc[:N], acc[N:], g1, h1, dinv,
                      b1[None, :], gamma1[None, :], beta1[None, :], W2)

    acc = _sc_agg(g2, src2, dst3)
    out = _tc_post(acc[:N], acc[N:], g2, h2, dinv,
                   b2[None, :], gamma2[None, :], beta2[None, :],
                   fc_W, fc_b[None, :])
    return out

# --- scband reference (transcript-rebuilt; emitter-appended) ---
"""Pipeline reference for scband-gcnmodel-31121333027185 (READ-ONLY COPY).

The authoritative reference and input builder live on the scoring server;
editing this copy changes nothing except your own understanding.
"""

import jax, jax.numpy as jnp
import numpy as np

N = 10000
E = 320000
D = 128
NUM_LAYERS = 3


def setup_inputs(seed: int = 0) -> dict:
    key = jax.random.key(seed)
    ks = jax.random.split(key, 8)
    inp = {}
    inp["x"] = jax.random.normal(ks[0], (N, D), dtype=jnp.float32)
    inp["edge_index"] = jax.random.randint(ks[1], (2, E), 0, N, dtype=jnp.int32)
    scale = 1.0 / np.sqrt(D)
    for i in range(NUM_LAYERS):
        inp[f"W{i}"] = jax.random.normal(jax.random.fold_in(ks[2], i), (D, D), dtype=jnp.float32) * scale
        inp[f"b{i}"] = jnp.zeros((D,), dtype=jnp.float32)
        inp[f"gamma{i}"] = jnp.ones((D,), dtype=jnp.float32)
        inp[f"beta{i}"] = jnp.zeros((D,), dtype=jnp.float32)
    inp["fc_W"] = jax.random.normal(ks[3], (D, 1), dtype=jnp.float32) * scale
    inp["fc_b"] = jnp.zeros((1,), dtype=jnp.float32)
    return inp


def gcn_conv(x, edge_index, W, b):
    # PyG GCNConv: add self-loops, symmetric normalization D^-1/2 A_hat D^-1/2 (x W) + b
    src = edge_index[0]
    dst = edge_index[1]
    loop = jnp.arange(N, dtype=src.dtype)
    src = jnp.concatenate([src, loop])
    dst = jnp.concatenate([dst, loop])
    ones = jnp.ones(src.shape[0], dtype=x.dtype)
    deg = jax.ops.segment_sum(ones, dst, num_segments=N)
    dinv = jnp.where(deg > 0, jax.lax.rsqrt(deg), 0.0)
    norm = dinv[src] * dinv[dst]
    h = x @ W
    msg = h[src] * norm[:, None]
    out = jax.ops.segment_sum(msg, dst, num_segments=N)
    return out + b


def batch_norm(x, gamma, beta):
    m = jnp.mean(x, axis=0)
    v = jnp.var(x, axis=0)
    return (x - m) * jax.lax.rsqrt(v + 1e-5) * gamma + beta


def reference(x, edge_index, W0, b0, gamma0, beta0, W1, b1, gamma1, beta1, W2, b2, gamma2, beta2, fc_W, fc_b):
    convs = [(W0, b0), (W1, b1), (W2, b2)]
    bns = [(gamma0, beta0), (gamma1, beta1), (gamma2, beta2)]
    h = x
    for i in range(NUM_LAYERS):
        c = gcn_conv(h, edge_index, convs[i][0], convs[i][1])
        h = c if i == 0 else h + c
        h = batch_norm(h, bns[i][0], bns[i][1])
        h = jax.nn.relu(h)
        # dropout is identity in eval/deterministic mode
    out = h @ fc_W + fc_b
    return jax.nn.sigmoid(out)

if __name__ == "__main__":
    import jax
    _d = setup_inputs()
    print(jax.jit(kernel)(*tuple(_d.values())))

</pallas_src>

<mosaic_0001>
#map = affine_map<(d0, d1) -> (0, 0, 0)>
#map1 = affine_map<(d0, d1) -> (0)>
module attributes {stable_mosaic.version = 14 : i64} {
  func.func @_sc_deg_body(%arg0: i32, %arg1: i32, %arg2: memref<32x125x80xi32, #tpu.memory_space<hbm>>, %arg3: memref<20480xf32, #tpu.memory_space<hbm>>, %arg4: memref<10240xf32, #tpu.memory_space<vmem_shared>>, %arg5: memref<80xf32, #tpu.memory_space<vmem>>, %arg6: memref<640xf32, #tpu.memory_space<vmem>>, %arg7: memref<125x80xi32, #tpu.memory_space<vmem>>) attributes {dimension_semantics = [#tpu.dimension_semantics<core_parallel>, #tpu.dimension_semantics<subcore_parallel>], iteration_bounds = array<i64: 2, 16>, scalar_prefetch = 0 : i64, scratch_operands = 4 : i64, tpu.core_type = #tpu.core_type<sc_vector_subcore>, window_params = [{transform_indices = #map}, {transform_indices = #map1}]} {
    %mul3A = arith.constant 16 : i32
    %mul3A_0 = arith.muli %arg0, %mul3A : i32
    %add3A = arith.addi %mul3A_0, %arg1 : i32
    %broadcast_in_dim3A = arith.constant 1.000000e+00 : f32
    %broadcast_in_dim3A_1 = vector.broadcast %broadcast_in_dim3A : f32 to vector<16xf32>
    %broadcast_in_dim3A_2 = arith.constant 0.000000e+00 : f32
    %broadcast_in_dim3A_3 = vector.broadcast %broadcast_in_dim3A_2 : f32 to vector<16xf32>
    %swap3A = arith.constant 0 : index
    %swap3A_4 = tpu.vector_load %arg5[%swap3A] {strides = array<i32>} : memref<80xf32, #tpu.memory_space<vmem>>, vector<16xf32>,
    %swap3A_5 = vector.shape_cast %swap3A_4 : vector<16xf32> to vector<16xf32>
    %swap3A_6 = vector.shape_cast %broadcast_in_dim3A_1 : vector<16xf32> to vector<16xf32>
    tpu.vector_store %arg5[%swap3A], %swap3A_6 {strides = array<i32>} : memref<80xf32, #tpu.memory_space<vmem>>, vector<16xf32>,
    %swap3A_7 = arith.constant 16 : index
    %swap3A_8 = tpu.vector_load %arg5[%swap3A_7] {strides = array<i32>} : memref<80xf32, #tpu.memory_space<vmem>>, vector<16xf32>,
    %swap3A_9 = vector.shape_cast %swap3A_8 : vector<16xf32> to vector<16xf32>
    %swap3A_10 = vector.shape_cast %broadcast_in_dim3A_1 : vector<16xf32> to vector<16xf32>
    tpu.vector_store %arg5[%swap3A_7], %swap3A_10 {strides = array<i32>} : memref<80xf32, #tpu.memory_space<vmem>>, vector<16xf32>,
    %swap3A_11 = arith.constant 32 : index
    %swap3A_12 = tpu.vector_load %arg5[%swap3A_11] {strides = array<i32>} : memref<80xf32, #tpu.memory_space<vmem>>, vector<16xf32>,
    %swap3A_13 = vector.shape_cast %swap3A_12 : vector<16xf32> to vector<16xf32>
    %swap3A_14 = vector.shape_cast %broadcast_in_dim3A_1 : vector<16xf32> to vector<16xf32>
    tpu.vector_store %arg5[%swap3A_11], %swap3A_14 {strides = array<i32>} : memref<80xf32, #tpu.memory_space<vmem>>, vector<16xf32>,
    %swap3A_15 = arith.constant 48 : index
    %swap3A_16 = tpu.vector_load %arg5[%swap3A_15] {strides = array<i32>} : memref<80xf32, #tpu.memory_space<vmem>>, vector<16xf32>,
    %swap3A_17 = vector.shape_cast %swap3A_16 : vector<16xf32> to vector<16xf32>
    %swap3A_18 = vector.shape_cast %broadcast_in_dim3A_1 : vector<16xf32> to vector<16xf32>
    tpu.vector_store %arg5[%swap3A_15], %swap3A_18 {strides = array<i32>} : memref<80xf32, #tpu.memory_space<vmem>>, vector<16xf32>,
    %swap3A_19 = arith.constant 64 : index
    %swap3A_20 = tpu.vector_load %arg5[%swap3A_19] {strides = array<i32>} : memref<80xf32, #tpu.memory_space<vmem>>, vector<16xf32>,
    %swap3A_21 = vector.shape_cast %swap3A_20 : vector<16xf32> to vector<16xf32>
    %swap3A_22 = vector.shape_cast %broadcast_in_dim3A_1 : vector<16xf32> to vector<16xf32>
    tpu.vector_store %arg5[%swap3A_19], %swap3A_22 {strides = array<i32>} : memref<80xf32, #tpu.memory_space<vmem>>, vector<16xf32>,
    %swap3A_23 = arith.constant 0 : index
    %swap3A_24 = tpu.vector_load %arg6[%swap3A_23] {strides = array<i32>} : memref<640xf32, #tpu.memory_space<vmem>>, vector<16xf32>,
    %swap3A_25 = vector.shape_cast %swap3A_24 : vector<16xf32> to vector<16xf32>
    %swap3A_26 = vector.shape_cast %broadcast_in_dim3A_3 : vector<16xf32> to vector<16xf32>
    tpu.vector_store %arg6[%swap3A_23], %swap3A_26 {strides = array<i32>} : memref<640xf32, #tpu.memory_space<vmem>>, vector<16xf32>,
    %swap3A_27 = arith.constant 16 : index
    %swap3A_28 = tpu.vector_load %arg6[%swap3A_27] {strides = array<i32>} : memref<640xf32, #tpu.memory_space<vmem>>, vector<16xf32>,
    %swap3A_29 = vector.shape_cast %swap3A_28 : vector<16xf32> to vector<16xf32>
    %swap3A_30 = vector.shape_cast %broadcast_in_dim3A_3 : vector<16xf32> to vector<16xf32>
    tpu.vector_store %arg6[%swap3A_27], %swap3A_30 {strides = array<i32>} : memref<640xf32, #tpu.memory_space<vmem>>, vector<16xf32>,
    %swap3A_31 = arith.constant 32 : index
    %swap3A_32 = tpu.vector_load %arg6[%swap3A_31] {strides = array<i32>} : memref<640xf32, #tpu.memory_space<vmem>>, vector<16xf32>,
    %swap3A_33 = vector.shape_cast %swap3A_32 : vector<16xf32> to vector<16xf32>
    %swap3A_34 = vector.shape_cast %broadcast_in_dim3A_3 : vector<16xf32> to vector<16xf32>
    tpu.vector_store %arg6[%swap3A_31], %swap3A_34 {strides = array<i32>} : memref<640xf32, #tpu.memory_space<vmem>>, vector<16xf32>,
    %swap3A_35 = arith.constant 48 : index
    %swap3A_36 = tpu.vector_load %arg6[%swap3A_35] {strides = array<i32>} : memref<640xf32, #tpu.memory_space<vmem>>, vector<16xf32>,
    %swap3A_37 = vector.shape_cast %swap3A_36 : vector<16xf32> to vector<16xf32>
    %swap3A_38 = vector.shape_cast %broadcast_in_dim3A_3 : vector<16xf32> to vector<16xf32>
    tpu.vector_store %arg6[%swap3A_35], %swap3A_38 {strides = array<i32>} : memref<640xf32, #tpu.memory_space<vmem>>, vector<16xf32>,
    %swap3A_39 = arith.constant 64 : index
    %swap3A_40 = tpu.vector_load %arg6[%swap3A_39] {strides = array<i32>} : memref<640xf32, #tpu.memory_space<vmem>>, vector<16xf32>,
    %swap3A_41 = vector.shape_cast %swap3A_40 : vector<16xf32> to vector<16xf32>
    %swap3A_42 = vector.shape_cast %broadcast_in_dim3A_3 : vector<16xf32> to vector<16xf32>
    tpu.vector_store %arg6[%swap3A_39], %swap3A_42 {strides = array<i32>} : memref<640xf32, #tpu.memory_space<vmem>>, vector<16xf32>,
    %swap3A_43 = arith.constant 80 : index
    %swap3A_44 = tpu.vector_load %arg6[%swap3A_43] {strides = array<i32>} : memref<640xf32, #tpu.memory_space<vmem>>, vector<16xf32>,
    %swap3A_45 = vector.shape_cast %swap3A_44 : vector<16xf32> to vector<16xf32>
    %swap3A_46 = vector.shape_cast %broadcast_in_dim3A_3 : vector<16xf32> to vector<16xf32>
    tpu.vector_store %arg6[%swap3A_43], %swap3A_46 {strides = array<i32>} : memref<640xf32, #tpu.memory_space<vmem>>, vector<16xf32>,
    %swap3A_47 = arith.constant 96 : index
    %swap3A_48 = tpu.vector_load %arg6[%swap3A_47] {strides = array<i32>} : memref<640xf32, #tpu.memory_space<vmem>>, vector<16xf32>,
    %swap3A_49 = vector.shape_cast %swap3A_48 : vector<16xf32> to vector<16xf32>
    %swap3A_50 = vector.shape_cast %broadcast_in_dim3A_3 : vector<16xf32> to vector<16xf32>
    tpu.vector_store %arg6[%swap3A_47], %swap3A_50 {strides = array<i32>} : memref<640xf32, #tpu.memory_space<vmem>>, vector<16xf32>,
    %swap3A_51 = arith.constant 112 : index
    %swap3A_52 = tpu.vector_load %arg6[%swap3A_51] {strides = array<i32>} : memref<640xf32, #tpu.memory_space<vmem>>, vector<16xf32>,
    %swap3A_53 = vector.shape_cast %swap3A_52 : vector<16xf32> to vector<16xf32>
    %swap3A_54 = vector.shape_cast %broadcast_in_dim3A_3 : vector<16xf32> to vector<16xf32>
    tpu.vector_store %arg6[%swap3A_51], %swap3A_54 {strides = array<i32>} : memref<640xf32, #tpu.memory_space<vmem>>, vector<16xf32>,
    %swap3A_55 = arith.constant 128 : index
    %swap3A_56 = tpu.vector_load %arg6[%swap3A_55] {strides = array<i32>} : memref<640xf32, #tpu.memory_space<vmem>>, vector<16xf32>,
    %swap3A_57 = vector.shape_cast %swap3A_56 : vector<16xf32> to vector<16xf32>
    %swap3A_58 = vector.shape_cast %broadcast_in_dim3A_3 : vector<16xf32> to vector<16xf32>
    tpu.vector_store %arg6[%swap3A_55], %swap3A_58 {strides = array<i32>} : memref<640xf32, #tpu.memory_space<vmem>>, vector<16xf32>,
    %swap3A_59 = arith.constant 144 : index
    %swap3A_60 = tpu.vector_load %arg6[%swap3A_59] {strides = array<i32>} : memref<640xf32, #tpu.memory_space<vmem>>, vector<16xf32>,
    %swap3A_61 = vector.shape_cast %swap3A_60 : vector<16xf32> to vector<16xf32>
    %swap3A_62 = vector.shape_cast %broadcast_in_dim3A_3 : vector<16xf32> to vector<16xf32>
    tpu.vector_store %arg6[%swap3A_59], %swap3A_62 {strides = array<i32>} : memref<640xf32, #tpu.memory_space<vmem>>, vector<16xf32>,
    %swap3A_63 = arith.constant 160 : index
    %swap3A_64 = tpu.vector_load %arg6[%swap3A_63] {strides = array<i32>} : memref<640xf32, #tpu.memory_space<vmem>>, vector<16xf32>,
    %swap3A_65 = vector.shape_cast %swap3A_64 : vector<16xf32> to vector<16xf32>
    %swap3A_66 = vector.shape_cast %broadcast_in_dim3A_3 : vector<16xf32> to vector<16xf32>
    tpu.vector_store %arg6[%swap3A_63], %swap3A_66 {strides = array<i32>} : memref<640xf32, #tpu.memory_space<vmem>>, vector<16xf32>,
    %swap3A_67 = arith.constant 176 : index
    %swap3A_68 = tpu.vector_load %arg6[%swap3A_67] {strides = array<i32>} : memref<640xf32, #tpu.memory_space<vmem>>, vector<16xf32>,
    %swap3A_69 = vector.shape_cast %swap3A_68 : vector<16xf32> to vector<16xf32>
    %swap3A_70 = vector.shape_cast %broadcast_in_dim3A_3 : vector<16xf32> to vector<16xf32>
    tpu.vector_store %arg6[%swap3A_67], %swap3A_70 {strides = array<i32>} : memref<640xf32, #tpu.memory_space<vmem>>, vector<16xf32>,
    %swap3A_71 = arith.constant 192 : index
    %swap3A_72 = tpu.vector_load %arg6[%swap3A_71] {strides = array<i32>} : memref<640xf32, #tpu.memory_space<vmem>>, vector<16xf32>,
    %swap3A_73 = vector.shape_cast %swap3A_72 : vector<16xf32> to vector<16xf32>
    %swap3A_74 = vector.shape_cast %broadcast_in_dim3A_3 : vector<16xf32> to vector<16xf32>
    tpu.vector_store %arg6[%swap3A_71], %swap3A_74 {strides = array<i32>} : memref<640xf32, #tpu.memory_space<vmem>>, vector<16xf32>,
    %swap3A_75 = arith.constant 208 : index
    %swap3A_76 = tpu.vector_load %arg6[%swap3A_75] {strides = array<i32>} : memref<640xf32, #tpu.memory_space<vmem>>, vector<16xf32>,
    %swap3A_77 = vector.shape_cast %swap3A_76 : vector<16xf32> to vector<16xf32>
    %swap3A_78 = vector.shape_cast %broadcast_in_dim3A_3 : vector<16xf32> to vector<16xf32>
    tpu.vector_store %arg6[%swap3A_75], %swap3A_78 {strides = array<i32>} : memref<640xf32, #tpu.memory_space<vmem>>, vector<16xf32>,
    %swap3A_79 = arith.constant 224 : index
    %swap3A_80 = tpu.vector_load %arg6[%swap3A_79] {strides = array<i32>} : memref<640xf32, #tpu.memory_space<vmem>>, vector<16xf32>,
    %swap3A_81 = vector.shape_cast %swap3A_80 : vector<16xf32> to vector<16xf32>
    %swap3A_82 = vector.shape_cast %broadcast_in_dim3A_3 : vector<16xf32> to vector<16xf32>
    tpu.vector_store %arg6[%swap3A_79], %swap3A_82 {strides = array<i32>} : memref<640xf32, #tpu.memory_space<vmem>>, vector<16xf32>,
    %swap3A_83 = arith.constant 240 : index
    %swap3A_84 = tpu.vector_load %arg6[%swap3A_83] {strides = array<i32>} : memref<640xf32, #tpu.memory_space<vmem>>, vector<16xf32>,
    %swap3A_85 = vector.shape_cast %swap3A_84 : vector<16xf32> to vector<16xf32>
    %swap3A_86 = vector.shape_cast %broadcast_in_dim3A_3 : vector<16xf32> to vector<16xf32>
    tpu.vector_store %arg6[%swap3A_83], %swap3A_86 {strides = array<i32>} : memref<640xf32, #tpu.memory_space<vmem>>, vector<16xf32>,
    %swap3A_87 = arith.constant 256 : index
    %swap3A_88 = tpu.vector_load %arg6[%swap3A_87] {strides = array<i32>} : memref<640xf32, #tpu.memory_space<vmem>>, vector<16xf32>,
    %swap3A_89 = vector.shape_cast %swap3A_88 : vector<16xf32> to vector<16xf32>
    %swap3A_90 = vector.shape_cast %broadcast_in_dim3A_3 : vector<16xf32> to vector<16xf32>
    tpu.vector_store %arg6[%swap3A_87], %swap3A_90 {strides = array<i32>} : memref<640xf32, #tpu.memory_space<vmem>>, vector<16xf32>,
    %swap3A_91 = arith.constant 272 : index
    %swap3A_92 = tpu.vector_load %arg6[%swap3A_91] {strides = array<i32>} : memref<640xf32, #tpu.memory_space<vmem>>, vector<16xf32>,
    %swap3A_93 = vector.shape_cast %swap3A_92 : vector<16xf32> to vector<16xf32>
    %swap3A_94 = vector.shape_cast %broadcast_in_dim3A_3 : vector<16xf32> to vector<16xf32>
    tpu.vector_store %arg6[%swap3A_91], %swap3A_94 {strides = array<i32>} : memref<640xf32, #tpu.memory_space<vmem>>, vector<16xf32>,
    %swap3A_95 = arith.constant 288 : index
    %swap3A_96 = tpu.vector_load %arg6[%swap3A_95] {strides = array<i32>} : memref<640xf32, #tpu.memory_space<vmem>>, vector<16xf32>,
    %swap3A_97 = vector.shape_cast %swap3A_96 : vector<16xf32> to vector<16xf32>
    %swap3A_98 = vector.shape_cast %broadcast_in_dim3A_3 : vector<16xf32> to vector<16xf32>
    tpu.vector_store %arg6[%swap3A_95], %swap3A_98 {strides = array<i32>} : memref<640xf32, #tpu.memory_space<vmem>>, vector<16xf32>,
    %swap3A_99 = arith.constant 304 : index
    %swap3A_100 = tpu.vector_load %arg6[%swap3A_99] {strides = array<i32>} : memref<640xf32, #tpu.memory_space<vmem>>, vector<16xf32>,
    %swap3A_101 = vector.shape_cast %swap3A_100 : vector<16xf32> to vector<16xf32>
    %swap3A_102 = vector.shape_cast %broadcast_in_dim3A_3 : vector<16xf32> to vector<16xf32>
    tpu.vector_store %arg6[%swap3A_99], %swap3A_102 {strides = array<i32>} : memref<640xf32, #tpu.memory_space<vmem>>, vector<16xf32>,
    %swap3A_103 = arith.constant 320 : index
    %swap3A_104 = tpu.vector_load %arg6[%swap3A_103] {strides = array<i32>} : memref<640xf32, #tpu.memory_space<vmem>>, vector<16xf32>,
    %swap3A_105 = vector.shape_cast %swap3A_104 : vector<16xf32> to vector<16xf32>
    %swap3A_106 = vector.shape_cast %broadcast_in_dim3A_3 : vector<16xf32> to vector<16xf32>
    tpu.vector_store %arg6[%swap3A_103], %swap3A_106 {strides = array<i32>} : memref<640xf32, #tpu.memory_space<vmem>>, vector<16xf32>,
    %swap3A_107 = arith.constant 336 : index
    %swap3A_108 = tpu.vector_load %arg6[%swap3A_107] {strides = array<i32>} : memref<640xf32, #tpu.memory_space<vmem>>, vector<16xf32>,
    %swap3A_109 = vector.shape_cast %swap3A_108 : vector<16xf32> to vector<16xf32>
    %swap3A_110 = vector.shape_cast %broadcast_in_dim3A_3 : vector<16xf32> to vector<16xf32>
    tpu.vector_store %arg6[%swap3A_107], %swap3A_110 {strides = array<i32>} : memref<640xf32, #tpu.memory_space<vmem>>, vector<16xf32>,
    %swap3A_111 = arith.constant 352 : index
    %swap3A_112 = tpu.vector_load %arg6[%swap3A_111] {strides = array<i32>} : memref<640xf32, #tpu.memory_space<vmem>>, vector<16xf32>,
    %swap3A_113 = vector.shape_cast %swap3A_112 : vector<16xf32> to vector<16xf32>
    %swap3A_114 = vector.shape_cast %broadcast_in_dim3A_3 : vector<16xf32> to vector<16xf32>
    tpu.vector_store %arg6[%swap3A_111], %swap3A_114 {strides = array<i32>} : memref<640xf32, #tpu.memory_space<vmem>>, vector<16xf32>,
    %swap3A_115 = arith.constant 368 : index
    %swap3A_116 = tpu.vector_load %arg6[%swap3A_115] {strides = array<i32>} : memref<640xf32, #tpu.memory_space<vmem>>, vector<16xf32>,
    %swap3A_117 = vector.shape_cast %swap3A_116 : vector<16xf32> to vector<16xf32>
    %swap3A_118 = vector.shape_cast %broadcast_in_dim3A_3 : vector<16xf32> to vector<16xf32>
    tpu.vector_store %arg6[%swap3A_115], %swap3A_118 {strides = array<i32>} : memref<640xf32, #tpu.memory_space<vmem>>, vector<16xf32>,
    %swap3A_119 = arith.constant 384 : index
    %swap3A_120 = tpu.vector_load %arg6[%swap3A_119] {strides = array<i32>} : memref<640xf32, #tpu.memory_space<vmem>>, vector<16xf32>,
    %swap3A_121 = vector.shape_cast %swap3A_120 : vector<16xf32> to vector<16xf32>
    %swap3A_122 = vector.shape_cast %broadcast_in_dim3A_3 : vector<16xf32> to vector<16xf32>
    tpu.vector_store %arg6[%swap3A_119], %swap3A_122 {strides = array<i32>} : memref<640xf32, #tpu.memory_space<vmem>>, vector<16xf32>,
    %swap3A_123 = arith.constant 400 : index
    %swap3A_124 = tpu.vector_load %arg6[%swap3A_123] {strides = array<i32>} : memref<640xf32, #tpu.memory_space<vmem>>, vector<16xf32>,
    %swap3A_125 = vector.shape_cast %swap3A_124 : vector<16xf32> to vector<16xf32>
    %swap3A_126 = vector.shape_cast %broadcast_in_dim3A_3 : vector<16xf32> to vector<16xf32>
    tpu.vector_store %arg6[%swap3A_123], %swap3A_126 {strides = array<i32>} : memref<640xf32, #tpu.memory_space<vmem>>, vector<16xf32>,
    %swap3A_127 = arith.constant 416 : index
    %swap3A_128 = tpu.vector_load %arg6[%swap3A_127] {strides = array<i32>} : memref<640xf32, #tpu.memory_space<vmem>>, vector<16xf32>,
    %swap3A_129 = vector.shape_cast %swap3A_128 : vector<16xf32> to vector<16xf32>
    %swap3A_130 = vector.shape_cast %broadcast_in_dim3A_3 : vector<16xf32> to vector<16xf32>
    tpu.vector_store %arg6[%swap3A_127], %swap3A_130 {strides = array<i32>} : memref<640xf32, #tpu.memory_space<vmem>>, vector<16xf32>,
    %swap3A_131 = arith.constant 432 : index
    %swap3A_132 = tpu.vector_load %arg6[%swap3A_131] {strides = array<i32>} : memref<640xf32, #tpu.memory_space<vmem>>, vector<16xf32>,
    %swap3A_133 = vector.shape_cast %swap3A_132 : vector<16xf32> to vector<16xf32>
    %swap3A_134 = vector.shape_cast %broadcast_in_dim3A_3 : vector<16xf32> to vector<16xf32>
    tpu.vector_store %arg6[%swap3A_131], %swap3A_134 {strides = array<i32>} : memref<640xf32, #tpu.memory_space<vmem>>, vector<16xf32>,
    %swap3A_135 = arith.constant 448 : index
    %swap3A_136 = tpu.vector_load %arg6[%swap3A_135] {strides = array<i32>} : memref<640xf32, #tpu.memory_space<vmem>>, vector<16xf32>,
    %swap3A_137 = vector.shape_cast %swap3A_136 : vector<16xf32> to vector<16xf32>
    %swap3A_138 = vector.shape_cast %broadcast_in_dim3A_3 : vector<16xf32> to vector<16xf32>
    tpu.vector_store %arg6[%swap3A_135], %swap3A_138 {strides = array<i32>} : memref<640xf32, #tpu.memory_space<vmem>>, vector<16xf32>,
    %swap3A_139 = arith.constant 464 : index
    %swap3A_140 = tpu.vector_load %arg6[%swap3A_139] {strides = array<i32>} : memref<640xf32, #tpu.memory_space<vmem>>, vector<16xf32>,
    %swap3A_141 = vector.shape_cast %swap3A_140 : vector<16xf32> to vector<16xf32>
    %swap3A_142 = vector.shape_cast %broadcast_in_dim3A_3 : vector<16xf32> to vector<16xf32>
    tpu.vector_store %arg6[%swap3A_139], %swap3A_142 {strides = array<i32>} : memref<640xf32, #tpu.memory_space<vmem>>, vector<16xf32>,
    %swap3A_143 = arith.constant 480 : index
    %swap3A_144 = tpu.vector_load %arg6[%swap3A_143] {strides = array<i32>} : memref<640xf32, #tpu.memory_space<vmem>>, vector<16xf32>,
    %swap3A_145 = vector.shape_cast %swap3A_144 : vector<16xf32> to vector<16xf32>
    %swap3A_146 = vector.shape_cast %broadcast_in_dim3A_3 : vector<16xf32> to vector<16xf32>
    tpu.vector_store %arg6[%swap3A_143], %swap3A_146 {strides = array<i32>} : memref<640xf32, #tpu.memory_space<vmem>>, vector<16xf32>,
    %swap3A_147 = arith.constant 496 : index
    %swap3A_148 = tpu.vector_load %arg6[%swap3A_147] {strides = array<i32>} : memref<640xf32, #tpu.memory_space<vmem>>, vector<16xf32>,
    %swap3A_149 = vector.shape_cast %swap3A_148 : vector<16xf32> to vector<16xf32>
    %swap3A_150 = vector.shape_cast %broadcast_in_dim3A_3 : vector<16xf32> to vector<16xf32>
    tpu.vector_store %arg6[%swap3A_147], %swap3A_150 {strides = array<i32>} : memref<640xf32, #tpu.memory_space<vmem>>, vector<16xf32>,
    %swap3A_151 = arith.constant 512 : index
    %swap3A_152 = tpu.vector_load %arg6[%swap3A_151] {strides = array<i32>} : memref<640xf32, #tpu.memory_space<vmem>>, vector<16xf32>,
    %swap3A_153 = vector.shape_cast %swap3A_152 : vector<16xf32> to vector<16xf32>
    %swap3A_154 = vector.shape_cast %broadcast_in_dim3A_3 : vector<16xf32> to vector<16xf32>
    tpu.vector_store %arg6[%swap3A_151], %swap3A_154 {strides = array<i32>} : memref<640xf32, #tpu.memory_space<vmem>>, vector<16xf32>,
    %swap3A_155 = arith.constant 528 : index
    %swap3A_156 = tpu.vector_load %arg6[%swap3A_155] {strides = array<i32>} : memref<640xf32, #tpu.memory_space<vmem>>, vector<16xf32>,
    %swap3A_157 = vector.shape_cast %swap3A_156 : vector<16xf32> to vector<16xf32>
    %swap3A_158 = vector.shape_cast %broadcast_in_dim3A_3 : vector<16xf32> to vector<16xf32>
    tpu.vector_store %arg6[%swap3A_155], %swap3A_158 {strides = array<i32>} : memref<640xf32, #tpu.memory_space<vmem>>, vector<16xf32>,
    %swap3A_159 = arith.constant 544 : index
    %swap3A_160 = tpu.vector_load %arg6[%swap3A_159] {strides = array<i32>} : memref<640xf32, #tpu.memory_space<vmem>>, vector<16xf32>,
    %swap3A_161 = vector.shape_cast %swap3A_160 : vector<16xf32> to vector<16xf32>
    %swap3A_162 = vector.shape_cast %broadcast_in_dim3A_3 : vector<16xf32> to vector<16xf32>
    tpu.vector_store %arg6[%swap3A_159], %swap3A_162 {strides = array<i32>} : memref<640xf32, #tpu.memory_space<vmem>>, vector<16xf32>,
    %swap3A_163 = arith.constant 560 : index
    %swap3A_164 = tpu.vector_load %arg6[%swap3A_163] {strides = array<i32>} : memref<640xf32, #tpu.memory_space<vmem>>, vector<16xf32>,
    %swap3A_165 = vector.shape_cast %swap3A_164 : vector<16xf32> to vector<16xf32>
    %swap3A_166 = vector.shape_cast %broadcast_in_dim3A_3 : vector<16xf32> to vector<16xf32>
    tpu.vector_store %arg6[%swap3A_163], %swap3A_166 {strides = array<i32>} : memref<640xf32, #tpu.memory_space<vmem>>, vector<16xf32>,
    %swap3A_167 = arith.constant 576 : index
    %swap3A_168 = tpu.vector_load %arg6[%swap3A_167] {strides = array<i32>} : memref<640xf32, #tpu.memory_space<vmem>>, vector<16xf32>,
    %swap3A_169 = vector.shape_cast %swap3A_168 : vector<16xf32> to vector<16xf32>
    %swap3A_170 = vector.shape_cast %broadcast_in_dim3A_3 : vector<16xf32> to vector<16xf32>
    tpu.vector_store %arg6[%swap3A_167], %swap3A_170 {strides = array<i32>} : memref<640xf32, #tpu.memory_space<vmem>>, vector<16xf32>,
    %swap3A_171 = arith.constant 592 : index
    %swap3A_172 = tpu.vector_load %arg6[%swap3A_171] {strides = array<i32>} : memref<640xf32, #tpu.memory_space<vmem>>, vector<16xf32>,
    %swap3A_173 = vector.shape_cast %swap3A_172 : vector<16xf32> to vector<16xf32>
    %swap3A_174 = vector.shape_cast %broadcast_in_dim3A_3 : vector<16xf32> to vector<16xf32>
    tpu.vector_store %arg6[%swap3A_171], %swap3A_174 {strides = array<i32>} : memref<640xf32, #tpu.memory_space<vmem>>, vector<16xf32>,
    %swap3A_175 = arith.constant 608 : index
    %swap3A_176 = tpu.vector_load %arg6[%swap3A_175] {strides = array<i32>} : memref<640xf32, #tpu.memory_space<vmem>>, vector<16xf32>,
    %swap3A_177 = vector.shape_cast %swap3A_176 : vector<16xf32> to vector<16xf32>
    %swap3A_178 = vector.shape_cast %broadcast_in_dim3A_3 : vector<16xf32> to vector<16xf32>
    tpu.vector_store %arg6[%swap3A_175], %swap3A_178 {strides = array<i32>} : memref<640xf32, #tpu.memory_space<vmem>>, vector<16xf32>,
    %swap3A_179 = arith.constant 624 : index
    %swap3A_180 = tpu.vector_load %arg6[%swap3A_179] {strides = array<i32>} : memref<640xf32, #tpu.memory_space<vmem>>, vector<16xf32>,
    %swap3A_181 = vector.shape_cast %swap3A_180 : vector<16xf32> to vector<16xf32>
    %swap3A_182 = vector.shape_cast %broadcast_in_dim3A_3 : vector<16xf32> to vector<16xf32>
    tpu.vector_store %arg6[%swap3A_179], %swap3A_182 {strides = array<i32>} : memref<640xf32, #tpu.memory_space<vmem>>, vector<16xf32>,
    "tpu.region"() ({
      %run_scoped3A = tpu.sem_alloc : memref<!tpu.dma_semaphore, #tpu.memory_space<semaphore_mem>>
      %dma_start3A = arith.constant 0 : i32
      %dma_start3A_198 = arith.constant 0 : i32
      %dma_start3A_199 = tpu.memref_slice %arg2[%add3A, %dma_start3A, %dma_start3A_198] : memref<32x125x80xi32, #tpu.memory_space<hbm>> -> memref<1x125x80xi32, #tpu.memory_space<hbm>>
      %dma_start3A_200 = tpu.memref_squeeze %dma_start3A_199 : memref<1x125x80xi32, #tpu.memory_space<hbm>> -> memref<125x80xi32, #tpu.memory_space<hbm>>
      %dma_start3A_201 = arith.constant 0 : i32
      %dma_start3A_202 = arith.constant 0 : i32
      %dma_start3A_203 = tpu.memref_slice %arg2[%add3A, %dma_start3A_201, %dma_start3A_202] : memref<32x125x80xi32, #tpu.memory_space<hbm>> -> memref<1x125x80xi32, #tpu.memory_space<hbm>>
      %dma_start3A_204 = tpu.memref_squeeze %dma_start3A_203 : memref<1x125x80xi32, #tpu.memory_space<hbm>> -> memref<125x80xi32, #tpu.memory_space<hbm>>
      tpu.enqueue_dma source(%dma_start3A_204 : memref<125x80xi32, #tpu.memory_space<hbm>>) target(%arg7 : memref<125x80xi32, #tpu.memory_space<vmem>>) target_semaphore(%run_scoped3A : memref<!tpu.dma_semaphore, #tpu.memory_space<semaphore_mem>>)
      %dma_wait3A = arith.constant 0 : i32
      %dma_wait3A_205 = arith.constant 0 : i32
      %dma_wait3A_206 = tpu.memref_slice %arg2[%add3A, %dma_wait3A, %dma_wait3A_205] : memref<32x125x80xi32, #tpu.memory_space<hbm>> -> memref<1x125x80xi32, #tpu.memory_space<hbm>>
      %dma_wait3A_207 = tpu.memref_squeeze %dma_wait3A_206 : memref<1x125x80xi32, #tpu.memory_space<hbm>> -> memref<125x80xi32, #tpu.memory_space<hbm>>
      %dma_wait3A_208 = arith.constant 0 : i32
      %dma_wait3A_209 = arith.constant 0 : i32
      %dma_wait3A_210 = tpu.memref_slice %arg2[%add3A, %dma_wait3A_208, %dma_wait3A_209] : memref<32x125x80xi32, #tpu.memory_space<hbm>> -> memref<1x125x80xi32, #tpu.memory_space<hbm>>
      %dma_wait3A_211 = tpu.memref_squeeze %dma_wait3A_210 : memref<1x125x80xi32, #tpu.memory_space<hbm>> -> memref<125x80xi32, #tpu.memory_space<hbm>>
      tpu.wait_dma2 semaphore(%run_scoped3A : memref<!tpu.dma_semaphore, #tpu.memory_space<semaphore_mem>>) src(%dma_wait3A_211 : memref<125x80xi32, #tpu.memory_space<hbm>>) dst(%arg7 : memref<125x80xi32, #tpu.memory_space<vmem>>)
      tpu.yield
    }) : () -> ()
    %mul3A_183 = arith.constant 640 : i32
    %mul3A_184 = arith.muli %arg1, %mul3A_183 : i32
    "tpu.region"() ({
      %run_scoped3A = tpu.sem_alloc : memref<!tpu.dma_semaphore, #tpu.memory_space<semaphore_mem>>
      %dma_start3A = tpu.memref_slice %arg4[%mul3A_184] : memref<10240xf32, #tpu.memory_space<vmem_shared>> -> memref<640xf32, #tpu.memory_space<vmem_shared>>
      %dma_start3A_198 = tpu.memref_slice %arg4[%mul3A_184] : memref<10240xf32, #tpu.memory_space<vmem_shared>> -> memref<640xf32, #tpu.memory_space<vmem_shared>>
      tpu.enqueue_dma source(%arg6 : memref<640xf32, #tpu.memory_space<vmem>>) target(%dma_start3A_198 : memref<640xf32, #tpu.memory_space<vmem_shared>>) target_semaphore(%run_scoped3A : memref<!tpu.dma_semaphore, #tpu.memory_space<semaphore_mem>>)
      %dma_wait3A = tpu.memref_slice %arg4[%mul3A_184] : memref<10240xf32, #tpu.memory_space<vmem_shared>> -> memref<640xf32, #tpu.memory_space<vmem_shared>>
      %dma_wait3A_199 = tpu.memref_slice %arg4[%mul3A_184] : memref<10240xf32, #tpu.memory_space<vmem_shared>> -> memref<640xf32, #tpu.memory_space<vmem_shared>>
      tpu.wait_dma2 semaphore(%run_scoped3A : memref<!tpu.dma_semaphore, #tpu.memory_space<semaphore_mem>>) src(%arg6 : memref<640xf32, #tpu.memory_space<vmem>>) dst(%dma_wait3A_199 : memref<640xf32, #tpu.memory_space<vmem_shared>>)
      tpu.yield
    }) : () -> ()
    %barrier3A = arith.constant 0 : index
    tpu.barrier barrier_id(%barrier3A)
    %scan3A = arith.constant 0 : i32
    %scan3A_185 = arith.constant 0 : i32
    %scan3A_186 = arith.constant 125 : i32
    %scan3A_187 = arith.addi %scan3A_185, %scan3A_186 : i32
    %scan3A_188 = arith.constant 1 : i32
    scf.for %scan3A_198 = %scan3A_185 to %scan3A_187 step %scan3A_188  : i32 {
      "tpu.region"() ({
        %run_scoped3A = tpu.sem_alloc : memref<!tpu.dma_semaphore, #tpu.memory_space<semaphore_mem>>
        %dma_start3A = arith.constant 0 : i32
        %dma_start3A_199 = tpu.memref_slice %arg7[%scan3A_198, %dma_start3A] : memref<125x80xi32, #tpu.memory_space<vmem>> -> memref<1x80xi32, #tpu.memory_space<vmem>>
        %dma_start3A_200 = tpu.memref_squeeze %dma_start3A_199 : memref<1x80xi32, #tpu.memory_space<vmem>> -> memref<80xi32, #tpu.memory_space<vmem>>
        %dma_start3A_201 = arith.constant 0 : i32
        %dma_start3A_202 = tpu.memref_slice %arg4[%dma_start3A_201] : memref<10240xf32, #tpu.memory_space<vmem_shared>> -> memref<10240xf32, #tpu.memory_space<vmem_shared>>
        tpu.enqueue_indirect_dma source(%arg5 : memref<80xf32, #tpu.memory_space<vmem>>) target(%dma_start3A_202 : memref<10240xf32, #tpu.memory_space<vmem_shared>>) offsets(%dma_start3A_200 : memref<80xi32, #tpu.memory_space<vmem>>) semaphore(%run_scoped3A : memref<!tpu.dma_semaphore, #tpu.memory_space<semaphore_mem>>) {add = true}
        %dma_wait3A = arith.constant 0 : i32
        %dma_wait3A_203 = tpu.memref_slice %arg7[%scan3A_198, %dma_wait3A] : memref<125x80xi32, #tpu.memory_space<vmem>> -> memref<1x80xi32, #tpu.memory_space<vmem>>
        %dma_wait3A_204 = tpu.memref_squeeze %dma_wait3A_203 : memref<1x80xi32, #tpu.memory_space<vmem>> -> memref<80xi32, #tpu.memory_space<vmem>>
        %dma_wait3A_205 = arith.constant 0 : i32
        %dma_wait3A_206 = tpu.memref_slice %arg4[%dma_wait3A_205] : memref<10240xf32, #tpu.memory_space<vmem_shared>> -> memref<10240xf32, #tpu.memory_space<vmem_shared>>
        tpu.wait_indirect_dma semaphore(%run_scoped3A : memref<!tpu.dma_semaphore, #tpu.memory_space<semaphore_mem>>) src(%arg5 : memref<80xf32, #tpu.memory_space<vmem>>) dst(%dma_wait3A_206 : memref<10240xf32, #tpu.memory_space<vmem_shared>>)
        tpu.yield
      }) : () -> ()
    }
    %scan3A_189 = arith.constant 125 : i32
    %barrier3A_190 = arith.constant 0 : index
    tpu.barrier barrier_id(%barrier3A_190)
    %mul3A_191 = arith.constant 640 : i32
    %mul3A_192 = arith.muli %arg1, %mul3A_191 : i32
    %mul3A_193 = arith.constant 10240 : i32
    %mul3A_194 = arith.muli %arg0, %mul3A_193 : i32
    %mul3A_195 = arith.constant 640 : i32
    %mul3A_196 = arith.muli %arg1, %mul3A_195 : i32
    %add3A_197 = arith.addi %mul3A_194, %mul3A_196 : i32
    "tpu.region"() ({
      %run_scoped3A = tpu.sem_alloc : memref<!tpu.dma_semaphore, #tpu.memory_space<semaphore_mem>>
      %dma_start3A = tpu.memref_slice %arg3[%add3A_197] : memref<20480xf32, #tpu.memory_space<hbm>> -> memref<640xf32, #tpu.memory_space<hbm>>
      %dma_start3A_198 = tpu.memref_slice %arg4[%mul3A_192] : memref<10240xf32, #tpu.memory_space<vmem_shared>> -> memref<640xf32, #tpu.memory_space<vmem_shared>>
      tpu.enqueue_dma source(%dma_start3A_198 : memref<640xf32, #tpu.memory_space<vmem_shared>>) target(%dma_start3A : memref<640xf32, #tpu.memory_space<hbm>>) target_semaphore(%run_scoped3A : memref<!tpu.dma_semaphore, #tpu.memory_space<semaphore_mem>>)
      %dma_wait3A = tpu.memref_slice %arg3[%add3A_197] : memref<20480xf32, #tpu.memory_space<hbm>> -> memref<640xf32, #tpu.memory_space<hbm>>
      %dma_wait3A_199 = tpu.memref_slice %arg4[%mul3A_192] : memref<10240xf32, #tpu.memory_space<vmem_shared>> -> memref<640xf32, #tpu.memory_space<vmem_shared>>
      tpu.wait_dma2 semaphore(%run_scoped3A : memref<!tpu.dma_semaphore, #tpu.memory_space<semaphore_mem>>) src(%dma_wait3A_199 : memref<640xf32, #tpu.memory_space<vmem_shared>>) dst(%dma_wait3A : memref<640xf32, #tpu.memory_space<hbm>>)
      tpu.yield
    }) : () -> ()
    return
  }
}

#map = affine_map<(d0, d1) -> (0, 0)>
#map1 = affine_map<(d0, d1) -> (0, 0, 0)>
module attributes {stable_mosaic.version = 14 : i64} {
  func.func @_sc_agg_body(%arg0: i32, %arg1: i32, %arg2: memref<10000x128xf32, #tpu.memory_space<hbm>>, %arg3: memref<32x10000xi32, #tpu.memory_space<hbm>>, %arg4: memref<32x125x80xi32, #tpu.memory_space<hbm>>, %arg5: memref<20000x128xf32, #tpu.memory_space<hbm>>, %arg6: memref<10000x128xf32, #tpu.memory_space<vmem_shared>>, %arg7: memref<10000xi32, #tpu.memory_space<vmem>>, %arg8: memref<125x80xi32, #tpu.memory_space<vmem>>, %arg9: memref<80x128xf32, #tpu.memory_space<vmem>>, %arg10: memref<80x128xf32, #tpu.memory_space<vmem>>, %arg11: memref<!tpu.dma_semaphore, #tpu.memory_space<semaphore_mem>>, %arg12: memref<!tpu.dma_semaphore, #tpu.memory_space<semaphore_mem>>, %arg13: memref<!tpu.dma_semaphore, #tpu.memory_space<semaphore_mem>>, %arg14: memref<!tpu.dma_semaphore, #tpu.memory_space<semaphore_mem>>) attributes {dimension_semantics = [#tpu.dimension_semantics<core_parallel>, #tpu.dimension_semantics<subcore_parallel>], iteration_bounds = array<i64: 2, 16>, scalar_prefetch = 0 : i64, scratch_operands = 9 : i64, tpu.core_type = #tpu.core_type<sc_vector_subcore>, window_params = [{transform_indices = #map}, {transform_indices = #map}, {transform_indices = #map1}, {transform_indices = #map}]} {
    %mul3A = arith.constant 16 : i32
    %mul3A_0 = arith.muli %arg0, %mul3A : i32
    %add3A = arith.addi %mul3A_0, %arg1 : i32
    "tpu.region"() ({
      %run_scoped3A = tpu.sem_alloc : memref<!tpu.dma_semaphore, #tpu.memory_space<semaphore_mem>>
      %dma_start3A_34 = arith.constant 0 : i32
      %dma_start3A_35 = tpu.memref_slice %arg3[%add3A, %dma_start3A_34] : memref<32x10000xi32, #tpu.memory_space<hbm>> -> memref<1x10000xi32, #tpu.memory_space<hbm>>
      %dma_start3A_36 = tpu.memref_squeeze %dma_start3A_35 : memref<1x10000xi32, #tpu.memory_space<hbm>> -> memref<10000xi32, #tpu.memory_space<hbm>>
      %dma_start3A_37 = arith.constant 0 : i32
      %dma_start3A_38 = tpu.memref_slice %arg3[%add3A, %dma_start3A_37] : memref<32x10000xi32, #tpu.memory_space<hbm>> -> memref<1x10000xi32, #tpu.memory_space<hbm>>
      %dma_start3A_39 = tpu.memref_squeeze %dma_start3A_38 : memref<1x10000xi32, #tpu.memory_space<hbm>> -> memref<10000xi32, #tpu.memory_space<hbm>>
      tpu.enqueue_dma source(%dma_start3A_39 : memref<10000xi32, #tpu.memory_space<hbm>>) target(%arg7 : memref<10000xi32, #tpu.memory_space<vmem>>) target_semaphore(%run_scoped3A : memref<!tpu.dma_semaphore, #tpu.memory_space<semaphore_mem>>)
      %dma_wait3A_40 = arith.constant 0 : i32
      %dma_wait3A_41 = tpu.memref_slice %arg3[%add3A, %dma_wait3A_40] : memref<32x10000xi32, #tpu.memory_space<hbm>> -> memref<1x10000xi32, #tpu.memory_space<hbm>>
      %dma_wait3A_42 = tpu.memref_squeeze %dma_wait3A_41 : memref<1x10000xi32, #tpu.memory_space<hbm>> -> memref<10000xi32, #tpu.memory_space<hbm>>
      %dma_wait3A_43 = arith.constant 0 : i32
      %dma_wait3A_44 = tpu.memref_slice %arg3[%add3A, %dma_wait3A_43] : memref<32x10000xi32, #tpu.memory_space<hbm>> -> memref<1x10000xi32, #tpu.memory_space<hbm>>
      %dma_wait3A_45 = tpu.memref_squeeze %dma_wait3A_44 : memref<1x10000xi32, #tpu.memory_space<hbm>> -> memref<10000xi32, #tpu.memory_space<hbm>>
      tpu.wait_dma2 semaphore(%run_scoped3A : memref<!tpu.dma_semaphore, #tpu.memory_space<semaphore_mem>>) src(%dma_wait3A_45 : memref<10000xi32, #tpu.memory_space<hbm>>) dst(%arg7 : memref<10000xi32, #tpu.memory_space<vmem>>)
      tpu.yield
    }) : () -> ()
    "tpu.region"() ({
      %run_scoped3A = tpu.sem_alloc : memref<!tpu.dma_semaphore, #tpu.memory_space<semaphore_mem>>
      %dma_start3A_34 = arith.constant 0 : i32
      %dma_start3A_35 = arith.constant 0 : i32
      %dma_start3A_36 = tpu.memref_slice %arg4[%add3A, %dma_start3A_34, %dma_start3A_35] : memref<32x125x80xi32, #tpu.memory_space<hbm>> -> memref<1x125x80xi32, #tpu.memory_space<hbm>>
      %dma_start3A_37 = tpu.memref_squeeze %dma_start3A_36 : memref<1x125x80xi32, #tpu.memory_space<hbm>> -> memref<125x80xi32, #tpu.memory_space<hbm>>
      %dma_start3A_38 = arith.constant 0 : i32
      %dma_start3A_39 = arith.constant 0 : i32
      %dma_start3A_40 = tpu.memref_slice %arg4[%add3A, %dma_start3A_38, %dma_start3A_39] : memref<32x125x80xi32, #tpu.memory_space<hbm>> -> memref<1x125x80xi32, #tpu.memory_space<hbm>>
      %dma_start3A_41 = tpu.memref_squeeze %dma_start3A_40 : memref<1x125x80xi32, #tpu.memory_space<hbm>> -> memref<125x80xi32, #tpu.memory_space<hbm>>
      tpu.enqueue_dma source(%dma_start3A_41 : memref<125x80xi32, #tpu.memory_space<hbm>>) target(%arg8 : memref<125x80xi32, #tpu.memory_space<vmem>>) target_semaphore(%run_scoped3A : memref<!tpu.dma_semaphore, #tpu.memory_space<semaphore_mem>>)
      %dma_wait3A_42 = arith.constant 0 : i32
      %dma_wait3A_43 = arith.constant 0 : i32
      %dma_wait3A_44 = tpu.memref_slice %arg4[%add3A, %dma_wait3A_42, %dma_wait3A_43] : memref<32x125x80xi32, #tpu.memory_space<hbm>> -> memref<1x125x80xi32, #tpu.memory_space<hbm>>
      %dma_wait3A_45 = tpu.memref_squeeze %dma_wait3A_44 : memref<1x125x80xi32, #tpu.memory_space<hbm>> -> memref<125x80xi32, #tpu.memory_space<hbm>>
      %dma_wait3A_46 = arith.constant 0 : i32
      %dma_wait3A_47 = arith.constant 0 : i32
      %dma_wait3A_48 = tpu.memref_slice %arg4[%add3A, %dma_wait3A_46, %dma_wait3A_47] : memref<32x125x80xi32, #tpu.memory_space<hbm>> -> memref<1x125x80xi32, #tpu.memory_space<hbm>>
      %dma_wait3A_49 = tpu.memref_squeeze %dma_wait3A_48 : memref<1x125x80xi32, #tpu.memory_space<hbm>> -> memref<125x80xi32, #tpu.memory_space<hbm>>
      tpu.wait_dma2 semaphore(%run_scoped3A : memref<!tpu.dma_semaphore, #tpu.memory_space<semaphore_mem>>) src(%dma_wait3A_49 : memref<125x80xi32, #tpu.memory_space<hbm>>) dst(%arg8 : memref<125x80xi32, #tpu.memory_space<vmem>>)
      tpu.yield
    }) : () -> ()
    %mul3A_1 = arith.constant 624 : i32
    %mul3A_2 = arith.muli %arg1, %mul3A_1 : i32
    "tpu.region"() ({
      %run_scoped3A = tpu.sem_alloc : memref<!tpu.dma_semaphore, #tpu.memory_space<semaphore_mem>>
      %dma_start3A_34 = arith.constant 0 : i32
      %dma_start3A_35 = tpu.memref_slice %arg6[%mul3A_2, %dma_start3A_34] : memref<10000x128xf32, #tpu.memory_space<vmem_shared>> -> memref<624x128xf32, #tpu.memory_space<vmem_shared>>
      %dma_start3A_36 = arith.constant 0 : i32
      %dma_start3A_37 = tpu.memref_slice %arg2[%mul3A_2, %dma_start3A_36] : memref<10000x128xf32, #tpu.memory_space<hbm>> -> memref<624x128xf32, #tpu.memory_space<hbm>>
      tpu.enqueue_dma source(%dma_start3A_37 : memref<624x128xf32, #tpu.memory_space<hbm>>) target(%dma_start3A_35 : memref<624x128xf32, #tpu.memory_space<vmem_shared>>) target_semaphore(%run_scoped3A : memref<!tpu.dma_semaphore, #tpu.memory_space<semaphore_mem>>)
      %dma_wait3A_38 = arith.constant 0 : i32
      %dma_wait3A_39 = tpu.memref_slice %arg6[%mul3A_2, %dma_wait3A_38] : memref<10000x128xf32, #tpu.memory_space<vmem_shared>> -> memref<624x128xf32, #tpu.memory_space<vmem_shared>>
      %dma_wait3A_40 = arith.constant 0 : i32
      %dma_wait3A_41 = tpu.memref_slice %arg2[%mul3A_2, %dma_wait3A_40] : memref<10000x128xf32, #tpu.memory_space<hbm>> -> memref<624x128xf32, #tpu.memory_space<hbm>>
      tpu.wait_dma2 semaphore(%run_scoped3A : memref<!tpu.dma_semaphore, #tpu.memory_space<semaphore_mem>>) src(%dma_wait3A_41 : memref<624x128xf32, #tpu.memory_space<hbm>>) dst(%dma_wait3A_39 : memref<624x128xf32, #tpu.memory_space<vmem_shared>>)
      tpu.yield
    }) : () -> ()
    %eq3A = arith.constant 0 : i32
    %eq3A_3 = arith.cmpi eq, %arg1, %eq3A : i32
    %convert_element_type3A = arith.extui %eq3A_3 : i1 to i32
    %cond3A = arith.constant 0 : i32
    %cond3A_4 = arith.cmpi ne, %convert_element_type3A, %cond3A : i32
    scf.if %cond3A_4 {
      "tpu.region"() ({
        %run_scoped3A = tpu.sem_alloc : memref<!tpu.dma_semaphore, #tpu.memory_space<semaphore_mem>>
        %dma_start3A_34 = arith.constant 9984 : i32
        %dma_start3A_35 = arith.constant 0 : i32
        %dma_start3A_36 = tpu.memref_slice %arg6[%dma_start3A_34, %dma_start3A_35] : memref<10000x128xf32, #tpu.memory_space<vmem_shared>> -> memref<16x128xf32, #tpu.memory_space<vmem_shared>>
        %dma_start3A_37 = arith.constant 9984 : i32
        %dma_start3A_38 = arith.constant 0 : i32
        %dma_start3A_39 = tpu.memref_slice %arg2[%dma_start3A_37, %dma_start3A_38] : memref<10000x128xf32, #tpu.memory_space<hbm>> -> memref<16x128xf32, #tpu.memory_space<hbm>>
        tpu.enqueue_dma source(%dma_start3A_39 : memref<16x128xf32, #tpu.memory_space<hbm>>) target(%dma_start3A_36 : memref<16x128xf32, #tpu.memory_space<vmem_shared>>) target_semaphore(%run_scoped3A : memref<!tpu.dma_semaphore, #tpu.memory_space<semaphore_mem>>)
        %dma_wait3A_40 = arith.constant 9984 : i32
        %dma_wait3A_41 = arith.constant 0 : i32
        %dma_wait3A_42 = tpu.memref_slice %arg6[%dma_wait3A_40, %dma_wait3A_41] : memref<10000x128xf32, #tpu.memory_space<vmem_shared>> -> memref<16x128xf32, #tpu.memory_space<vmem_shared>>
        %dma_wait3A_43 = arith.constant 9984 : i32
        %dma_wait3A_44 = arith.constant 0 : i32
        %dma_wait3A_45 = tpu.memref_slice %arg2[%dma_wait3A_43, %dma_wait3A_44] : memref<10000x128xf32, #tpu.memory_space<hbm>> -> memref<16x128xf32, #tpu.memory_space<hbm>>
        tpu.wait_dma2 semaphore(%run_scoped3A : memref<!tpu.dma_semaphore, #tpu.memory_space<semaphore_mem>>) src(%dma_wait3A_45 : memref<16x128xf32, #tpu.memory_space<hbm>>) dst(%dma_wait3A_42 : memref<16x128xf32, #tpu.memory_space<vmem_shared>>)
        tpu.yield
      }) : () -> ()
    } else {
    }
    %barrier3A = arith.constant 0 : index
    tpu.barrier barrier_id(%barrier3A)
    %dma_start3A = arith.constant 0 : i32
    %dma_start3A_5 = tpu.memref_slice %arg7[%dma_start3A] : memref<10000xi32, #tpu.memory_space<vmem>> -> memref<80xi32, #tpu.memory_space<vmem>>
    %dma_start3A_6 = arith.constant 0 : i32
    %dma_start3A_7 = arith.constant 0 : i32
    %dma_start3A_8 = tpu.memref_slice %arg2[%dma_start3A_6, %dma_start3A_7] : memref<10000x128xf32, #tpu.memory_space<hbm>> -> memref<10000x128xf32, #tpu.memory_space<hbm>>
    tpu.enqueue_indirect_dma source(%dma_start3A_8 : memref<10000x128xf32, #tpu.memory_space<hbm>>) target(%arg9 : memref<80x128xf32, #tpu.memory_space<vmem>>) offsets(%dma_start3A_5 : memref<80xi32, #tpu.memory_space<vmem>>) semaphore(%arg11 : memref<!tpu.dma_semaphore, #tpu.memory_space<semaphore_mem>>)
    %scan3A = arith.constant 0 : i32
    %scan3A_9 = arith.constant 0 : i32
    %scan3A_10 = arith.constant 63 : i32
    %scan3A_11 = arith.addi %scan3A_9, %scan3A_10 : i32
    %scan3A_12 = arith.constant 1 : i32
    scf.for %scan3A_34 = %scan3A_9 to %scan3A_11 step %scan3A_12  : i32 {
      %mul3A_35 = arith.constant 2 : i32
      %mul3A_36 = arith.muli %scan3A_34, %mul3A_35 : i32
      %add3A_37 = arith.constant 0 : i32
      %add3A_38 = arith.addi %mul3A_36, %add3A_37 : i32
      %add3A_39 = arith.constant 1 : i32
      %add3A_40 = arith.addi %add3A_38, %add3A_39 : i32
      %lt3A = arith.constant 125 : i32
      %lt3A_41 = arith.cmpi slt, %add3A_40, %lt3A : i32
      %convert_element_type3A_42 = arith.extui %lt3A_41 : i1 to i32
      %cond3A_43 = arith.constant 0 : i32
      %cond3A_44 = arith.cmpi ne, %convert_element_type3A_42, %cond3A_43 : i32
      scf.if %cond3A_44 {
        %ge3A = arith.constant 1 : i32
        %ge3A_64 = arith.cmpi sge, %add3A_38, %ge3A : i32
        %convert_element_type3A_65 = arith.extui %ge3A_64 : i1 to i32
        %cond3A_66 = arith.constant 0 : i32
        %cond3A_67 = arith.cmpi ne, %convert_element_type3A_65, %cond3A_66 : i32
        scf.if %cond3A_67 {
          %dma_wait3A_76 = arith.constant 0 : i32
          %dma_wait3A_77 = arith.constant 0 : i32
          %dma_wait3A_78 = tpu.memref_slice %arg2[%dma_wait3A_76, %dma_wait3A_77] : memref<10000x128xf32, #tpu.memory_space<hbm>> -> memref<80x128xf32, #tpu.memory_space<hbm>>
          %dma_wait3A_79 = arith.constant 0 : i32
          %dma_wait3A_80 = arith.constant 0 : i32
          %dma_wait3A_81 = tpu.memref_slice %arg2[%dma_wait3A_79, %dma_wait3A_80] : memref<10000x128xf32, #tpu.memory_space<hbm>> -> memref<80x128xf32, #tpu.memory_space<hbm>>
          tpu.wait_dma2 semaphore(%arg14 : memref<!tpu.dma_semaphore, #tpu.memory_space<semaphore_mem>>) src(%dma_wait3A_81 : memref<80x128xf32, #tpu.memory_space<hbm>>) dst(%arg10 : memref<80x128xf32, #tpu.memory_space<vmem>>)
        } else {
        }
        %add3A_68 = arith.constant 1 : i32
        %add3A_69 = arith.addi %add3A_38, %add3A_68 : i32
        %mul3A_70 = arith.constant 80 : i32
        %mul3A_71 = arith.muli %add3A_69, %mul3A_70 : i32
        %dma_start3A_72 = tpu.memref_slice %arg7[%mul3A_71] : memref<10000xi32, #tpu.memory_space<vmem>> -> memref<80xi32, #tpu.memory_space<vmem>>
        %dma_start3A_73 = arith.constant 0 : i32
        %dma_start3A_74 = arith.constant 0 : i32
        %dma_start3A_75 = tpu.memref_slice %arg2[%dma_start3A_73, %dma_start3A_74] : memref<10000x128xf32, #tpu.memory_space<hbm>> -> memref<10000x128xf32, #tpu.memory_space<hbm>>
        tpu.enqueue_indirect_dma source(%dma_start3A_75 : memref<10000x128xf32, #tpu.memory_space<hbm>>) target(%arg10 : memref<80x128xf32, #tpu.memory_space<vmem>>) offsets(%dma_start3A_72 : memref<80xi32, #tpu.memory_space<vmem>>) semaphore(%arg12 : memref<!tpu.dma_semaphore, #tpu.memory_space<semaphore_mem>>)
      } else {
      }
      %lt3A_45 = arith.constant 125 : i32
      %lt3A_46 = arith.cmpi slt, %add3A_38, %lt3A_45 : i32
      %convert_element_type3A_47 = arith.extui %lt3A_46 : i1 to i32
      %cond3A_48 = arith.constant 0 : i32
      %cond3A_49 = arith.cmpi ne, %convert_element_type3A_47, %cond3A_48 : i32
      scf.if %cond3A_49 {
        %dma_wait3A_64 = arith.constant 0 : i32
        %dma_wait3A_65 = arith.constant 0 : i32
        %dma_wait3A_66 = tpu.memref_slice %arg2[%dma_wait3A_64, %dma_wait3A_65] : memref<10000x128xf32, #tpu.memory_space<hbm>> -> memref<80x128xf32, #tpu.memory_space<hbm>>
        %dma_wait3A_67 = arith.constant 0 : i32
        %dma_wait3A_68 = arith.constant 0 : i32
        %dma_wait3A_69 = tpu.memref_slice %arg2[%dma_wait3A_67, %dma_wait3A_68] : memref<10000x128xf32, #tpu.memory_space<hbm>> -> memref<80x128xf32, #tpu.memory_space<hbm>>
        tpu.wait_dma2 semaphore(%arg11 : memref<!tpu.dma_semaphore, #tpu.memory_space<semaphore_mem>>) src(%dma_wait3A_69 : memref<80x128xf32, #tpu.memory_space<hbm>>) dst(%arg9 : memref<80x128xf32, #tpu.memory_space<vmem>>)
        %dma_start3A_70 = arith.constant 0 : i32
        %dma_start3A_71 = tpu.memref_slice %arg8[%add3A_38, %dma_start3A_70] : memref<125x80xi32, #tpu.memory_space<vmem>> -> memref<1x80xi32, #tpu.memory_space<vmem>>
        %dma_start3A_72 = tpu.memref_squeeze %dma_start3A_71 : memref<1x80xi32, #tpu.memory_space<vmem>> -> memref<80xi32, #tpu.memory_space<vmem>>
        %dma_start3A_73 = arith.constant 0 : i32
        %dma_start3A_74 = arith.constant 0 : i32
        %dma_start3A_75 = tpu.memref_slice %arg6[%dma_start3A_73, %dma_start3A_74] : memref<10000x128xf32, #tpu.memory_space<vmem_shared>> -> memref<10000x128xf32, #tpu.memory_space<vmem_shared>>
        tpu.enqueue_indirect_dma source(%arg9 : memref<80x128xf32, #tpu.memory_space<vmem>>) target(%dma_start3A_75 : memref<10000x128xf32, #tpu.memory_space<vmem_shared>>) offsets(%dma_start3A_72 : memref<80xi32, #tpu.memory_space<vmem>>) semaphore(%arg13 : memref<!tpu.dma_semaphore, #tpu.memory_space<semaphore_mem>>) {add = true}
      } else {
      }
      %add3A_50 = arith.constant 1 : i32
      %add3A_51 = arith.addi %mul3A_36, %add3A_50 : i32
      %add3A_52 = arith.constant 1 : i32
      %add3A_53 = arith.addi %add3A_51, %add3A_52 : i32
      %lt3A_54 = arith.constant 125 : i32
      %lt3A_55 = arith.cmpi slt, %add3A_53, %lt3A_54 : i32
      %convert_element_type3A_56 = arith.extui %lt3A_55 : i1 to i32
      %cond3A_57 = arith.constant 0 : i32
      %cond3A_58 = arith.cmpi ne, %convert_element_type3A_56, %cond3A_57 : i32
      scf.if %cond3A_58 {
        %ge3A = arith.constant 1 : i32
        %ge3A_64 = arith.cmpi sge, %add3A_51, %ge3A : i32
        %convert_element_type3A_65 = arith.extui %ge3A_64 : i1 to i32
        %cond3A_66 = arith.constant 0 : i32
        %cond3A_67 = arith.cmpi ne, %convert_element_type3A_65, %cond3A_66 : i32
        scf.if %cond3A_67 {
          %dma_wait3A_76 = arith.constant 0 : i32
          %dma_wait3A_77 = arith.constant 0 : i32
          %dma_wait3A_78 = tpu.memref_slice %arg2[%dma_wait3A_76, %dma_wait3A_77] : memref<10000x128xf32, #tpu.memory_space<hbm>> -> memref<80x128xf32, #tpu.memory_space<hbm>>
          %dma_wait3A_79 = arith.constant 0 : i32
          %dma_wait3A_80 = arith.constant 0 : i32
          %dma_wait3A_81 = tpu.memref_slice %arg2[%dma_wait3A_79, %dma_wait3A_80] : memref<10000x128xf32, #tpu.memory_space<hbm>> -> memref<80x128xf32, #tpu.memory_space<hbm>>
          tpu.wait_dma2 semaphore(%arg13 : memref<!tpu.dma_semaphore, #tpu.memory_space<semaphore_mem>>) src(%dma_wait3A_81 : memref<80x128xf32, #tpu.memory_space<hbm>>) dst(%arg9 : memref<80x128xf32, #tpu.memory_space<vmem>>)
        } else {
        }
        %add3A_68 = arith.constant 1 : i32
        %add3A_69 = arith.addi %add3A_51, %add3A_68 : i32
        %mul3A_70 = arith.constant 80 : i32
        %mul3A_71 = arith.muli %add3A_69, %mul3A_70 : i32
        %dma_start3A_72 = tpu.memref_slice %arg7[%mul3A_71] : memref<10000xi32, #tpu.memory_space<vmem>> -> memref<80xi32, #tpu.memory_space<vmem>>
        %dma_start3A_73 = arith.constant 0 : i32
        %dma_start3A_74 = arith.constant 0 : i32
        %dma_start3A_75 = tpu.memref_slice %arg2[%dma_start3A_73, %dma_start3A_74] : memref<10000x128xf32, #tpu.memory_space<hbm>> -> memref<10000x128xf32, #tpu.memory_space<hbm>>
        tpu.enqueue_indirect_dma source(%dma_start3A_75 : memref<10000x128xf32, #tpu.memory_space<hbm>>) target(%arg9 : memref<80x128xf32, #tpu.memory_space<vmem>>) offsets(%dma_start3A_72 : memref<80xi32, #tpu.memory_space<vmem>>) semaphore(%arg11 : memref<!tpu.dma_semaphore, #tpu.memory_space<semaphore_mem>>)
      } else {
      }
      %lt3A_59 = arith.constant 125 : i32
      %lt3A_60 = arith.cmpi slt, %add3A_51, %lt3A_59 : i32
      %convert_element_type3A_61 = arith.extui %lt3A_60 : i1 to i32
      %cond3A_62 = arith.constant 0 : i32
      %cond3A_63 = arith.cmpi ne, %convert_element_type3A_61, %cond3A_62 : i32
      scf.if %cond3A_63 {
        %dma_wait3A_64 = arith.constant 0 : i32
        %dma_wait3A_65 = arith.constant 0 : i32
        %dma_wait3A_66 = tpu.memref_slice %arg2[%dma_wait3A_64, %dma_wait3A_65] : memref<10000x128xf32, #tpu.memory_space<hbm>> -> memref<80x128xf32, #tpu.memory_space<hbm>>
        %dma_wait3A_67 = arith.constant 0 : i32
        %dma_wait3A_68 = arith.constant 0 : i32
        %dma_wait3A_69 = tpu.memref_slice %arg2[%dma_wait3A_67, %dma_wait3A_68] : memref<10000x128xf32, #tpu.memory_space<hbm>> -> memref<80x128xf32, #tpu.memory_space<hbm>>
        tpu.wait_dma2 semaphore(%arg12 : memref<!tpu.dma_semaphore, #tpu.memory_space<semaphore_mem>>) src(%dma_wait3A_69 : memref<80x128xf32, #tpu.memory_space<hbm>>) dst(%arg10 : memref<80x128xf32, #tpu.memory_space<vmem>>)
        %dma_start3A_70 = arith.constant 0 : i32
        %dma_start3A_71 = tpu.memref_slice %arg8[%add3A_51, %dma_start3A_70] : memref<125x80xi32, #tpu.memory_space<vmem>> -> memref<1x80xi32, #tpu.memory_space<vmem>>
        %dma_start3A_72 = tpu.memref_squeeze %dma_start3A_71 : memref<1x80xi32, #tpu.memory_space<vmem>> -> memref<80xi32, #tpu.memory_space<vmem>>
        %dma_start3A_73 = arith.constant 0 : i32
        %dma_start3A_74 = arith.constant 0 : i32
        %dma_start3A_75 = tpu.memref_slice %arg6[%dma_start3A_73, %dma_start3A_74] : memref<10000x128xf32, #tpu.memory_space<vmem_shared>> -> memref<10000x128xf32, #tpu.memory_space<vmem_shared>>
        tpu.enqueue_indirect_dma source(%arg10 : memref<80x128xf32, #tpu.memory_space<vmem>>) target(%dma_start3A_75 : memref<10000x128xf32, #tpu.memory_space<vmem_shared>>) offsets(%dma_start3A_72 : memref<80xi32, #tpu.memory_space<vmem>>) semaphore(%arg14 : memref<!tpu.dma_semaphore, #tpu.memory_space<semaphore_mem>>) {add = true}
      } else {
      }
    }
    %scan3A_13 = arith.constant 63 : i32
    %dma_wait3A = arith.constant 0 : i32
    %dma_wait3A_14 = arith.constant 0 : i32
    %dma_wait3A_15 = tpu.memref_slice %arg2[%dma_wait3A, %dma_wait3A_14] : memref<10000x128xf32, #tpu.memory_space<hbm>> -> memref<80x128xf32, #tpu.memory_space<hbm>>
    %dma_wait3A_16 = arith.constant 0 : i32
    %dma_wait3A_17 = arith.constant 0 : i32
    %dma_wait3A_18 = tpu.memref_slice %arg2[%dma_wait3A_16, %dma_wait3A_17] : memref<10000x128xf32, #tpu.memory_space<hbm>> -> memref<80x128xf32, #tpu.memory_space<hbm>>
    tpu.wait_dma2 semaphore(%arg14 : memref<!tpu.dma_semaphore, #tpu.memory_space<semaphore_mem>>) src(%dma_wait3A_18 : memref<80x128xf32, #tpu.memory_space<hbm>>) dst(%arg10 : memref<80x128xf32, #tpu.memory_space<vmem>>)
    %dma_wait3A_19 = arith.constant 0 : i32
    %dma_wait3A_20 = arith.constant 0 : i32
    %dma_wait3A_21 = tpu.memref_slice %arg2[%dma_wait3A_19, %dma_wait3A_20] : memref<10000x128xf32, #tpu.memory_space<hbm>> -> memref<80x128xf32, #tpu.memory_space<hbm>>
    %dma_wait3A_22 = arith.constant 0 : i32
    %dma_wait3A_23 = arith.constant 0 : i32
    %dma_wait3A_24 = tpu.memref_slice %arg2[%dma_wait3A_22, %dma_wait3A_23] : memref<10000x128xf32, #tpu.memory_space<hbm>> -> memref<80x128xf32, #tpu.memory_space<hbm>>
    tpu.wait_dma2 semaphore(%arg13 : memref<!tpu.dma_semaphore, #tpu.memory_space<semaphore_mem>>) src(%dma_wait3A_24 : memref<80x128xf32, #tpu.memory_space<hbm>>) dst(%arg9 : memref<80x128xf32, #tpu.memory_space<vmem>>)
    %barrier3A_25 = arith.constant 0 : index
    tpu.barrier barrier_id(%barrier3A_25)
    %mul3A_26 = arith.constant 10000 : i32
    %mul3A_27 = arith.muli %arg0, %mul3A_26 : i32
    %add3A_28 = arith.addi %mul3A_27, %mul3A_2 : i32
    "tpu.region"() ({
      %run_scoped3A = tpu.sem_alloc : memref<!tpu.dma_semaphore, #tpu.memory_space<semaphore_mem>>
      %dma_start3A_34 = arith.constant 0 : i32
      %dma_start3A_35 = tpu.memref_slice %arg5[%add3A_28, %dma_start3A_34] : memref<20000x128xf32, #tpu.memory_space<hbm>> -> memref<624x128xf32, #tpu.memory_space<hbm>>
      %dma_start3A_36 = arith.constant 0 : i32
      %dma_start3A_37 = tpu.memref_slice %arg6[%mul3A_2, %dma_start3A_36] : memref<10000x128xf32, #tpu.memory_space<vmem_shared>> -> memref<624x128xf32, #tpu.memory_space<vmem_shared>>
      tpu.enqueue_dma source(%dma_start3A_37 : memref<624x128xf32, #tpu.memory_space<vmem_shared>>) target(%dma_start3A_35 : memref<624x128xf32, #tpu.memory_space<hbm>>) target_semaphore(%run_scoped3A : memref<!tpu.dma_semaphore, #tpu.memory_space<semaphore_mem>>)
      %dma_wait3A_38 = arith.constant 0 : i32
      %dma_wait3A_39 = tpu.memref_slice %arg5[%add3A_28, %dma_wait3A_38] : memref<20000x128xf32, #tpu.memory_space<hbm>> -> memref<624x128xf32, #tpu.memory_space<hbm>>
      %dma_wait3A_40 = arith.constant 0 : i32
      %dma_wait3A_41 = tpu.memref_slice %arg6[%mul3A_2, %dma_wait3A_40] : memref<10000x128xf32, #tpu.memory_space<vmem_shared>> -> memref<624x128xf32, #tpu.memory_space<vmem_shared>>
      tpu.wait_dma2 semaphore(%run_scoped3A : memref<!tpu.dma_semaphore, #tpu.memory_space<semaphore_mem>>) src(%dma_wait3A_41 : memref<624x128xf32, #tpu.memory_space<vmem_shared>>) dst(%dma_wait3A_39 : memref<624x128xf32, #tpu.memory_space<hbm>>)
      tpu.yield
    }) : () -> ()
    %eq3A_29 = arith.constant 0 : i32
    %eq3A_30 = arith.cmpi eq, %arg1, %eq3A_29 : i32
    %convert_element_type3A_31 = arith.extui %eq3A_30 : i1 to i32
    %cond3A_32 = arith.constant 0 : i32
    %cond3A_33 = arith.cmpi ne, %convert_element_type3A_31, %cond3A_32 : i32
    scf.if %cond3A_33 {
      %mul3A_34 = arith.constant 10000 : i32
      %mul3A_35 = arith.muli %arg0, %mul3A_34 : i32
      %add3A_36 = arith.constant 9984 : i32
      %add3A_37 = arith.addi %mul3A_35, %add3A_36 : i32
      "tpu.region"() ({
        %run_scoped3A = tpu.sem_alloc : memref<!tpu.dma_semaphore, #tpu.memory_space<semaphore_mem>>
        %dma_start3A_38 = arith.constant 0 : i32
        %dma_start3A_39 = tpu.memref_slice %arg5[%add3A_37, %dma_start3A_38] : memref<20000x128xf32, #tpu.memory_space<hbm>> -> memref<16x128xf32, #tpu.memory_space<hbm>>
        %dma_start3A_40 = arith.constant 9984 : i32
        %dma_start3A_41 = arith.constant 0 : i32
        %dma_start3A_42 = tpu.memref_slice %arg6[%dma_start3A_40, %dma_start3A_41] : memref<10000x128xf32, #tpu.memory_space<vmem_shared>> -> memref<16x128xf32, #tpu.memory_space<vmem_shared>>
        tpu.enqueue_dma source(%dma_start3A_42 : memref<16x128xf32, #tpu.memory_space<vmem_shared>>) target(%dma_start3A_39 : memref<16x128xf32, #tpu.memory_space<hbm>>) target_semaphore(%run_scoped3A : memref<!tpu.dma_semaphore, #tpu.memory_space<semaphore_mem>>)
        %dma_wait3A_43 = arith.constant 0 : i32
        %dma_wait3A_44 = tpu.memref_slice %arg5[%add3A_37, %dma_wait3A_43] : memref<20000x128xf32, #tpu.memory_space<hbm>> -> memref<16x128xf32, #tpu.memory_space<hbm>>
        %dma_wait3A_45 = arith.constant 9984 : i32
        %dma_wait3A_46 = arith.constant 0 : i32
        %dma_wait3A_47 = tpu.memref_slice %arg6[%dma_wait3A_45, %dma_wait3A_46] : memref<10000x128xf32, #tpu.memory_space<vmem_shared>> -> memref<16x128xf32, #tpu.memory_space<vmem_shared>>
        tpu.wait_dma2 semaphore(%run_scoped3A : memref<!tpu.dma_semaphore, #tpu.memory_space<semaphore_mem>>) src(%dma_wait3A_47 : memref<16x128xf32, #tpu.memory_space<vmem_shared>>) dst(%dma_wait3A_44 : memref<16x128xf32, #tpu.memory_space<hbm>>)
        tpu.yield
      }) : () -> ()
    } else {
    }
    return
  }
}

#map = affine_map<(d0, d1) -> (0, 0)>
#map1 = affine_map<(d0, d1) -> (0, 0, 0)>
module attributes {stable_mosaic.version = 14 : i64} {
  func.func @_sc_agg_body(%arg0: i32, %arg1: i32, %arg2: memref<10000x128xf32, #tpu.memory_space<hbm>>, %arg3: memref<32x10000xi32, #tpu.memory_space<hbm>>, %arg4: memref<32x125x80xi32, #tpu.memory_space<hbm>>, %arg5: memref<20000x128xf32, #tpu.memory_space<hbm>>, %arg6: memref<10000x128xf32, #tpu.memory_space<vmem_shared>>, %arg7: memref<10000xi32, #tpu.memory_space<vmem>>, %arg8: memref<125x80xi32, #tpu.memory_space<vmem>>, %arg9: memref<80x128xf32, #tpu.memory_space<vmem>>, %arg10: memref<80x128xf32, #tpu.memory_space<vmem>>, %arg11: memref<!tpu.dma_semaphore, #tpu.memory_space<semaphore_mem>>, %arg12: memref<!tpu.dma_semaphore, #tpu.memory_space<semaphore_mem>>, %arg13: memref<!tpu.dma_semaphore, #tpu.memory_space<semaphore_mem>>, %arg14: memref<!tpu.dma_semaphore, #tpu.memory_space<semaphore_mem>>) attributes {dimension_semantics = [#tpu.dimension_semantics<core_parallel>, #tpu.dimension_semantics<subcore_parallel>], iteration_bounds = array<i64: 2, 16>, scalar_prefetch = 0 : i64, scratch_operands = 9 : i64, tpu.core_type = #tpu.core_type<sc_vector_subcore>, window_params = [{transform_indices = #map}, {transform_indices = #map}, {transform_indices = #map1}, {transform_indices = #map}]} {
    %mul3A = arith.constant 16 : i32
    %mul3A_0 = arith.muli %arg0, %mul3A : i32
    %add3A = arith.addi %mul3A_0, %arg1 : i32
    "tpu.region"() ({
      %run_scoped3A = tpu.sem_alloc : memref<!tpu.dma_semaphore, #tpu.memory_space<semaphore_mem>>
      %dma_start3A_34 = arith.constant 0 : i32
      %dma_start3A_35 = tpu.memref_slice %arg3[%add3A, %dma_start3A_34] : memref<32x10000xi32, #tpu.memory_space<hbm>> -> memref<1x10000xi32, #tpu.memory_space<hbm>>
      %dma_start3A_36 = tpu.memref_squeeze %dma_start3A_35 : memref<1x10000xi32, #tpu.memory_space<hbm>> -> memref<10000xi32, #tpu.memory_space<hbm>>
      %dma_start3A_37 = arith.constant 0 : i32
      %dma_start3A_38 = tpu.memref_slice %arg3[%add3A, %dma_start3A_37] : memref<32x10000xi32, #tpu.memory_space<hbm>> -> memref<1x10000xi32, #tpu.memory_space<hbm>>
      %dma_start3A_39 = tpu.memref_squeeze %dma_start3A_38 : memref<1x10000xi32, #tpu.memory_space<hbm>> -> memref<10000xi32, #tpu.memory_space<hbm>>
      tpu.enqueue_dma source(%dma_start3A_39 : memref<10000xi32, #tpu.memory_space<hbm>>) target(%arg7 : memref<10000xi32, #tpu.memory_space<vmem>>) target_semaphore(%run_scoped3A : memref<!tpu.dma_semaphore, #tpu.memory_space<semaphore_mem>>)
      %dma_wait3A_40 = arith.constant 0 : i32
      %dma_wait3A_41 = tpu.memref_slice %arg3[%add3A, %dma_wait3A_40] : memref<32x10000xi32, #tpu.memory_space<hbm>> -> memref<1x10000xi32, #tpu.memory_space<hbm>>
      %dma_wait3A_42 = tpu.memref_squeeze %dma_wait3A_41 : memref<1x10000xi32, #tpu.memory_space<hbm>> -> memref<10000xi32, #tpu.memory_space<hbm>>
      %dma_wait3A_43 = arith.constant 0 : i32
      %dma_wait3A_44 = tpu.memref_slice %arg3[%add3A, %dma_wait3A_43] : memref<32x10000xi32, #tpu.memory_space<hbm>> -> memref<1x10000xi32, #tpu.memory_space<hbm>>
      %dma_wait3A_45 = tpu.memref_squeeze %dma_wait3A_44 : memref<1x10000xi32, #tpu.memory_space<hbm>> -> memref<10000xi32, #tpu.memory_space<hbm>>
      tpu.wait_dma2 semaphore(%run_scoped3A : memref<!tpu.dma_semaphore, #tpu.memory_space<semaphore_mem>>) src(%dma_wait3A_45 : memref<10000xi32, #tpu.memory_space<hbm>>) dst(%arg7 : memref<10000xi32, #tpu.memory_space<vmem>>)
      tpu.yield
    }) : () -> ()
    "tpu.region"() ({
      %run_scoped3A = tpu.sem_alloc : memref<!tpu.dma_semaphore, #tpu.memory_space<semaphore_mem>>
      %dma_start3A_34 = arith.constant 0 : i32
      %dma_start3A_35 = arith.constant 0 : i32
      %dma_start3A_36 = tpu.memref_slice %arg4[%add3A, %dma_start3A_34, %dma_start3A_35] : memref<32x125x80xi32, #tpu.memory_space<hbm>> -> memref<1x125x80xi32, #tpu.memory_space<hbm>>
      %dma_start3A_37 = tpu.memref_squeeze %dma_start3A_36 : memref<1x125x80xi32, #tpu.memory_space<hbm>> -> memref<125x80xi32, #tpu.memory_space<hbm>>
      %dma_start3A_38 = arith.constant 0 : i32
      %dma_start3A_39 = arith.constant 0 : i32
      %dma_start3A_40 = tpu.memref_slice %arg4[%add3A, %dma_start3A_38, %dma_start3A_39] : memref<32x125x80xi32, #tpu.memory_space<hbm>> -> memref<1x125x80xi32, #tpu.memory_space<hbm>>
      %dma_start3A_41 = tpu.memref_squeeze %dma_start3A_40 : memref<1x125x80xi32, #tpu.memory_space<hbm>> -> memref<125x80xi32, #tpu.memory_space<hbm>>
      tpu.enqueue_dma source(%dma_start3A_41 : memref<125x80xi32, #tpu.memory_space<hbm>>) target(%arg8 : memref<125x80xi32, #tpu.memory_space<vmem>>) target_semaphore(%run_scoped3A : memref<!tpu.dma_semaphore, #tpu.memory_space<semaphore_mem>>)
      %dma_wait3A_42 = arith.constant 0 : i32
      %dma_wait3A_43 = arith.constant 0 : i32
      %dma_wait3A_44 = tpu.memref_slice %arg4[%add3A, %dma_wait3A_42, %dma_wait3A_43] : memref<32x125x80xi32, #tpu.memory_space<hbm>> -> memref<1x125x80xi32, #tpu.memory_space<hbm>>
      %dma_wait3A_45 = tpu.memref_squeeze %dma_wait3A_44 : memref<1x125x80xi32, #tpu.memory_space<hbm>> -> memref<125x80xi32, #tpu.memory_space<hbm>>
      %dma_wait3A_46 = arith.constant 0 : i32
      %dma_wait3A_47 = arith.constant 0 : i32
      %dma_wait3A_48 = tpu.memref_slice %arg4[%add3A, %dma_wait3A_46, %dma_wait3A_47] : memref<32x125x80xi32, #tpu.memory_space<hbm>> -> memref<1x125x80xi32, #tpu.memory_space<hbm>>
      %dma_wait3A_49 = tpu.memref_squeeze %dma_wait3A_48 : memref<1x125x80xi32, #tpu.memory_space<hbm>> -> memref<125x80xi32, #tpu.memory_space<hbm>>
      tpu.wait_dma2 semaphore(%run_scoped3A : memref<!tpu.dma_semaphore, #tpu.memory_space<semaphore_mem>>) src(%dma_wait3A_49 : memref<125x80xi32, #tpu.memory_space<hbm>>) dst(%arg8 : memref<125x80xi32, #tpu.memory_space<vmem>>)
      tpu.yield
    }) : () -> ()
    %mul3A_1 = arith.constant 624 : i32
    %mul3A_2 = arith.muli %arg1, %mul3A_1 : i32
    "tpu.region"() ({
      %run_scoped3A = tpu.sem_alloc : memref<!tpu.dma_semaphore, #tpu.memory_space<semaphore_mem>>
      %dma_start3A_34 = arith.constant 0 : i32
      %dma_start3A_35 = tpu.memref_slice %arg6[%mul3A_2, %dma_start3A_34] : memref<10000x128xf32, #tpu.memory_space<vmem_shared>> -> memref<624x128xf32, #tpu.memory_space<vmem_shared>>
      %dma_start3A_36 = arith.constant 0 : i32
      %dma_start3A_37 = tpu.memref_slice %arg2[%mul3A_2, %dma_start3A_36] : memref<10000x128xf32, #tpu.memory_space<hbm>> -> memref<624x128xf32, #tpu.memory_space<hbm>>
      tpu.enqueue_dma source(%dma_start3A_37 : memref<624x128xf32, #tpu.memory_space<hbm>>) target(%dma_start3A_35 : memref<624x128xf32, #tpu.memory_space<vmem_shared>>) target_semaphore(%run_scoped3A : memref<!tpu.dma_semaphore, #tpu.memory_space<semaphore_mem>>)
      %dma_wait3A_38 = arith.constant 0 : i32
      %dma_wait3A_39 = tpu.memref_slice %arg6[%mul3A_2, %dma_wait3A_38] : memref<10000x128xf32, #tpu.memory_space<vmem_shared>> -> memref<624x128xf32, #tpu.memory_space<vmem_shared>>
      %dma_wait3A_40 = arith.constant 0 : i32
      %dma_wait3A_41 = tpu.memref_slice %arg2[%mul3A_2, %dma_wait3A_40] : memref<10000x128xf32, #tpu.memory_space<hbm>> -> memref<624x128xf32, #tpu.memory_space<hbm>>
      tpu.wait_dma2 semaphore(%run_scoped3A : memref<!tpu.dma_semaphore, #tpu.memory_space<semaphore_mem>>) src(%dma_wait3A_41 : memref<624x128xf32, #tpu.memory_space<hbm>>) dst(%dma_wait3A_39 : memref<624x128xf32, #tpu.memory_space<vmem_shared>>)
      tpu.yield
    }) : () -> ()
    %eq3A = arith.constant 0 : i32
    %eq3A_3 = arith.cmpi eq, %arg1, %eq3A : i32
    %convert_element_type3A = arith.extui %eq3A_3 : i1 to i32
    %cond3A = arith.constant 0 : i32
    %cond3A_4 = arith.cmpi ne, %convert_element_type3A, %cond3A : i32
    scf.if %cond3A_4 {
      "tpu.region"() ({
        %run_scoped3A = tpu.sem_alloc : memref<!tpu.dma_semaphore, #tpu.memory_space<semaphore_mem>>
        %dma_start3A_34 = arith.constant 9984 : i32
        %dma_start3A_35 = arith.constant 0 : i32
        %dma_start3A_36 = tpu.memref_slice %arg6[%dma_start3A_34, %dma_start3A_35] : memref<10000x128xf32, #tpu.memory_space<vmem_shared>> -> memref<16x128xf32, #tpu.memory_space<vmem_shared>>
        %dma_start3A_37 = arith.constant 9984 : i32
        %dma_start3A_38 = arith.constant 0 : i32
        %dma_start3A_39 = tpu.memref_slice %arg2[%dma_start3A_37, %dma_start3A_38] : memref<10000x128xf32, #tpu.memory_space<hbm>> -> memref<16x128xf32, #tpu.memory_space<hbm>>
        tpu.enqueue_dma source(%dma_start3A_39 : memref<16x128xf32, #tpu.memory_space<hbm>>) target(%dma_start3A_36 : memref<16x128xf32, #tpu.memory_space<vmem_shared>>) target_semaphore(%run_scoped3A : memref<!tpu.dma_semaphore, #tpu.memory_space<semaphore_mem>>)
        %dma_wait3A_40 = arith.constant 9984 : i32
        %dma_wait3A_41 = arith.constant 0 : i32
        %dma_wait3A_42 = tpu.memref_slice %arg6[%dma_wait3A_40, %dma_wait3A_41] : memref<10000x128xf32, #tpu.memory_space<vmem_shared>> -> memref<16x128xf32, #tpu.memory_space<vmem_shared>>
        %dma_wait3A_43 = arith.constant 9984 : i32
        %dma_wait3A_44 = arith.constant 0 : i32
        %dma_wait3A_45 = tpu.memref_slice %arg2[%dma_wait3A_43, %dma_wait3A_44] : memref<10000x128xf32, #tpu.memory_space<hbm>> -> memref<16x128xf32, #tpu.memory_space<hbm>>
        tpu.wait_dma2 semaphore(%run_scoped3A : memref<!tpu.dma_semaphore, #tpu.memory_space<semaphore_mem>>) src(%dma_wait3A_45 : memref<16x128xf32, #tpu.memory_space<hbm>>) dst(%dma_wait3A_42 : memref<16x128xf32, #tpu.memory_space<vmem_shared>>)
        tpu.yield
      }) : () -> ()
    } else {
    }
    %barrier3A = arith.constant 0 : index
    tpu.barrier barrier_id(%barrier3A)
    %dma_start3A = arith.constant 0 : i32
    %dma_start3A_5 = tpu.memref_slice %arg7[%dma_start3A] : memref<10000xi32, #tpu.memory_space<vmem>> -> memref<80xi32, #tpu.memory_space<vmem>>
    %dma_start3A_6 = arith.constant 0 : i32
    %dma_start3A_7 = arith.constant 0 : i32
    %dma_start3A_8 = tpu.memref_slice %arg2[%dma_start3A_6, %dma_start3A_7] : memref<10000x128xf32, #tpu.memory_space<hbm>> -> memref<10000x128xf32, #tpu.memory_space<hbm>>
    tpu.enqueue_indirect_dma source(%dma_start3A_8 : memref<10000x128xf32, #tpu.memory_space<hbm>>) target(%arg9 : memref<80x128xf32, #tpu.memory_space<vmem>>) offsets(%dma_start3A_5 : memref<80xi32, #tpu.memory_space<vmem>>) semaphore(%arg11 : memref<!tpu.dma_semaphore, #tpu.memory_space<semaphore_mem>>)
    %scan3A = arith.constant 0 : i32
    %scan3A_9 = arith.constant 0 : i32
    %scan3A_10 = arith.constant 63 : i32
    %scan3A_11 = arith.addi %scan3A_9, %scan3A_10 : i32
    %scan3A_12 = arith.constant 1 : i32
    scf.for %scan3A_34 = %scan3A_9 to %scan3A_11 step %scan3A_12  : i32 {
      %mul3A_35 = arith.constant 2 : i32
      %mul3A_36 = arith.muli %scan3A_34, %mul3A_35 : i32
      %add3A_37 = arith.constant 0 : i32
      %add3A_38 = arith.addi %mul3A_36, %add3A_37 : i32
      %add3A_39 = arith.constant 1 : i32
      %add3A_40 = arith.addi %add3A_38, %add3A_39 : i32
      %lt3A = arith.constant 125 : i32
      %lt3A_41 = arith.cmpi slt, %add3A_40, %lt3A : i32
      %convert_element_type3A_42 = arith.extui %lt3A_41 : i1 to i32
      %cond3A_43 = arith.constant 0 : i32
      %cond3A_44 = arith.cmpi ne, %convert_element_type3A_42, %cond3A_43 : i32
      scf.if %cond3A_44 {
        %ge3A = arith.constant 1 : i32
        %ge3A_64 = arith.cmpi sge, %add3A_38, %ge3A : i32
        %convert_element_type3A_65 = arith.extui %ge3A_64 : i1 to i32
        %cond3A_66 = arith.constant 0 : i32
        %cond3A_67 = arith.cmpi ne, %convert_element_type3A_65, %cond3A_66 : i32
        scf.if %cond3A_67 {
          %dma_wait3A_76 = arith.constant 0 : i32
          %dma_wait3A_77 = arith.constant 0 : i32
          %dma_wait3A_78 = tpu.memref_slice %arg2[%dma_wait3A_76, %dma_wait3A_77] : memref<10000x128xf32, #tpu.memory_space<hbm>> -> memref<80x128xf32, #tpu.memory_space<hbm>>
          %dma_wait3A_79 = arith.constant 0 : i32
          %dma_wait3A_80 = arith.constant 0 : i32
          %dma_wait3A_81 = tpu.memref_slice %arg2[%dma_wait3A_79, %dma_wait3A_80] : memref<10000x128xf32, #tpu.memory_space<hbm>> -> memref<80x128xf32, #tpu.memory_space<hbm>>
          tpu.wait_dma2 semaphore(%arg14 : memref<!tpu.dma_semaphore, #tpu.memory_space<semaphore_mem>>) src(%dma_wait3A_81 : memref<80x128xf32, #tpu.memory_space<hbm>>) dst(%arg10 : memref<80x128xf32, #tpu.memory_space<vmem>>)
        } else {
        }
        %add3A_68 = arith.constant 1 : i32
        %add3A_69 = arith.addi %add3A_38, %add3A_68 : i32
        %mul3A_70 = arith.constant 80 : i32
        %mul3A_71 = arith.muli %add3A_69, %mul3A_70 : i32
        %dma_start3A_72 = tpu.memref_slice %arg7[%mul3A_71] : memref<10000xi32, #tpu.memory_space<vmem>> -> memref<80xi32, #tpu.memory_space<vmem>>
        %dma_start3A_73 = arith.constant 0 : i32
        %dma_start3A_74 = arith.constant 0 : i32
        %dma_start3A_75 = tpu.memref_slice %arg2[%dma_start3A_73, %dma_start3A_74] : memref<10000x128xf32, #tpu.memory_space<hbm>> -> memref<10000x128xf32, #tpu.memory_space<hbm>>
        tpu.enqueue_indirect_dma source(%dma_start3A_75 : memref<10000x128xf32, #tpu.memory_space<hbm>>) target(%arg10 : memref<80x128xf32, #tpu.memory_space<vmem>>) offsets(%dma_start3A_72 : memref<80xi32, #tpu.memory_space<vmem>>) semaphore(%arg12 : memref<!tpu.dma_semaphore, #tpu.memory_space<semaphore_mem>>)
      } else {
      }
      %lt3A_45 = arith.constant 125 : i32
      %lt3A_46 = arith.cmpi slt, %add3A_38, %lt3A_45 : i32
      %convert_element_type3A_47 = arith.extui %lt3A_46 : i1 to i32
      %cond3A_48 = arith.constant 0 : i32
      %cond3A_49 = arith.cmpi ne, %convert_element_type3A_47, %cond3A_48 : i32
      scf.if %cond3A_49 {
        %dma_wait3A_64 = arith.constant 0 : i32
        %dma_wait3A_65 = arith.constant 0 : i32
        %dma_wait3A_66 = tpu.memref_slice %arg2[%dma_wait3A_64, %dma_wait3A_65] : memref<10000x128xf32, #tpu.memory_space<hbm>> -> memref<80x128xf32, #tpu.memory_space<hbm>>
        %dma_wait3A_67 = arith.constant 0 : i32
        %dma_wait3A_68 = arith.constant 0 : i32
        %dma_wait3A_69 = tpu.memref_slice %arg2[%dma_wait3A_67, %dma_wait3A_68] : memref<10000x128xf32, #tpu.memory_space<hbm>> -> memref<80x128xf32, #tpu.memory_space<hbm>>
        tpu.wait_dma2 semaphore(%arg11 : memref<!tpu.dma_semaphore, #tpu.memory_space<semaphore_mem>>) src(%dma_wait3A_69 : memref<80x128xf32, #tpu.memory_space<hbm>>) dst(%arg9 : memref<80x128xf32, #tpu.memory_space<vmem>>)
        %dma_start3A_70 = arith.constant 0 : i32
        %dma_start3A_71 = tpu.memref_slice %arg8[%add3A_38, %dma_start3A_70] : memref<125x80xi32, #tpu.memory_space<vmem>> -> memref<1x80xi32, #tpu.memory_space<vmem>>
        %dma_start3A_72 = tpu.memref_squeeze %dma_start3A_71 : memref<1x80xi32, #tpu.memory_space<vmem>> -> memref<80xi32, #tpu.memory_space<vmem>>
        %dma_start3A_73 = arith.constant 0 : i32
        %dma_start3A_74 = arith.constant 0 : i32
        %dma_start3A_75 = tpu.memref_slice %arg6[%dma_start3A_73, %dma_start3A_74] : memref<10000x128xf32, #tpu.memory_space<vmem_shared>> -> memref<10000x128xf32, #tpu.memory_space<vmem_shared>>
        tpu.enqueue_indirect_dma source(%arg9 : memref<80x128xf32, #tpu.memory_space<vmem>>) target(%dma_start3A_75 : memref<10000x128xf32, #tpu.memory_space<vmem_shared>>) offsets(%dma_start3A_72 : memref<80xi32, #tpu.memory_space<vmem>>) semaphore(%arg13 : memref<!tpu.dma_semaphore, #tpu.memory_space<semaphore_mem>>) {add = true}
      } else {
      }
      %add3A_50 = arith.constant 1 : i32
      %add3A_51 = arith.addi %mul3A_36, %add3A_50 : i32
      %add3A_52 = arith.constant 1 : i32
      %add3A_53 = arith.addi %add3A_51, %add3A_52 : i32
      %lt3A_54 = arith.constant 125 : i32
      %lt3A_55 = arith.cmpi slt, %add3A_53, %lt3A_54 : i32
      %convert_element_type3A_56 = arith.extui %lt3A_55 : i1 to i32
      %cond3A_57 = arith.constant 0 : i32
      %cond3A_58 = arith.cmpi ne, %convert_element_type3A_56, %cond3A_57 : i32
      scf.if %cond3A_58 {
        %ge3A = arith.constant 1 : i32
        %ge3A_64 = arith.cmpi sge, %add3A_51, %ge3A : i32
        %convert_element_type3A_65 = arith.extui %ge3A_64 : i1 to i32
        %cond3A_66 = arith.constant 0 : i32
        %cond3A_67 = arith.cmpi ne, %convert_element_type3A_65, %cond3A_66 : i32
        scf.if %cond3A_67 {
          %dma_wait3A_76 = arith.constant 0 : i32
          %dma_wait3A_77 = arith.constant 0 : i32
          %dma_wait3A_78 = tpu.memref_slice %arg2[%dma_wait3A_76, %dma_wait3A_77] : memref<10000x128xf32, #tpu.memory_space<hbm>> -> memref<80x128xf32, #tpu.memory_space<hbm>>
          %dma_wait3A_79 = arith.constant 0 : i32
          %dma_wait3A_80 = arith.constant 0 : i32
          %dma_wait3A_81 = tpu.memref_slice %arg2[%dma_wait3A_79, %dma_wait3A_80] : memref<10000x128xf32, #tpu.memory_space<hbm>> -> memref<80x128xf32, #tpu.memory_space<hbm>>
          tpu.wait_dma2 semaphore(%arg13 : memref<!tpu.dma_semaphore, #tpu.memory_space<semaphore_mem>>) src(%dma_wait3A_81 : memref<80x128xf32, #tpu.memory_space<hbm>>) dst(%arg9 : memref<80x128xf32, #tpu.memory_space<vmem>>)
        } else {
        }
        %add3A_68 = arith.constant 1 : i32
        %add3A_69 = arith.addi %add3A_51, %add3A_68 : i32
        %mul3A_70 = arith.constant 80 : i32
        %mul3A_71 = arith.muli %add3A_69, %mul3A_70 : i32
        %dma_start3A_72 = tpu.memref_slice %arg7[%mul3A_71] : memref<10000xi32, #tpu.memory_space<vmem>> -> memref<80xi32, #tpu.memory_space<vmem>>
        %dma_start3A_73 = arith.constant 0 : i32
        %dma_start3A_74 = arith.constant 0 : i32
        %dma_start3A_75 = tpu.memref_slice %arg2[%dma_start3A_73, %dma_start3A_74] : memref<10000x128xf32, #tpu.memory_space<hbm>> -> memref<10000x128xf32, #tpu.memory_space<hbm>>
        tpu.enqueue_indirect_dma source(%dma_start3A_75 : memref<10000x128xf32, #tpu.memory_space<hbm>>) target(%arg9 : memref<80x128xf32, #tpu.memory_space<vmem>>) offsets(%dma_start3A_72 : memref<80xi32, #tpu.memory_space<vmem>>) semaphore(%arg11 : memref<!tpu.dma_semaphore, #tpu.memory_space<semaphore_mem>>)
      } else {
      }
      %lt3A_59 = arith.constant 125 : i32
      %lt3A_60 = arith.cmpi slt, %add3A_51, %lt3A_59 : i32
      %convert_element_type3A_61 = arith.extui %lt3A_60 : i1 to i32
      %cond3A_62 = arith.constant 0 : i32
      %cond3A_63 = arith.cmpi ne, %convert_element_type3A_61, %cond3A_62 : i32
      scf.if %cond3A_63 {
        %dma_wait3A_64 = arith.constant 0 : i32
        %dma_wait3A_65 = arith.constant 0 : i32
        %dma_wait3A_66 = tpu.memref_slice %arg2[%dma_wait3A_64, %dma_wait3A_65] : memref<10000x128xf32, #tpu.memory_space<hbm>> -> memref<80x128xf32, #tpu.memory_space<hbm>>
        %dma_wait3A_67 = arith.constant 0 : i32
        %dma_wait3A_68 = arith.constant 0 : i32
        %dma_wait3A_69 = tpu.memref_slice %arg2[%dma_wait3A_67, %dma_wait3A_68] : memref<10000x128xf32, #tpu.memory_space<hbm>> -> memref<80x128xf32, #tpu.memory_space<hbm>>
        tpu.wait_dma2 semaphore(%arg12 : memref<!tpu.dma_semaphore, #tpu.memory_space<semaphore_mem>>) src(%dma_wait3A_69 : memref<80x128xf32, #tpu.memory_space<hbm>>) dst(%arg10 : memref<80x128xf32, #tpu.memory_space<vmem>>)
        %dma_start3A_70 = arith.constant 0 : i32
        %dma_start3A_71 = tpu.memref_slice %arg8[%add3A_51, %dma_start3A_70] : memref<125x80xi32, #tpu.memory_space<vmem>> -> memref<1x80xi32, #tpu.memory_space<vmem>>
        %dma_start3A_72 = tpu.memref_squeeze %dma_start3A_71 : memref<1x80xi32, #tpu.memory_space<vmem>> -> memref<80xi32, #tpu.memory_space<vmem>>
        %dma_start3A_73 = arith.constant 0 : i32
        %dma_start3A_74 = arith.constant 0 : i32
        %dma_start3A_75 = tpu.memref_slice %arg6[%dma_start3A_73, %dma_start3A_74] : memref<10000x128xf32, #tpu.memory_space<vmem_shared>> -> memref<10000x128xf32, #tpu.memory_space<vmem_shared>>
        tpu.enqueue_indirect_dma source(%arg10 : memref<80x128xf32, #tpu.memory_space<vmem>>) target(%dma_start3A_75 : memref<10000x128xf32, #tpu.memory_space<vmem_shared>>) offsets(%dma_start3A_72 : memref<80xi32, #tpu.memory_space<vmem>>) semaphore(%arg14 : memref<!tpu.dma_semaphore, #tpu.memory_space<semaphore_mem>>) {add = true}
      } else {
      }
    }
    %scan3A_13 = arith.constant 63 : i32
    %dma_wait3A = arith.constant 0 : i32
    %dma_wait3A_14 = arith.constant 0 : i32
    %dma_wait3A_15 = tpu.memref_slice %arg2[%dma_wait3A, %dma_wait3A_14] : memref<10000x128xf32, #tpu.memory_space<hbm>> -> memref<80x128xf32, #tpu.memory_space<hbm>>
    %dma_wait3A_16 = arith.constant 0 : i32
    %dma_wait3A_17 = arith.constant 0 : i32
    %dma_wait3A_18 = tpu.memref_slice %arg2[%dma_wait3A_16, %dma_wait3A_17] : memref<10000x128xf32, #tpu.memory_space<hbm>> -> memref<80x128xf32, #tpu.memory_space<hbm>>
    tpu.wait_dma2 semaphore(%arg14 : memref<!tpu.dma_semaphore, #tpu.memory_space<semaphore_mem>>) src(%dma_wait3A_18 : memref<80x128xf32, #tpu.memory_space<hbm>>) dst(%arg10 : memref<80x128xf32, #tpu.memory_space<vmem>>)
    %dma_wait3A_19 = arith.constant 0 : i32
    %dma_wait3A_20 = arith.constant 0 : i32
    %dma_wait3A_21 = tpu.memref_slice %arg2[%dma_wait3A_19, %dma_wait3A_20] : memref<10000x128xf32, #tpu.memory_space<hbm>> -> memref<80x128xf32, #tpu.memory_space<hbm>>
    %dma_wait3A_22 = arith.constant 0 : i32
    %dma_wait3A_23 = arith.constant 0 : i32
    %dma_wait3A_24 = tpu.memref_slice %arg2[%dma_wait3A_22, %dma_wait3A_23] : memref<10000x128xf32, #tpu.memory_space<hbm>> -> memref<80x128xf32, #tpu.memory_space<hbm>>
    tpu.wait_dma2 semaphore(%arg13 : memref<!tpu.dma_semaphore, #tpu.memory_space<semaphore_mem>>) src(%dma_wait3A_24 : memref<80x128xf32, #tpu.memory_space<hbm>>) dst(%arg9 : memref<80x128xf32, #tpu.memory_space<vmem>>)
    %barrier3A_25 = arith.constant 0 : index
    tpu.barrier barrier_id(%barrier3A_25)
    %mul3A_26 = arith.constant 10000 : i32
    %mul3A_27 = arith.muli %arg0, %mul3A_26 : i32
    %add3A_28 = arith.addi %mul3A_27, %mul3A_2 : i32
    "tpu.region"() ({
      %run_scoped3A = tpu.sem_alloc : memref<!tpu.dma_semaphore, #tpu.memory_space<semaphore_mem>>
      %dma_start3A_34 = arith.constant 0 : i32
      %dma_start3A_35 = tpu.memref_slice %arg5[%add3A_28, %dma_start3A_34] : memref<20000x128xf32, #tpu.memory_space<hbm>> -> memref<624x128xf32, #tpu.memory_space<hbm>>
      %dma_start3A_36 = arith.constant 0 : i32
      %dma_start3A_37 = tpu.memref_slice %arg6[%mul3A_2, %dma_start3A_36] : memref<10000x128xf32, #tpu.memory_space<vmem_shared>> -> memref<624x128xf32, #tpu.memory_space<vmem_shared>>
      tpu.enqueue_dma source(%dma_start3A_37 : memref<624x128xf32, #tpu.memory_space<vmem_shared>>) target(%dma_start3A_35 : memref<624x128xf32, #tpu.memory_space<hbm>>) target_semaphore(%run_scoped3A : memref<!tpu.dma_semaphore, #tpu.memory_space<semaphore_mem>>)
      %dma_wait3A_38 = arith.constant 0 : i32
      %dma_wait3A_39 = tpu.memref_slice %arg5[%add3A_28, %dma_wait3A_38] : memref<20000x128xf32, #tpu.memory_space<hbm>> -> memref<624x128xf32, #tpu.memory_space<hbm>>
      %dma_wait3A_40 = arith.constant 0 : i32
      %dma_wait3A_41 = tpu.memref_slice %arg6[%mul3A_2, %dma_wait3A_40] : memref<10000x128xf32, #tpu.memory_space<vmem_shared>> -> memref<624x128xf32, #tpu.memory_space<vmem_shared>>
      tpu.wait_dma2 semaphore(%run_scoped3A : memref<!tpu.dma_semaphore, #tpu.memory_space<semaphore_mem>>) src(%dma_wait3A_41 : memref<624x128xf32, #tpu.memory_space<vmem_shared>>) dst(%dma_wait3A_39 : memref<624x128xf32, #tpu.memory_space<hbm>>)
      tpu.yield
    }) : () -> ()
    %eq3A_29 = arith.constant 0 : i32
    %eq3A_30 = arith.cmpi eq, %arg1, %eq3A_29 : i32
    %convert_element_type3A_31 = arith.extui %eq3A_30 : i1 to i32
    %cond3A_32 = arith.constant 0 : i32
    %cond3A_33 = arith.cmpi ne, %convert_element_type3A_31, %cond3A_32 : i32
    scf.if %cond3A_33 {
      %mul3A_34 = arith.constant 10000 : i32
      %mul3A_35 = arith.muli %arg0, %mul3A_34 : i32
      %add3A_36 = arith.constant 9984 : i32
      %add3A_37 = arith.addi %mul3A_35, %add3A_36 : i32
      "tpu.region"() ({
        %run_scoped3A = tpu.sem_alloc : memref<!tpu.dma_semaphore, #tpu.memory_space<semaphore_mem>>
        %dma_start3A_38 = arith.constant 0 : i32
        %dma_start3A_39 = tpu.memref_slice %arg5[%add3A_37, %dma_start3A_38] : memref<20000x128xf32, #tpu.memory_space<hbm>> -> memref<16x128xf32, #tpu.memory_space<hbm>>
        %dma_start3A_40 = arith.constant 9984 : i32
        %dma_start3A_41 = arith.constant 0 : i32
        %dma_start3A_42 = tpu.memref_slice %arg6[%dma_start3A_40, %dma_start3A_41] : memref<10000x128xf32, #tpu.memory_space<vmem_shared>> -> memref<16x128xf32, #tpu.memory_space<vmem_shared>>
        tpu.enqueue_dma source(%dma_start3A_42 : memref<16x128xf32, #tpu.memory_space<vmem_shared>>) target(%dma_start3A_39 : memref<16x128xf32, #tpu.memory_space<hbm>>) target_semaphore(%run_scoped3A : memref<!tpu.dma_semaphore, #tpu.memory_space<semaphore_mem>>)
        %dma_wait3A_43 = arith.constant 0 : i32
        %dma_wait3A_44 = tpu.memref_slice %arg5[%add3A_37, %dma_wait3A_43] : memref<20000x128xf32, #tpu.memory_space<hbm>> -> memref<16x128xf32, #tpu.memory_space<hbm>>
        %dma_wait3A_45 = arith.constant 9984 : i32
        %dma_wait3A_46 = arith.constant 0 : i32
        %dma_wait3A_47 = tpu.memref_slice %arg6[%dma_wait3A_45, %dma_wait3A_46] : memref<10000x128xf32, #tpu.memory_space<vmem_shared>> -> memref<16x128xf32, #tpu.memory_space<vmem_shared>>
        tpu.wait_dma2 semaphore(%run_scoped3A : memref<!tpu.dma_semaphore, #tpu.memory_space<semaphore_mem>>) src(%dma_wait3A_47 : memref<16x128xf32, #tpu.memory_space<vmem_shared>>) dst(%dma_wait3A_44 : memref<16x128xf32, #tpu.memory_space<hbm>>)
        tpu.yield
      }) : () -> ()
    } else {
    }
    return
  }
}

#map = affine_map<(d0, d1) -> (0, 0)>
#map1 = affine_map<(d0, d1) -> (0, 0, 0)>
module attributes {stable_mosaic.version = 14 : i64} {
  func.func @_sc_agg_body(%arg0: i32, %arg1: i32, %arg2: memref<10000x128xf32, #tpu.memory_space<hbm>>, %arg3: memref<32x10000xi32, #tpu.memory_space<hbm>>, %arg4: memref<32x125x80xi32, #tpu.memory_space<hbm>>, %arg5: memref<20000x128xf32, #tpu.memory_space<hbm>>, %arg6: memref<10000x128xf32, #tpu.memory_space<vmem_shared>>, %arg7: memref<10000xi32, #tpu.memory_space<vmem>>, %arg8: memref<125x80xi32, #tpu.memory_space<vmem>>, %arg9: memref<80x128xf32, #tpu.memory_space<vmem>>, %arg10: memref<80x128xf32, #tpu.memory_space<vmem>>, %arg11: memref<!tpu.dma_semaphore, #tpu.memory_space<semaphore_mem>>, %arg12: memref<!tpu.dma_semaphore, #tpu.memory_space<semaphore_mem>>, %arg13: memref<!tpu.dma_semaphore, #tpu.memory_space<semaphore_mem>>, %arg14: memref<!tpu.dma_semaphore, #tpu.memory_space<semaphore_mem>>) attributes {dimension_semantics = [#tpu.dimension_semantics<core_parallel>, #tpu.dimension_semantics<subcore_parallel>], iteration_bounds = array<i64: 2, 16>, scalar_prefetch = 0 : i64, scratch_operands = 9 : i64, tpu.core_type = #tpu.core_type<sc_vector_subcore>, window_params = [{transform_indices = #map}, {transform_indices = #map}, {transform_indices = #map1}, {transform_indices = #map}]} {
    %mul3A = arith.constant 16 : i32
    %mul3A_0 = arith.muli %arg0, %mul3A : i32
    %add3A = arith.addi %mul3A_0, %arg1 : i32
    "tpu.region"() ({
      %run_scoped3A = tpu.sem_alloc : memref<!tpu.dma_semaphore, #tpu.memory_space<semaphore_mem>>
      %dma_start3A_34 = arith.constant 0 : i32
      %dma_start3A_35 = tpu.memref_slice %arg3[%add3A, %dma_start3A_34] : memref<32x10000xi32, #tpu.memory_space<hbm>> -> memref<1x10000xi32, #tpu.memory_space<hbm>>
      %dma_start3A_36 = tpu.memref_squeeze %dma_start3A_35 : memref<1x10000xi32, #tpu.memory_space<hbm>> -> memref<10000xi32, #tpu.memory_space<hbm>>
      %dma_start3A_37 = arith.constant 0 : i32
      %dma_start3A_38 = tpu.memref_slice %arg3[%add3A, %dma_start3A_37] : memref<32x10000xi32, #tpu.memory_space<hbm>> -> memref<1x10000xi32, #tpu.memory_space<hbm>>
      %dma_start3A_39 = tpu.memref_squeeze %dma_start3A_38 : memref<1x10000xi32, #tpu.memory_space<hbm>> -> memref<10000xi32, #tpu.memory_space<hbm>>
      tpu.enqueue_dma source(%dma_start3A_39 : memref<10000xi32, #tpu.memory_space<hbm>>) target(%arg7 : memref<10000xi32, #tpu.memory_space<vmem>>) target_semaphore(%run_scoped3A : memref<!tpu.dma_semaphore, #tpu.memory_space<semaphore_mem>>)
      %dma_wait3A_40 = arith.constant 0 : i32
      %dma_wait3A_41 = tpu.memref_slice %arg3[%add3A, %dma_wait3A_40] : memref<32x10000xi32, #tpu.memory_space<hbm>> -> memref<1x10000xi32, #tpu.memory_space<hbm>>
      %dma_wait3A_42 = tpu.memref_squeeze %dma_wait3A_41 : memref<1x10000xi32, #tpu.memory_space<hbm>> -> memref<10000xi32, #tpu.memory_space<hbm>>
      %dma_wait3A_43 = arith.constant 0 : i32
      %dma_wait3A_44 = tpu.memref_slice %arg3[%add3A, %dma_wait3A_43] : memref<32x10000xi32, #tpu.memory_space<hbm>> -> memref<1x10000xi32, #tpu.memory_space<hbm>>
      %dma_wait3A_45 = tpu.memref_squeeze %dma_wait3A_44 : memref<1x10000xi32, #tpu.memory_space<hbm>> -> memref<10000xi32, #tpu.memory_space<hbm>>
      tpu.wait_dma2 semaphore(%run_scoped3A : memref<!tpu.dma_semaphore, #tpu.memory_space<semaphore_mem>>) src(%dma_wait3A_45 : memref<10000xi32, #tpu.memory_space<hbm>>) dst(%arg7 : memref<10000xi32, #tpu.memory_space<vmem>>)
      tpu.yield
    }) : () -> ()
    "tpu.region"() ({
      %run_scoped3A = tpu.sem_alloc : memref<!tpu.dma_semaphore, #tpu.memory_space<semaphore_mem>>
      %dma_start3A_34 = arith.constant 0 : i32
      %dma_start3A_35 = arith.constant 0 : i32
      %dma_start3A_36 = tpu.memref_slice %arg4[%add3A, %dma_start3A_34, %dma_start3A_35] : memref<32x125x80xi32, #tpu.memory_space<hbm>> -> memref<1x125x80xi32, #tpu.memory_space<hbm>>
      %dma_start3A_37 = tpu.memref_squeeze %dma_start3A_36 : memref<1x125x80xi32, #tpu.memory_space<hbm>> -> memref<125x80xi32, #tpu.memory_space<hbm>>
      %dma_start3A_38 = arith.constant 0 : i32
      %dma_start3A_39 = arith.constant 0 : i32
      %dma_start3A_40 = tpu.memref_slice %arg4[%add3A, %dma_start3A_38, %dma_start3A_39] : memref<32x125x80xi32, #tpu.memory_space<hbm>> -> memref<1x125x80xi32, #tpu.memory_space<hbm>>
      %dma_start3A_41 = tpu.memref_squeeze %dma_start3A_40 : memref<1x125x80xi32, #tpu.memory_space<hbm>> -> memref<125x80xi32, #tpu.memory_space<hbm>>
      tpu.enqueue_dma source(%dma_start3A_41 : memref<125x80xi32, #tpu.memory_space<hbm>>) target(%arg8 : memref<125x80xi32, #tpu.memory_space<vmem>>) target_semaphore(%run_scoped3A : memref<!tpu.dma_semaphore, #tpu.memory_space<semaphore_mem>>)
      %dma_wait3A_42 = arith.constant 0 : i32
      %dma_wait3A_43 = arith.constant 0 : i32
      %dma_wait3A_44 = tpu.memref_slice %arg4[%add3A, %dma_wait3A_42, %dma_wait3A_43] : memref<32x125x80xi32, #tpu.memory_space<hbm>> -> memref<1x125x80xi32, #tpu.memory_space<hbm>>
      %dma_wait3A_45 = tpu.memref_squeeze %dma_wait3A_44 : memref<1x125x80xi32, #tpu.memory_space<hbm>> -> memref<125x80xi32, #tpu.memory_space<hbm>>
      %dma_wait3A_46 = arith.constant 0 : i32
      %dma_wait3A_47 = arith.constant 0 : i32
      %dma_wait3A_48 = tpu.memref_slice %arg4[%add3A, %dma_wait3A_46, %dma_wait3A_47] : memref<32x125x80xi32, #tpu.memory_space<hbm>> -> memref<1x125x80xi32, #tpu.memory_space<hbm>>
      %dma_wait3A_49 = tpu.memref_squeeze %dma_wait3A_48 : memref<1x125x80xi32, #tpu.memory_space<hbm>> -> memref<125x80xi32, #tpu.memory_space<hbm>>
      tpu.wait_dma2 semaphore(%run_scoped3A : memref<!tpu.dma_semaphore, #tpu.memory_space<semaphore_mem>>) src(%dma_wait3A_49 : memref<125x80xi32, #tpu.memory_space<hbm>>) dst(%arg8 : memref<125x80xi32, #tpu.memory_space<vmem>>)
      tpu.yield
    }) : () -> ()
    %mul3A_1 = arith.constant 624 : i32
    %mul3A_2 = arith.muli %arg1, %mul3A_1 : i32
    "tpu.region"() ({
      %run_scoped3A = tpu.sem_alloc : memref<!tpu.dma_semaphore, #tpu.memory_space<semaphore_mem>>
      %dma_start3A_34 = arith.constant 0 : i32
      %dma_start3A_35 = tpu.memref_slice %arg6[%mul3A_2, %dma_start3A_34] : memref<10000x128xf32, #tpu.memory_space<vmem_shared>> -> memref<624x128xf32, #tpu.memory_space<vmem_shared>>
      %dma_start3A_36 = arith.constant 0 : i32
      %dma_start3A_37 = tpu.memref_slice %arg2[%mul3A_2, %dma_start3A_36] : memref<10000x128xf32, #tpu.memory_space<hbm>> -> memref<624x128xf32, #tpu.memory_space<hbm>>
      tpu.enqueue_dma source(%dma_start3A_37 : memref<624x128xf32, #tpu.memory_space<hbm>>) target(%dma_start3A_35 : memref<624x128xf32, #tpu.memory_space<vmem_shared>>) target_semaphore(%run_scoped3A : memref<!tpu.dma_semaphore, #tpu.memory_space<semaphore_mem>>)
      %dma_wait3A_38 = arith.constant 0 : i32
      %dma_wait3A_39 = tpu.memref_slice %arg6[%mul3A_2, %dma_wait3A_38] : memref<10000x128xf32, #tpu.memory_space<vmem_shared>> -> memref<624x128xf32, #tpu.memory_space<vmem_shared>>
      %dma_wait3A_40 = arith.constant 0 : i32
      %dma_wait3A_41 = tpu.memref_slice %arg2[%mul3A_2, %dma_wait3A_40] : memref<10000x128xf32, #tpu.memory_space<hbm>> -> memref<624x128xf32, #tpu.memory_space<hbm>>
      tpu.wait_dma2 semaphore(%run_scoped3A : memref<!tpu.dma_semaphore, #tpu.memory_space<semaphore_mem>>) src(%dma_wait3A_41 : memref<624x128xf32, #tpu.memory_space<hbm>>) dst(%dma_wait3A_39 : memref<624x128xf32, #tpu.memory_space<vmem_shared>>)
      tpu.yield
    }) : () -> ()
    %eq3A = arith.constant 0 : i32
    %eq3A_3 = arith.cmpi eq, %arg1, %eq3A : i32
    %convert_element_type3A = arith.extui %eq3A_3 : i1 to i32
    %cond3A = arith.constant 0 : i32
    %cond3A_4 = arith.cmpi ne, %convert_element_type3A, %cond3A : i32
    scf.if %cond3A_4 {
      "tpu.region"() ({
        %run_scoped3A = tpu.sem_alloc : memref<!tpu.dma_semaphore, #tpu.memory_space<semaphore_mem>>
        %dma_start3A_34 = arith.constant 9984 : i32
        %dma_start3A_35 = arith.constant 0 : i32
        %dma_start3A_36 = tpu.memref_slice %arg6[%dma_start3A_34, %dma_start3A_35] : memref<10000x128xf32, #tpu.memory_space<vmem_shared>> -> memref<16x128xf32, #tpu.memory_space<vmem_shared>>
        %dma_start3A_37 = arith.constant 9984 : i32
        %dma_start3A_38 = arith.constant 0 : i32
        %dma_start3A_39 = tpu.memref_slice %arg2[%dma_start3A_37, %dma_start3A_38] : memref<10000x128xf32, #tpu.memory_space<hbm>> -> memref<16x128xf32, #tpu.memory_space<hbm>>
        tpu.enqueue_dma source(%dma_start3A_39 : memref<16x128xf32, #tpu.memory_space<hbm>>) target(%dma_start3A_36 : memref<16x128xf32, #tpu.memory_space<vmem_shared>>) target_semaphore(%run_scoped3A : memref<!tpu.dma_semaphore, #tpu.memory_space<semaphore_mem>>)
        %dma_wait3A_40 = arith.constant 9984 : i32
        %dma_wait3A_41 = arith.constant 0 : i32
        %dma_wait3A_42 = tpu.memref_slice %arg6[%dma_wait3A_40, %dma_wait3A_41] : memref<10000x128xf32, #tpu.memory_space<vmem_shared>> -> memref<16x128xf32, #tpu.memory_space<vmem_shared>>
        %dma_wait3A_43 = arith.constant 9984 : i32
        %dma_wait3A_44 = arith.constant 0 : i32
        %dma_wait3A_45 = tpu.memref_slice %arg2[%dma_wait3A_43, %dma_wait3A_44] : memref<10000x128xf32, #tpu.memory_space<hbm>> -> memref<16x128xf32, #tpu.memory_space<hbm>>
        tpu.wait_dma2 semaphore(%run_scoped3A : memref<!tpu.dma_semaphore, #tpu.memory_space<semaphore_mem>>) src(%dma_wait3A_45 : memref<16x128xf32, #tpu.memory_space<hbm>>) dst(%dma_wait3A_42 : memref<16x128xf32, #tpu.memory_space<vmem_shared>>)
        tpu.yield
      }) : () -> ()
    } else {
    }
    %barrier3A = arith.constant 0 : index
    tpu.barrier barrier_id(%barrier3A)
    %dma_start3A = arith.constant 0 : i32
    %dma_start3A_5 = tpu.memref_slice %arg7[%dma_start3A] : memref<10000xi32, #tpu.memory_space<vmem>> -> memref<80xi32, #tpu.memory_space<vmem>>
    %dma_start3A_6 = arith.constant 0 : i32
    %dma_start3A_7 = arith.constant 0 : i32
    %dma_start3A_8 = tpu.memref_slice %arg2[%dma_start3A_6, %dma_start3A_7] : memref<10000x128xf32, #tpu.memory_space<hbm>> -> memref<10000x128xf32, #tpu.memory_space<hbm>>
    tpu.enqueue_indirect_dma source(%dma_start3A_8 : memref<10000x128xf32, #tpu.memory_space<hbm>>) target(%arg9 : memref<80x128xf32, #tpu.memory_space<vmem>>) offsets(%dma_start3A_5 : memref<80xi32, #tpu.memory_space<vmem>>) semaphore(%arg11 : memref<!tpu.dma_semaphore, #tpu.memory_space<semaphore_mem>>)
    %scan3A = arith.constant 0 : i32
    %scan3A_9 = arith.constant 0 : i32
    %scan3A_10 = arith.constant 63 : i32
    %scan3A_11 = arith.addi %scan3A_9, %scan3A_10 : i32
    %scan3A_12 = arith.constant 1 : i32
    scf.for %scan3A_34 = %scan3A_9 to %scan3A_11 step %scan3A_12  : i32 {
      %mul3A_35 = arith.constant 2 : i32
      %mul3A_36 = arith.muli %scan3A_34, %mul3A_35 : i32
      %add3A_37 = arith.constant 0 : i32
      %add3A_38 = arith.addi %mul3A_36, %add3A_37 : i32
      %add3A_39 = arith.constant 1 : i32
      %add3A_40 = arith.addi %add3A_38, %add3A_39 : i32
      %lt3A = arith.constant 125 : i32
      %lt3A_41 = arith.cmpi slt, %add3A_40, %lt3A : i32
      %convert_element_type3A_42 = arith.extui %lt3A_41 : i1 to i32
      %cond3A_43 = arith.constant 0 : i32
      %cond3A_44 = arith.cmpi ne, %convert_element_type3A_42, %cond3A_43 : i32
      scf.if %cond3A_44 {
        %ge3A = arith.constant 1 : i32
        %ge3A_64 = arith.cmpi sge, %add3A_38, %ge3A : i32
        %convert_element_type3A_65 = arith.extui %ge3A_64 : i1 to i32
        %cond3A_66 = arith.constant 0 : i32
        %cond3A_67 = arith.cmpi ne, %convert_element_type3A_65, %cond3A_66 : i32
        scf.if %cond3A_67 {
          %dma_wait3A_76 = arith.constant 0 : i32
          %dma_wait3A_77 = arith.constant 0 : i32
          %dma_wait3A_78 = tpu.memref_slice %arg2[%dma_wait3A_76, %dma_wait3A_77] : memref<10000x128xf32, #tpu.memory_space<hbm>> -> memref<80x128xf32, #tpu.memory_space<hbm>>
          %dma_wait3A_79 = arith.constant 0 : i32
          %dma_wait3A_80 = arith.constant 0 : i32
          %dma_wait3A_81 = tpu.memref_slice %arg2[%dma_wait3A_79, %dma_wait3A_80] : memref<10000x128xf32, #tpu.memory_space<hbm>> -> memref<80x128xf32, #tpu.memory_space<hbm>>
          tpu.wait_dma2 semaphore(%arg14 : memref<!tpu.dma_semaphore, #tpu.memory_space<semaphore_mem>>) src(%dma_wait3A_81 : memref<80x128xf32, #tpu.memory_space<hbm>>) dst(%arg10 : memref<80x128xf32, #tpu.memory_space<vmem>>)
        } else {
        }
        %add3A_68 = arith.constant 1 : i32
        %add3A_69 = arith.addi %add3A_38, %add3A_68 : i32
        %mul3A_70 = arith.constant 80 : i32
        %mul3A_71 = arith.muli %add3A_69, %mul3A_70 : i32
        %dma_start3A_72 = tpu.memref_slice %arg7[%mul3A_71] : memref<10000xi32, #tpu.memory_space<vmem>> -> memref<80xi32, #tpu.memory_space<vmem>>
        %dma_start3A_73 = arith.constant 0 : i32
        %dma_start3A_74 = arith.constant 0 : i32
        %dma_start3A_75 = tpu.memref_slice %arg2[%dma_start3A_73, %dma_start3A_74] : memref<10000x128xf32, #tpu.memory_space<hbm>> -> memref<10000x128xf32, #tpu.memory_space<hbm>>
        tpu.enqueue_indirect_dma source(%dma_start3A_75 : memref<10000x128xf32, #tpu.memory_space<hbm>>) target(%arg10 : memref<80x128xf32, #tpu.memory_space<vmem>>) offsets(%dma_start3A_72 : memref<80xi32, #tpu.memory_space<vmem>>) semaphore(%arg12 : memref<!tpu.dma_semaphore, #tpu.memory_space<semaphore_mem>>)
      } else {
      }
      %lt3A_45 = arith.constant 125 : i32
      %lt3A_46 = arith.cmpi slt, %add3A_38, %lt3A_45 : i32
      %convert_element_type3A_47 = arith.extui %lt3A_46 : i1 to i32
      %cond3A_48 = arith.constant 0 : i32
      %cond3A_49 = arith.cmpi ne, %convert_element_type3A_47, %cond3A_48 : i32
      scf.if %cond3A_49 {
        %dma_wait3A_64 = arith.constant 0 : i32
        %dma_wait3A_65 = arith.constant 0 : i32
        %dma_wait3A_66 = tpu.memref_slice %arg2[%dma_wait3A_64, %dma_wait3A_65] : memref<10000x128xf32, #tpu.memory_space<hbm>> -> memref<80x128xf32, #tpu.memory_space<hbm>>
        %dma_wait3A_67 = arith.constant 0 : i32
        %dma_wait3A_68 = arith.constant 0 : i32
        %dma_wait3A_69 = tpu.memref_slice %arg2[%dma_wait3A_67, %dma_wait3A_68] : memref<10000x128xf32, #tpu.memory_space<hbm>> -> memref<80x128xf32, #tpu.memory_space<hbm>>
        tpu.wait_dma2 semaphore(%arg11 : memref<!tpu.dma_semaphore, #tpu.memory_space<semaphore_mem>>) src(%dma_wait3A_69 : memref<80x128xf32, #tpu.memory_space<hbm>>) dst(%arg9 : memref<80x128xf32, #tpu.memory_space<vmem>>)
        %dma_start3A_70 = arith.constant 0 : i32
        %dma_start3A_71 = tpu.memref_slice %arg8[%add3A_38, %dma_start3A_70] : memref<125x80xi32, #tpu.memory_space<vmem>> -> memref<1x80xi32, #tpu.memory_space<vmem>>
        %dma_start3A_72 = tpu.memref_squeeze %dma_start3A_71 : memref<1x80xi32, #tpu.memory_space<vmem>> -> memref<80xi32, #tpu.memory_space<vmem>>
        %dma_start3A_73 = arith.constant 0 : i32
        %dma_start3A_74 = arith.constant 0 : i32
        %dma_start3A_75 = tpu.memref_slice %arg6[%dma_start3A_73, %dma_start3A_74] : memref<10000x128xf32, #tpu.memory_space<vmem_shared>> -> memref<10000x128xf32, #tpu.memory_space<vmem_shared>>
        tpu.enqueue_indirect_dma source(%arg9 : memref<80x128xf32, #tpu.memory_space<vmem>>) target(%dma_start3A_75 : memref<10000x128xf32, #tpu.memory_space<vmem_shared>>) offsets(%dma_start3A_72 : memref<80xi32, #tpu.memory_space<vmem>>) semaphore(%arg13 : memref<!tpu.dma_semaphore, #tpu.memory_space<semaphore_mem>>) {add = true}
      } else {
      }
      %add3A_50 = arith.constant 1 : i32
      %add3A_51 = arith.addi %mul3A_36, %add3A_50 : i32
      %add3A_52 = arith.constant 1 : i32
      %add3A_53 = arith.addi %add3A_51, %add3A_52 : i32
      %lt3A_54 = arith.constant 125 : i32
      %lt3A_55 = arith.cmpi slt, %add3A_53, %lt3A_54 : i32
      %convert_element_type3A_56 = arith.extui %lt3A_55 : i1 to i32
      %cond3A_57 = arith.constant 0 : i32
      %cond3A_58 = arith.cmpi ne, %convert_element_type3A_56, %cond3A_57 : i32
      scf.if %cond3A_58 {
        %ge3A = arith.constant 1 : i32
        %ge3A_64 = arith.cmpi sge, %add3A_51, %ge3A : i32
        %convert_element_type3A_65 = arith.extui %ge3A_64 : i1 to i32
        %cond3A_66 = arith.constant 0 : i32
        %cond3A_67 = arith.cmpi ne, %convert_element_type3A_65, %cond3A_66 : i32
        scf.if %cond3A_67 {
          %dma_wait3A_76 = arith.constant 0 : i32
          %dma_wait3A_77 = arith.constant 0 : i32
          %dma_wait3A_78 = tpu.memref_slice %arg2[%dma_wait3A_76, %dma_wait3A_77] : memref<10000x128xf32, #tpu.memory_space<hbm>> -> memref<80x128xf32, #tpu.memory_space<hbm>>
          %dma_wait3A_79 = arith.constant 0 : i32
          %dma_wait3A_80 = arith.constant 0 : i32
          %dma_wait3A_81 = tpu.memref_slice %arg2[%dma_wait3A_79, %dma_wait3A_80] : memref<10000x128xf32, #tpu.memory_space<hbm>> -> memref<80x128xf32, #tpu.memory_space<hbm>>
          tpu.wait_dma2 semaphore(%arg13 : memref<!tpu.dma_semaphore, #tpu.memory_space<semaphore_mem>>) src(%dma_wait3A_81 : memref<80x128xf32, #tpu.memory_space<hbm>>) dst(%arg9 : memref<80x128xf32, #tpu.memory_space<vmem>>)
        } else {
        }
        %add3A_68 = arith.constant 1 : i32
        %add3A_69 = arith.addi %add3A_51, %add3A_68 : i32
        %mul3A_70 = arith.constant 80 : i32
        %mul3A_71 = arith.muli %add3A_69, %mul3A_70 : i32
        %dma_start3A_72 = tpu.memref_slice %arg7[%mul3A_71] : memref<10000xi32, #tpu.memory_space<vmem>> -> memref<80xi32, #tpu.memory_space<vmem>>
        %dma_start3A_73 = arith.constant 0 : i32
        %dma_start3A_74 = arith.constant 0 : i32
        %dma_start3A_75 = tpu.memref_slice %arg2[%dma_start3A_73, %dma_start3A_74] : memref<10000x128xf32, #tpu.memory_space<hbm>> -> memref<10000x128xf32, #tpu.memory_space<hbm>>
        tpu.enqueue_indirect_dma source(%dma_start3A_75 : memref<10000x128xf32, #tpu.memory_space<hbm>>) target(%arg9 : memref<80x128xf32, #tpu.memory_space<vmem>>) offsets(%dma_start3A_72 : memref<80xi32, #tpu.memory_space<vmem>>) semaphore(%arg11 : memref<!tpu.dma_semaphore, #tpu.memory_space<semaphore_mem>>)
      } else {
      }
      %lt3A_59 = arith.constant 125 : i32
      %lt3A_60 = arith.cmpi slt, %add3A_51, %lt3A_59 : i32
      %convert_element_type3A_61 = arith.extui %lt3A_60 : i1 to i32
      %cond3A_62 = arith.constant 0 : i32
      %cond3A_63 = arith.cmpi ne, %convert_element_type3A_61, %cond3A_62 : i32
      scf.if %cond3A_63 {
        %dma_wait3A_64 = arith.constant 0 : i32
        %dma_wait3A_65 = arith.constant 0 : i32
        %dma_wait3A_66 = tpu.memref_slice %arg2[%dma_wait3A_64, %dma_wait3A_65] : memref<10000x128xf32, #tpu.memory_space<hbm>> -> memref<80x128xf32, #tpu.memory_space<hbm>>
        %dma_wait3A_67 = arith.constant 0 : i32
        %dma_wait3A_68 = arith.constant 0 : i32
        %dma_wait3A_69 = tpu.memref_slice %arg2[%dma_wait3A_67, %dma_wait3A_68] : memref<10000x128xf32, #tpu.memory_space<hbm>> -> memref<80x128xf32, #tpu.memory_space<hbm>>
        tpu.wait_dma2 semaphore(%arg12 : memref<!tpu.dma_semaphore, #tpu.memory_space<semaphore_mem>>) src(%dma_wait3A_69 : memref<80x128xf32, #tpu.memory_space<hbm>>) dst(%arg10 : memref<80x128xf32, #tpu.memory_space<vmem>>)
        %dma_start3A_70 = arith.constant 0 : i32
        %dma_start3A_71 = tpu.memref_slice %arg8[%add3A_51, %dma_start3A_70] : memref<125x80xi32, #tpu.memory_space<vmem>> -> memref<1x80xi32, #tpu.memory_space<vmem>>
        %dma_start3A_72 = tpu.memref_squeeze %dma_start3A_71 : memref<1x80xi32, #tpu.memory_space<vmem>> -> memref<80xi32, #tpu.memory_space<vmem>>
        %dma_start3A_73 = arith.constant 0 : i32
        %dma_start3A_74 = arith.constant 0 : i32
        %dma_start3A_75 = tpu.memref_slice %arg6[%dma_start3A_73, %dma_start3A_74] : memref<10000x128xf32, #tpu.memory_space<vmem_shared>> -> memref<10000x128xf32, #tpu.memory_space<vmem_shared>>
        tpu.enqueue_indirect_dma source(%arg10 : memref<80x128xf32, #tpu.memory_space<vmem>>) target(%dma_start3A_75 : memref<10000x128xf32, #tpu.memory_space<vmem_shared>>) offsets(%dma_start3A_72 : memref<80xi32, #tpu.memory_space<vmem>>) semaphore(%arg14 : memref<!tpu.dma_semaphore, #tpu.memory_space<semaphore_mem>>) {add = true}
      } else {
      }
    }
    %scan3A_13 = arith.constant 63 : i32
    %dma_wait3A = arith.constant 0 : i32
    %dma_wait3A_14 = arith.constant 0 : i32
    %dma_wait3A_15 = tpu.memref_slice %arg2[%dma_wait3A, %dma_wait3A_14] : memref<10000x128xf32, #tpu.memory_space<hbm>> -> memref<80x128xf32, #tpu.memory_space<hbm>>
    %dma_wait3A_16 = arith.constant 0 : i32
    %dma_wait3A_17 = arith.constant 0 : i32
    %dma_wait3A_18 = tpu.memref_slice %arg2[%dma_wait3A_16, %dma_wait3A_17] : memref<10000x128xf32, #tpu.memory_space<hbm>> -> memref<80x128xf32, #tpu.memory_space<hbm>>
    tpu.wait_dma2 semaphore(%arg14 : memref<!tpu.dma_semaphore, #tpu.memory_space<semaphore_mem>>) src(%dma_wait3A_18 : memref<80x128xf32, #tpu.memory_space<hbm>>) dst(%arg10 : memref<80x128xf32, #tpu.memory_space<vmem>>)
    %dma_wait3A_19 = arith.constant 0 : i32
    %dma_wait3A_20 = arith.constant 0 : i32
    %dma_wait3A_21 = tpu.memref_slice %arg2[%dma_wait3A_19, %dma_wait3A_20] : memref<10000x128xf32, #tpu.memory_space<hbm>> -> memref<80x128xf32, #tpu.memory_space<hbm>>
    %dma_wait3A_22 = arith.constant 0 : i32
    %dma_wait3A_23 = arith.constant 0 : i32
    %dma_wait3A_24 = tpu.memref_slice %arg2[%dma_wait3A_22, %dma_wait3A_23] : memref<10000x128xf32, #tpu.memory_space<hbm>> -> memref<80x128xf32, #tpu.memory_space<hbm>>
    tpu.wait_dma2 semaphore(%arg13 : memref<!tpu.dma_semaphore, #tpu.memory_space<semaphore_mem>>) src(%dma_wait3A_24 : memref<80x128xf32, #tpu.memory_space<hbm>>) dst(%arg9 : memref<80x128xf32, #tpu.memory_space<vmem>>)
    %barrier3A_25 = arith.constant 0 : index
    tpu.barrier barrier_id(%barrier3A_25)
    %mul3A_26 = arith.constant 10000 : i32
    %mul3A_27 = arith.muli %arg0, %mul3A_26 : i32
    %add3A_28 = arith.addi %mul3A_27, %mul3A_2 : i32
    "tpu.region"() ({
      %run_scoped3A = tpu.sem_alloc : memref<!tpu.dma_semaphore, #tpu.memory_space<semaphore_mem>>
      %dma_start3A_34 = arith.constant 0 : i32
      %dma_start3A_35 = tpu.memref_slice %arg5[%add3A_28, %dma_start3A_34] : memref<20000x128xf32, #tpu.memory_space<hbm>> -> memref<624x128xf32, #tpu.memory_space<hbm>>
      %dma_start3A_36 = arith.constant 0 : i32
      %dma_start3A_37 = tpu.memref_slice %arg6[%mul3A_2, %dma_start3A_36] : memref<10000x128xf32, #tpu.memory_space<vmem_shared>> -> memref<624x128xf32, #tpu.memory_space<vmem_shared>>
      tpu.enqueue_dma source(%dma_start3A_37 : memref<624x128xf32, #tpu.memory_space<vmem_shared>>) target(%dma_start3A_35 : memref<624x128xf32, #tpu.memory_space<hbm>>) target_semaphore(%run_scoped3A : memref<!tpu.dma_semaphore, #tpu.memory_space<semaphore_mem>>)
      %dma_wait3A_38 = arith.constant 0 : i32
      %dma_wait3A_39 = tpu.memref_slice %arg5[%add3A_28, %dma_wait3A_38] : memref<20000x128xf32, #tpu.memory_space<hbm>> -> memref<624x128xf32, #tpu.memory_space<hbm>>
      %dma_wait3A_40 = arith.constant 0 : i32
      %dma_wait3A_41 = tpu.memref_slice %arg6[%mul3A_2, %dma_wait3A_40] : memref<10000x128xf32, #tpu.memory_space<vmem_shared>> -> memref<624x128xf32, #tpu.memory_space<vmem_shared>>
      tpu.wait_dma2 semaphore(%run_scoped3A : memref<!tpu.dma_semaphore, #tpu.memory_space<semaphore_mem>>) src(%dma_wait3A_41 : memref<624x128xf32, #tpu.memory_space<vmem_shared>>) dst(%dma_wait3A_39 : memref<624x128xf32, #tpu.memory_space<hbm>>)
      tpu.yield
    }) : () -> ()
    %eq3A_29 = arith.constant 0 : i32
    %eq3A_30 = arith.cmpi eq, %arg1, %eq3A_29 : i32
    %convert_element_type3A_31 = arith.extui %eq3A_30 : i1 to i32
    %cond3A_32 = arith.constant 0 : i32
    %cond3A_33 = arith.cmpi ne, %convert_element_type3A_31, %cond3A_32 : i32
    scf.if %cond3A_33 {
      %mul3A_34 = arith.constant 10000 : i32
      %mul3A_35 = arith.muli %arg0, %mul3A_34 : i32
      %add3A_36 = arith.constant 9984 : i32
      %add3A_37 = arith.addi %mul3A_35, %add3A_36 : i32
      "tpu.region"() ({
        %run_scoped3A = tpu.sem_alloc : memref<!tpu.dma_semaphore, #tpu.memory_space<semaphore_mem>>
        %dma_start3A_38 = arith.constant 0 : i32
        %dma_start3A_39 = tpu.memref_slice %arg5[%add3A_37, %dma_start3A_38] : memref<20000x128xf32, #tpu.memory_space<hbm>> -> memref<16x128xf32, #tpu.memory_space<hbm>>
        %dma_start3A_40 = arith.constant 9984 : i32
        %dma_start3A_41 = arith.constant 0 : i32
        %dma_start3A_42 = tpu.memref_slice %arg6[%dma_start3A_40, %dma_start3A_41] : memref<10000x128xf32, #tpu.memory_space<vmem_shared>> -> memref<16x128xf32, #tpu.memory_space<vmem_shared>>
        tpu.enqueue_dma source(%dma_start3A_42 : memref<16x128xf32, #tpu.memory_space<vmem_shared>>) target(%dma_start3A_39 : memref<16x128xf32, #tpu.memory_space<hbm>>) target_semaphore(%run_scoped3A : memref<!tpu.dma_semaphore, #tpu.memory_space<semaphore_mem>>)
        %dma_wait3A_43 = arith.constant 0 : i32
        %dma_wait3A_44 = tpu.memref_slice %arg5[%add3A_37, %dma_wait3A_43] : memref<20000x128xf32, #tpu.memory_space<hbm>> -> memref<16x128xf32, #tpu.memory_space<hbm>>
        %dma_wait3A_45 = arith.constant 9984 : i32
        %dma_wait3A_46 = arith.constant 0 : i32
        %dma_wait3A_47 = tpu.memref_slice %arg6[%dma_wait3A_45, %dma_wait3A_46] : memref<10000x128xf32, #tpu.memory_space<vmem_shared>> -> memref<16x128xf32, #tpu.memory_space<vmem_shared>>
        tpu.wait_dma2 semaphore(%run_scoped3A : memref<!tpu.dma_semaphore, #tpu.memory_space<semaphore_mem>>) src(%dma_wait3A_47 : memref<16x128xf32, #tpu.memory_space<vmem_shared>>) dst(%dma_wait3A_44 : memref<16x128xf32, #tpu.memory_space<hbm>>)
        tpu.yield
      }) : () -> ()
    } else {
    }
    return
  }
}

module attributes {stable_mosaic.version = 14 : i64} {
  func.func @_tc_pre_body(%arg0: memref<10000x1xf32, #tpu.memory_space<vmem>>, %arg1: memref<10000x1xf32, #tpu.memory_space<vmem>>, %arg2: memref<10000x128xf32, #tpu.memory_space<vmem>>, %arg3: memref<128x128xf32, #tpu.memory_space<vmem>>, %arg4: memref<10000x128xf32, #tpu.memory_space<vmem>>, %arg5: memref<10000x1xf32, #tpu.memory_space<vmem>>) attributes {dimension_semantics = [], scalar_prefetch = 0 : i64, scratch_operands = 0 : i64, tpu.core_type = #tpu.core_type<tc>} {
    %get3A = arith.constant 0 : index
    %get3A_0 = arith.constant 0 : index
    %get3A_1 = vector.load %arg0[%get3A, %get3A_0] : memref<10000x1xf32, #tpu.memory_space<vmem>>, vector<10000x1xf32>
    %get3A_2 = arith.constant 0 : index
    %get3A_3 = arith.constant 0 : index
    %get3A_4 = vector.load %arg1[%get3A_2, %get3A_3] : memref<10000x1xf32, #tpu.memory_space<vmem>>, vector<10000x1xf32>
    %add3A = arith.addf %get3A_1, %get3A_4 : vector<10000x1xf32>
    %add3A_5 = arith.constant 1.000000e+00 : f32
    %add3A_6 = vector.broadcast %add3A_5 : f32 to vector<10000x1xf32>
    %add3A_7 = arith.addf %add3A, %add3A_6 : vector<10000x1xf32>
    %rsqrt3A = math.rsqrt %add3A_7 : vector<10000x1xf32>
    %swap3A = arith.constant 0 : index
    %swap3A_8 = arith.constant 0 : index
    %swap3A_9 = vector.load %arg5[%swap3A, %swap3A_8] : memref<10000x1xf32, #tpu.memory_space<vmem>>, vector<10000x1xf32>
    tpu.vector_store %arg5[%swap3A, %swap3A_8], %rsqrt3A {strides = array<i32>} : memref<10000x1xf32, #tpu.memory_space<vmem>>, vector<10000x1xf32>,
    %get3A_10 = arith.constant 0 : index
    %get3A_11 = arith.constant 0 : index
    %get3A_12 = vector.load %arg2[%get3A_10, %get3A_11] : memref<10000x128xf32, #tpu.memory_space<vmem>>, vector<10000x128xf32>
    %get3A_13 = arith.constant 0 : index
    %get3A_14 = arith.constant 0 : index
    %get3A_15 = vector.load %arg3[%get3A_13, %get3A_14] : memref<128x128xf32, #tpu.memory_space<vmem>>, vector<128x128xf32>
    %dot_general3A = arith.constant dense<0.000000e+00> : vector<10000x128xf32>
    %dot_general3A_16 = tpu.matmul %get3A_12, %get3A_15, %dot_general3A {dimension_numbers = #tpu.dot_dimension_numbers<[1], [0], [0], [1], [0, 0, 1, 1], [], []>, transpose_lhs_hint = false} : vector<10000x128xf32>, vector<128x128xf32>, vector<10000x128xf32> -> vector<10000x128xf32>
    %mul3A = vector.broadcast %rsqrt3A : vector<10000x1xf32> to vector<10000x128xf32>
    %mul3A_17 = arith.mulf %dot_general3A_16, %mul3A : vector<10000x128xf32>
    %swap3A_18 = arith.constant 0 : index
    %swap3A_19 = arith.constant 0 : index
    %swap3A_20 = vector.load %arg4[%swap3A_18, %swap3A_19] : memref<10000x128xf32, #tpu.memory_space<vmem>>, vector<10000x128xf32>
    tpu.vector_store %arg4[%swap3A_18, %swap3A_19], %mul3A_17 {strides = array<i32>} : memref<10000x128xf32, #tpu.memory_space<vmem>>, vector<10000x128xf32>,
    return
  }
}

module attributes {stable_mosaic.version = 14 : i64} {
  func.func @_tc_mid_body(%arg0: memref<10000x128xf32, #tpu.memory_space<vmem>>, %arg1: memref<10000x128xf32, #tpu.memory_space<vmem>>, %arg2: memref<10000x128xf32, #tpu.memory_space<vmem>>, %arg3: memref<10000x128xf32, #tpu.memory_space<vmem>>, %arg4: memref<10000x1xf32, #tpu.memory_space<vmem>>, %arg5: memref<1x128xf32, #tpu.memory_space<vmem>>, %arg6: memref<1x128xf32, #tpu.memory_space<vmem>>, %arg7: memref<1x128xf32, #tpu.memory_space<vmem>>, %arg8: memref<128x128xf32, #tpu.memory_space<vmem>>, %arg9: memref<10000x128xf32, #tpu.memory_space<vmem>>, %arg10: memref<10000x128xf32, #tpu.memory_space<vmem>>) attributes {dimension_semantics = [], scalar_prefetch = 0 : i64, scratch_operands = 0 : i64, tpu.core_type = #tpu.core_type<tc>} {
    %get3A = arith.constant 0 : index
    %get3A_0 = arith.constant 0 : index
    %get3A_1 = vector.load %arg4[%get3A, %get3A_0] : memref<10000x1xf32, #tpu.memory_space<vmem>>, vector<10000x1xf32>
    %get3A_2 = arith.constant 0 : index
    %get3A_3 = arith.constant 0 : index
    %get3A_4 = vector.load %arg0[%get3A_2, %get3A_3] : memref<10000x128xf32, #tpu.memory_space<vmem>>, vector<10000x128xf32>
    %get3A_5 = arith.constant 0 : index
    %get3A_6 = arith.constant 0 : index
    %get3A_7 = vector.load %arg1[%get3A_5, %get3A_6] : memref<10000x128xf32, #tpu.memory_space<vmem>>, vector<10000x128xf32>
    %add3A = arith.addf %get3A_4, %get3A_7 : vector<10000x128xf32>
    %get3A_8 = arith.constant 0 : index
    %get3A_9 = arith.constant 0 : index
    %get3A_10 = vector.load %arg2[%get3A_8, %get3A_9] : memref<10000x128xf32, #tpu.memory_space<vmem>>, vector<10000x128xf32>
    %sub3A = arith.subf %add3A, %get3A_10 : vector<10000x128xf32>
    %mul3A = vector.broadcast %get3A_1 : vector<10000x1xf32> to vector<10000x128xf32>
    %mul3A_11 = arith.mulf %mul3A, %sub3A : vector<10000x128xf32>
    %get3A_12 = arith.constant 0 : index
    %get3A_13 = arith.constant 0 : index
    %get3A_14 = vector.load %arg5[%get3A_12, %get3A_13] : memref<1x128xf32, #tpu.memory_space<vmem>>, vector<1x128xf32>
    %add3A_15 = vector.broadcast %get3A_14 : vector<1x128xf32> to vector<10000x128xf32>
    %add3A_16 = arith.addf %mul3A_11, %add3A_15 : vector<10000x128xf32>
    %get3A_17 = arith.constant 0 : index
    %get3A_18 = arith.constant 0 : index
    %get3A_19 = vector.load %arg6[%get3A_17, %get3A_18] : memref<1x128xf32, #tpu.memory_space<vmem>>, vector<1x128xf32>
    %get3A_20 = arith.constant 0 : index
    %get3A_21 = arith.constant 0 : index
    %get3A_22 = vector.load %arg7[%get3A_20, %get3A_21] : memref<1x128xf32, #tpu.memory_space<vmem>>, vector<1x128xf32>
    %reduce_sum3A = arith.constant dense<0.000000e+00> : vector<128xf32>
    %reduce_sum3A_23 = vector.multi_reduction <add>, %add3A_16, %reduce_sum3A [0] : vector<10000x128xf32> to vector<128xf32>
    %broadcast_in_dim3A = vector.shape_cast %reduce_sum3A_23 : vector<128xf32> to vector<1x128xf32>
    %div3A = arith.constant 1.000000e+04 : f32
    %div3A_24 = vector.broadcast %div3A : f32 to vector<1x128xf32>
    %div3A_25 = arith.divf %broadcast_in_dim3A, %div3A_24 : vector<1x128xf32>
    %sub3A_26 = vector.broadcast %div3A_25 : vector<1x128xf32> to vector<10000x128xf32>
    %sub3A_27 = arith.subf %add3A_16, %sub3A_26 : vector<10000x128xf32>
    %sub3A_28 = vector.broadcast %div3A_25 : vector<1x128xf32> to vector<10000x128xf32>
    %sub3A_29 = arith.subf %add3A_16, %sub3A_28 : vector<10000x128xf32>
    %mul3A_30 = arith.mulf %sub3A_27, %sub3A_29 : vector<10000x128xf32>
    %reduce_sum3A_31 = arith.constant dense<0.000000e+00> : vector<128xf32>
    %reduce_sum3A_32 = vector.multi_reduction <add>, %mul3A_30, %reduce_sum3A_31 [0] : vector<10000x128xf32> to vector<128xf32>
    %broadcast_in_dim3A_33 = vector.shape_cast %reduce_sum3A_32 : vector<128xf32> to vector<1x128xf32>
    %div3A_34 = arith.constant 1.000000e+04 : f32
    %div3A_35 = vector.broadcast %div3A_34 : f32 to vector<1x128xf32>
    %div3A_36 = arith.divf %broadcast_in_dim3A_33, %div3A_35 : vector<1x128xf32>
    %sub3A_37 = vector.broadcast %div3A_25 : vector<1x128xf32> to vector<10000x128xf32>
    %sub3A_38 = arith.subf %add3A_16, %sub3A_37 : vector<10000x128xf32>
    %add3A_39 = arith.constant 9.99999974E-6 : f32
    %add3A_40 = vector.broadcast %add3A_39 : f32 to vector<1x128xf32>
    %add3A_41 = arith.addf %div3A_36, %add3A_40 : vector<1x128xf32>
    %rsqrt3A = math.rsqrt %add3A_41 : vector<1x128xf32>
    %mul3A_42 = vector.broadcast %rsqrt3A : vector<1x128xf32> to vector<10000x128xf32>
    %mul3A_43 = arith.mulf %sub3A_38, %mul3A_42 : vector<10000x128xf32>
    %mul3A_44 = vector.broadcast %get3A_19 : vector<1x128xf32> to vector<10000x128xf32>
    %mul3A_45 = arith.mulf %mul3A_43, %mul3A_44 : vector<10000x128xf32>
    %add3A_46 = vector.broadcast %get3A_22 : vector<1x128xf32> to vector<10000x128xf32>
    %add3A_47 = arith.addf %mul3A_45, %add3A_46 : vector<10000x128xf32>
    %max3A = arith.constant 0.000000e+00 : f32
    %max3A_48 = vector.broadcast %max3A : f32 to vector<10000x128xf32>
    %max3A_49 = arith.maximumf %add3A_47, %max3A_48 : vector<10000x128xf32>
    %swap3A = arith.constant 0 : index
    %swap3A_50 = arith.constant 0 : index
    %swap3A_51 = vector.load %arg9[%swap3A, %swap3A_50] : memref<10000x128xf32, #tpu.memory_space<vmem>>, vector<10000x128xf32>
    tpu.vector_store %arg9[%swap3A, %swap3A_50], %max3A_49 {strides = array<i32>} : memref<10000x128xf32, #tpu.memory_space<vmem>>, vector<10000x128xf32>,
    %get3A_52 = arith.constant 0 : index
    %get3A_53 = arith.constant 0 : index
    %get3A_54 = vector.load %arg8[%get3A_52, %get3A_53] : memref<128x128xf32, #tpu.memory_space<vmem>>, vector<128x128xf32>
    %dot_general3A = arith.constant dense<0.000000e+00> : vector<10000x128xf32>
    %dot_general3A_55 = tpu.matmul %max3A_49, %get3A_54, %dot_general3A {dimension_numbers = #tpu.dot_dimension_numbers<[1], [0], [0], [1], [0, 0, 1, 1], [], []>, transpose_lhs_hint = false} : vector<10000x128xf32>, vector<128x128xf32>, vector<10000x128xf32> -> vector<10000x128xf32>
    %get3A_56 = arith.constant 0 : index
    %get3A_57 = arith.constant 0 : index
    %get3A_58 = vector.load %arg4[%get3A_56, %get3A_57] : memref<10000x1xf32, #tpu.memory_space<vmem>>, vector<10000x1xf32>
    %mul3A_59 = vector.broadcast %get3A_58 : vector<10000x1xf32> to vector<10000x128xf32>
    %mul3A_60 = arith.mulf %dot_general3A_55, %mul3A_59 : vector<10000x128xf32>
    %swap3A_61 = arith.constant 0 : index
    %swap3A_62 = arith.constant 0 : index
    %swap3A_63 = vector.load %arg10[%swap3A_61, %swap3A_62] : memref<10000x128xf32, #tpu.memory_space<vmem>>, vector<10000x128xf32>
    tpu.vector_store %arg10[%swap3A_61, %swap3A_62], %mul3A_60 {strides = array<i32>} : memref<10000x128xf32, #tpu.memory_space<vmem>>, vector<10000x128xf32>,
    return
  }
}

module attributes {stable_mosaic.version = 14 : i64} {
  func.func @_tc_mid_body(%arg0: memref<10000x128xf32, #tpu.memory_space<vmem>>, %arg1: memref<10000x128xf32, #tpu.memory_space<vmem>>, %arg2: memref<10000x128xf32, #tpu.memory_space<vmem>>, %arg3: memref<10000x128xf32, #tpu.memory_space<vmem>>, %arg4: memref<10000x1xf32, #tpu.memory_space<vmem>>, %arg5: memref<1x128xf32, #tpu.memory_space<vmem>>, %arg6: memref<1x128xf32, #tpu.memory_space<vmem>>, %arg7: memref<1x128xf32, #tpu.memory_space<vmem>>, %arg8: memref<128x128xf32, #tpu.memory_space<vmem>>, %arg9: memref<10000x128xf32, #tpu.memory_space<vmem>>, %arg10: memref<10000x128xf32, #tpu.memory_space<vmem>>) attributes {dimension_semantics = [], scalar_prefetch = 0 : i64, scratch_operands = 0 : i64, tpu.core_type = #tpu.core_type<tc>} {
    %get3A = arith.constant 0 : index
    %get3A_0 = arith.constant 0 : index
    %get3A_1 = vector.load %arg4[%get3A, %get3A_0] : memref<10000x1xf32, #tpu.memory_space<vmem>>, vector<10000x1xf32>
    %get3A_2 = arith.constant 0 : index
    %get3A_3 = arith.constant 0 : index
    %get3A_4 = vector.load %arg0[%get3A_2, %get3A_3] : memref<10000x128xf32, #tpu.memory_space<vmem>>, vector<10000x128xf32>
    %get3A_5 = arith.constant 0 : index
    %get3A_6 = arith.constant 0 : index
    %get3A_7 = vector.load %arg1[%get3A_5, %get3A_6] : memref<10000x128xf32, #tpu.memory_space<vmem>>, vector<10000x128xf32>
    %add3A = arith.addf %get3A_4, %get3A_7 : vector<10000x128xf32>
    %get3A_8 = arith.constant 0 : index
    %get3A_9 = arith.constant 0 : index
    %get3A_10 = vector.load %arg2[%get3A_8, %get3A_9] : memref<10000x128xf32, #tpu.memory_space<vmem>>, vector<10000x128xf32>
    %sub3A = arith.subf %add3A, %get3A_10 : vector<10000x128xf32>
    %mul3A = vector.broadcast %get3A_1 : vector<10000x1xf32> to vector<10000x128xf32>
    %mul3A_11 = arith.mulf %mul3A, %sub3A : vector<10000x128xf32>
    %get3A_12 = arith.constant 0 : index
    %get3A_13 = arith.constant 0 : index
    %get3A_14 = vector.load %arg5[%get3A_12, %get3A_13] : memref<1x128xf32, #tpu.memory_space<vmem>>, vector<1x128xf32>
    %add3A_15 = vector.broadcast %get3A_14 : vector<1x128xf32> to vector<10000x128xf32>
    %add3A_16 = arith.addf %mul3A_11, %add3A_15 : vector<10000x128xf32>
    %get3A_17 = arith.constant 0 : index
    %get3A_18 = arith.constant 0 : index
    %get3A_19 = vector.load %arg3[%get3A_17, %get3A_18] : memref<10000x128xf32, #tpu.memory_space<vmem>>, vector<10000x128xf32>
    %add3A_20 = arith.addf %get3A_19, %add3A_16 : vector<10000x128xf32>
    %get3A_21 = arith.constant 0 : index
    %get3A_22 = arith.constant 0 : index
    %get3A_23 = vector.load %arg6[%get3A_21, %get3A_22] : memref<1x128xf32, #tpu.memory_space<vmem>>, vector<1x128xf32>
    %get3A_24 = arith.constant 0 : index
    %get3A_25 = arith.constant 0 : index
    %get3A_26 = vector.load %arg7[%get3A_24, %get3A_25] : memref<1x128xf32, #tpu.memory_space<vmem>>, vector<1x128xf32>
    %reduce_sum3A = arith.constant dense<0.000000e+00> : vector<128xf32>
    %reduce_sum3A_27 = vector.multi_reduction <add>, %add3A_20, %reduce_sum3A [0] : vector<10000x128xf32> to vector<128xf32>
    %broadcast_in_dim3A = vector.shape_cast %reduce_sum3A_27 : vector<128xf32> to vector<1x128xf32>
    %div3A = arith.constant 1.000000e+04 : f32
    %div3A_28 = vector.broadcast %div3A : f32 to vector<1x128xf32>
    %div3A_29 = arith.divf %broadcast_in_dim3A, %div3A_28 : vector<1x128xf32>
    %sub3A_30 = vector.broadcast %div3A_29 : vector<1x128xf32> to vector<10000x128xf32>
    %sub3A_31 = arith.subf %add3A_20, %sub3A_30 : vector<10000x128xf32>
    %sub3A_32 = vector.broadcast %div3A_29 : vector<1x128xf32> to vector<10000x128xf32>
    %sub3A_33 = arith.subf %add3A_20, %sub3A_32 : vector<10000x128xf32>
    %mul3A_34 = arith.mulf %sub3A_31, %sub3A_33 : vector<10000x128xf32>
    %reduce_sum3A_35 = arith.constant dense<0.000000e+00> : vector<128xf32>
    %reduce_sum3A_36 = vector.multi_reduction <add>, %mul3A_34, %reduce_sum3A_35 [0] : vector<10000x128xf32> to vector<128xf32>
    %broadcast_in_dim3A_37 = vector.shape_cast %reduce_sum3A_36 : vector<128xf32> to vector<1x128xf32>
    %div3A_38 = arith.constant 1.000000e+04 : f32
    %div3A_39 = vector.broadcast %div3A_38 : f32 to vector<1x128xf32>
    %div3A_40 = arith.divf %broadcast_in_dim3A_37, %div3A_39 : vector<1x128xf32>
    %sub3A_41 = vector.broadcast %div3A_29 : vector<1x128xf32> to vector<10000x128xf32>
    %sub3A_42 = arith.subf %add3A_20, %sub3A_41 : vector<10000x128xf32>
    %add3A_43 = arith.constant 9.99999974E-6 : f32
    %add3A_44 = vector.broadcast %add3A_43 : f32 to vector<1x128xf32>
    %add3A_45 = arith.addf %div3A_40, %add3A_44 : vector<1x128xf32>
    %rsqrt3A = math.rsqrt %add3A_45 : vector<1x128xf32>
    %mul3A_46 = vector.broadcast %rsqrt3A : vector<1x128xf32> to vector<10000x128xf32>
    %mul3A_47 = arith.mulf %sub3A_42, %mul3A_46 : vector<10000x128xf32>
    %mul3A_48 = vector.broadcast %get3A_23 : vector<1x128xf32> to vector<10000x128xf32>
    %mul3A_49 = arith.mulf %mul3A_47, %mul3A_48 : vector<10000x128xf32>
    %add3A_50 = vector.broadcast %get3A_26 : vector<1x128xf32> to vector<10000x128xf32>
    %add3A_51 = arith.addf %mul3A_49, %add3A_50 : vector<10000x128xf32>
    %max3A = arith.constant 0.000000e+00 : f32
    %max3A_52 = vector.broadcast %max3A : f32 to vector<10000x128xf32>
    %max3A_53 = arith.maximumf %add3A_51, %max3A_52 : vector<10000x128xf32>
    %swap3A = arith.constant 0 : index
    %swap3A_54 = arith.constant 0 : index
    %swap3A_55 = vector.load %arg9[%swap3A, %swap3A_54] : memref<10000x128xf32, #tpu.memory_space<vmem>>, vector<10000x128xf32>
    tpu.vector_store %arg9[%swap3A, %swap3A_54], %max3A_53 {strides = array<i32>} : memref<10000x128xf32, #tpu.memory_space<vmem>>, vector<10000x128xf32>,
    %get3A_56 = arith.constant 0 : index
    %get3A_57 = arith.constant 0 : index
    %get3A_58 = vector.load %arg8[%get3A_56, %get3A_57] : memref<128x128xf32, #tpu.memory_space<vmem>>, vector<128x128xf32>
    %dot_general3A = arith.constant dense<0.000000e+00> : vector<10000x128xf32>
    %dot_general3A_59 = tpu.matmul %max3A_53, %get3A_58, %dot_general3A {dimension_numbers = #tpu.dot_dimension_numbers<[1], [0], [0], [1], [0, 0, 1, 1], [], []>, transpose_lhs_hint = false} : vector<10000x128xf32>, vector<128x128xf32>, vector<10000x128xf32> -> vector<10000x128xf32>
    %get3A_60 = arith.constant 0 : index
    %get3A_61 = arith.constant 0 : index
    %get3A_62 = vector.load %arg4[%get3A_60, %get3A_61] : memref<10000x1xf32, #tpu.memory_space<vmem>>, vector<10000x1xf32>
    %mul3A_63 = vector.broadcast %get3A_62 : vector<10000x1xf32> to vector<10000x128xf32>
    %mul3A_64 = arith.mulf %dot_general3A_59, %mul3A_63 : vector<10000x128xf32>
    %swap3A_65 = arith.constant 0 : index
    %swap3A_66 = arith.constant 0 : index
    %swap3A_67 = vector.load %arg10[%swap3A_65, %swap3A_66] : memref<10000x128xf32, #tpu.memory_space<vmem>>, vector<10000x128xf32>
    tpu.vector_store %arg10[%swap3A_65, %swap3A_66], %mul3A_64 {strides = array<i32>} : memref<10000x128xf32, #tpu.memory_space<vmem>>, vector<10000x128xf32>,
    return
  }
}

module attributes {stable_mosaic.version = 14 : i64} {
  func.func @_tc_post_body(%arg0: memref<10000x128xf32, #tpu.memory_space<vmem>>, %arg1: memref<10000x128xf32, #tpu.memory_space<vmem>>, %arg2: memref<10000x128xf32, #tpu.memory_space<vmem>>, %arg3: memref<10000x128xf32, #tpu.memory_space<vmem>>, %arg4: memref<10000x1xf32, #tpu.memory_space<vmem>>, %arg5: memref<1x128xf32, #tpu.memory_space<vmem>>, %arg6: memref<1x128xf32, #tpu.memory_space<vmem>>, %arg7: memref<1x128xf32, #tpu.memory_space<vmem>>, %arg8: memref<128x1xf32, #tpu.memory_space<vmem>>, %arg9: memref<1x1xf32, #tpu.memory_space<vmem>>, %arg10: memref<10000x1xf32, #tpu.memory_space<vmem>>) attributes {dimension_semantics = [], scalar_prefetch = 0 : i64, scratch_operands = 0 : i64, tpu.core_type = #tpu.core_type<tc>} {
    %get3A = arith.constant 0 : index
    %get3A_0 = arith.constant 0 : index
    %get3A_1 = vector.load %arg3[%get3A, %get3A_0] : memref<10000x128xf32, #tpu.memory_space<vmem>>, vector<10000x128xf32>
    %get3A_2 = arith.constant 0 : index
    %get3A_3 = arith.constant 0 : index
    %get3A_4 = vector.load %arg4[%get3A_2, %get3A_3] : memref<10000x1xf32, #tpu.memory_space<vmem>>, vector<10000x1xf32>
    %get3A_5 = arith.constant 0 : index
    %get3A_6 = arith.constant 0 : index
    %get3A_7 = vector.load %arg0[%get3A_5, %get3A_6] : memref<10000x128xf32, #tpu.memory_space<vmem>>, vector<10000x128xf32>
    %get3A_8 = arith.constant 0 : index
    %get3A_9 = arith.constant 0 : index
    %get3A_10 = vector.load %arg1[%get3A_8, %get3A_9] : memref<10000x128xf32, #tpu.memory_space<vmem>>, vector<10000x128xf32>
    %add3A = arith.addf %get3A_7, %get3A_10 : vector<10000x128xf32>
    %get3A_11 = arith.constant 0 : index
    %get3A_12 = arith.constant 0 : index
    %get3A_13 = vector.load %arg2[%get3A_11, %get3A_12] : memref<10000x128xf32, #tpu.memory_space<vmem>>, vector<10000x128xf32>
    %sub3A = arith.subf %add3A, %get3A_13 : vector<10000x128xf32>
    %mul3A = vector.broadcast %get3A_4 : vector<10000x1xf32> to vector<10000x128xf32>
    %mul3A_14 = arith.mulf %mul3A, %sub3A : vector<10000x128xf32>
    %add3A_15 = arith.addf %get3A_1, %mul3A_14 : vector<10000x128xf32>
    %get3A_16 = arith.constant 0 : index
    %get3A_17 = arith.constant 0 : index
    %get3A_18 = vector.load %arg5[%get3A_16, %get3A_17] : memref<1x128xf32, #tpu.memory_space<vmem>>, vector<1x128xf32>
    %add3A_19 = vector.broadcast %get3A_18 : vector<1x128xf32> to vector<10000x128xf32>
    %add3A_20 = arith.addf %add3A_15, %add3A_19 : vector<10000x128xf32>
    %get3A_21 = arith.constant 0 : index
    %get3A_22 = arith.constant 0 : index
    %get3A_23 = vector.load %arg6[%get3A_21, %get3A_22] : memref<1x128xf32, #tpu.memory_space<vmem>>, vector<1x128xf32>
    %get3A_24 = arith.constant 0 : index
    %get3A_25 = arith.constant 0 : index
    %get3A_26 = vector.load %arg7[%get3A_24, %get3A_25] : memref<1x128xf32, #tpu.memory_space<vmem>>, vector<1x128xf32>
    %reduce_sum3A = arith.constant dense<0.000000e+00> : vector<128xf32>
    %reduce_sum3A_27 = vector.multi_reduction <add>, %add3A_20, %reduce_sum3A [0] : vector<10000x128xf32> to vector<128xf32>
    %broadcast_in_dim3A = vector.shape_cast %reduce_sum3A_27 : vector<128xf32> to vector<1x128xf32>
    %div3A = arith.constant 1.000000e+04 : f32
    %div3A_28 = vector.broadcast %div3A : f32 to vector<1x128xf32>
    %div3A_29 = arith.divf %broadcast_in_dim3A, %div3A_28 : vector<1x128xf32>
    %sub3A_30 = vector.broadcast %div3A_29 : vector<1x128xf32> to vector<10000x128xf32>
    %sub3A_31 = arith.subf %add3A_20, %sub3A_30 : vector<10000x128xf32>
    %sub3A_32 = vector.broadcast %div3A_29 : vector<1x128xf32> to vector<10000x128xf32>
    %sub3A_33 = arith.subf %add3A_20, %sub3A_32 : vector<10000x128xf32>
    %mul3A_34 = arith.mulf %sub3A_31, %sub3A_33 : vector<10000x128xf32>
    %reduce_sum3A_35 = arith.constant dense<0.000000e+00> : vector<128xf32>
    %reduce_sum3A_36 = vector.multi_reduction <add>, %mul3A_34, %reduce_sum3A_35 [0] : vector<10000x128xf32> to vector<128xf32>
    %broadcast_in_dim3A_37 = vector.shape_cast %reduce_sum3A_36 : vector<128xf32> to vector<1x128xf32>
    %div3A_38 = arith.constant 1.000000e+04 : f32
    %div3A_39 = vector.broadcast %div3A_38 : f32 to vector<1x128xf32>
    %div3A_40 = arith.divf %broadcast_in_dim3A_37, %div3A_39 : vector<1x128xf32>
    %sub3A_41 = vector.broadcast %div3A_29 : vector<1x128xf32> to vector<10000x128xf32>
    %sub3A_42 = arith.subf %add3A_20, %sub3A_41 : vector<10000x128xf32>
    %add3A_43 = arith.constant 9.99999974E-6 : f32
    %add3A_44 = vector.broadcast %add3A_43 : f32 to vector<1x128xf32>
    %add3A_45 = arith.addf %div3A_40, %add3A_44 : vector<1x128xf32>
    %rsqrt3A = math.rsqrt %add3A_45 : vector<1x128xf32>
    %mul3A_46 = vector.broadcast %rsqrt3A : vector<1x128xf32> to vector<10000x128xf32>
    %mul3A_47 = arith.mulf %sub3A_42, %mul3A_46 : vector<10000x128xf32>
    %mul3A_48 = vector.broadcast %get3A_23 : vector<1x128xf32> to vector<10000x128xf32>
    %mul3A_49 = arith.mulf %mul3A_47, %mul3A_48 : vector<10000x128xf32>
    %add3A_50 = vector.broadcast %get3A_26 : vector<1x128xf32> to vector<10000x128xf32>
    %add3A_51 = arith.addf %mul3A_49, %add3A_50 : vector<10000x128xf32>
    %max3A = arith.constant 0.000000e+00 : f32
    %max3A_52 = vector.broadcast %max3A : f32 to vector<10000x128xf32>
    %max3A_53 = arith.maximumf %add3A_51, %max3A_52 : vector<10000x128xf32>
    %get3A_54 = arith.constant 0 : index
    %get3A_55 = arith.constant 0 : index
    %get3A_56 = vector.load %arg8[%get3A_54, %get3A_55] : memref<128x1xf32, #tpu.memory_space<vmem>>, vector<128x1xf32>
    %dot_general3A = arith.constant dense<0.000000e+00> : vector<10000x1xf32>
    %dot_general3A_57 = tpu.matmul %max3A_53, %get3A_56, %dot_general3A {dimension_numbers = #tpu.dot_dimension_numbers<[1], [0], [0], [1], [0, 0, 1, 1], [], []>, transpose_lhs_hint = false} : vector<10000x128xf32>, vector<128x1xf32>, vector<10000x1xf32> -> vector<10000x1xf32>
    %get3A_58 = arith.constant 0 : index
    %get3A_59 = arith.constant 0 : index
    %get3A_60 = vector.load %arg9[%get3A_58, %get3A_59] : memref<1x1xf32, #tpu.memory_space<vmem>>, vector<1x1xf32>
    %add3A_61 = vector.broadcast %get3A_60 : vector<1x1xf32> to vector<10000x1xf32>
    %add3A_62 = arith.addf %dot_general3A_57, %add3A_61 : vector<10000x1xf32>
    %logistic3A = arith.negf %add3A_62 : vector<10000x1xf32>
    %logistic3A_63 = math.exp %logistic3A : vector<10000x1xf32>
    %logistic3A_64 = arith.constant 1.000000e+00 : f32
    %logistic3A_65 = vector.broadcast %logistic3A_64 : f32 to vector<10000x1xf32>
    %logistic3A_66 = arith.addf %logistic3A_65, %logistic3A_63 : vector<10000x1xf32>
    %logistic3A_67 = arith.divf %logistic3A_65, %logistic3A_66 : vector<10000x1xf32>
    %swap3A = arith.constant 0 : index
    %swap3A_68 = arith.constant 0 : index
    %swap3A_69 = vector.load %arg10[%swap3A, %swap3A_68] : memref<10000x1xf32, #tpu.memory_space<vmem>>, vector<10000x1xf32>
    tpu.vector_store %arg10[%swap3A, %swap3A_68], %logistic3A_67 {strides = array<i32>} : memref<10000x1xf32, #tpu.memory_space<vmem>>, vector<10000x1xf32>,
    return
  }
}

</mosaic_0001>

<sc_bundles>
// kernel: kernel.10.cloned.1.call-start
scs
__scs_entry_jumppad:
0x0: {  	(pc) =	sbr.rel $0x88, $3  }
0x1: {  	(tag) =	ssettag $0x0;
	lr =	simm.s32 $0x1  }
0x2: {  	[smem:$0x3F91] =	sst lr;
	_ =	strace $0xD0000000  }
0x3: {  	_ = 	snop  }
0x4: {  	_ = 	snop  }
0x5: {  	_ = 	snop  }
0x6: {  	_ = 	snop  }
0x7: {  	_ = 	snop  }
__scs_overlays_trampoline_lowered:
0x8: {  	[smem:$0x3FA0] =	sst s0  }
0x9: {  	[smem:$0x3FA1] =	sst s1  }
0xa: {  	[smem:$0x3FA2] =	sst s2  }
0xb: {  	[smem:$0x3FA3] =	sst s3  }
0xc: {  	[smem:$0x3FA4] =	sst s4  }
0xd: {  	[smem:$0x3FA5] =	sst s5  }
0xe: {  	[smem:$0x3FA6] =	sst s6  }
0xf: {  	[smem:$0x3FA7] =	sst s7  }
0x10: {  	[smem:$0x3FA8] =	sst s8  }
0x11: {  	[smem:$0x3FA9] =	sst s9;
	s0 =	simm.s32 @!p0 $0x0  }
0x12: {  	s1 =	sld [smem:$0x3F8F];
	s0 =	simm.s32 @p0 $0x1  }
0x13: {  	[smem:$0x3FAA] =	sst s0;
	s0 =	simm.s32 @!p1 $0x0  }
0x14: {  	s2 =	sld [smem:$0x3F8E];
	s0 =	simm.s32 @p1 $0x1  }
0x15: {  	[smem:$0x3FAB] =	sst s0;
	s0 =	simm.s32 @!p2 $0x0  }
0x16: {  	s3 =	sld [smem:$0x3FDB];
	s0 =	simm.s32 @p2 $0x1  }
0x17: {  	s4 =	simm.s32 $0x1BF5;
	[smem:$0x3FAD] =	sst s0  }
0x18: {  	s0 =	sld [smem:$0x3F90];
	_ =	swait.ge [sflag:s4], $0x0  }
0x19: {  	s7 =	sld [smem:$0x3F91]  }
0x1a: {  	s8 =	sadd.s32 $0xFFFFE003, lr  }
0x1b: {  	s9 =	sadd.s32 $0xFFFFFEF7, lr;
	s5 =	simm.s32 $0xFFFFFFFF;
	p2 =	slt.u32 s8, $0xFFFFF086  }
0x1c: {  	p1 =	slt.u32 s9, $0xF7A;
	s5 =	simm.s32 @!p2 $0x0  }
0x1d: {  	s5 =	simm.s32 @p1 $0x1;
	p0 =	seq.s32 s7, s2  }
0x1e: {  	s7 =	smul.u32 @!p0 $0xF7A, s2;
	p2 =	seq.s32 @!p0 s5, $0x0  }
0x1f: {  	s9 =	smul.u32 $0xF7A, s1;
	s8 =	simm.s32 @!p0 $0x1BF5;
	p2 =	por !p2, p0  }
0x20: {  	[sflag:s8] =	ssyncset.s32 @!p0 $0xFFFFF086;
	s6 =	sadd.s32 @!p0 s3, s7;
	s7 =	simm.s32 @!p0 $0x108  }
0x21: {  	s3 =	sadd.s32 s3, s9;
	s6 =	sadd.s32 @!p0 $0x88, s6;
	s7 =	simm.s32 @p2 $0x1082  }
0x22: {  	[simem:s7], [sflag:s8] =	dma.local @!p0 [hbm:s6], $0xF7A  }
0x23: {  	s9 =	sor.u32 $0xD0000000, s2;
	s6 =	simm.s32 $0x108;
	_ =	swait.ge @!p0 [sflag:s8], $0x0  }
0x24: {  	s3 =	sadd.s32 $0x88, s3;
	s6 =	simm.s32 @!p1 $0x1082;
	[sflag:s4] =	ssyncset.s32 $0xFFFFF086  }
0x25: {  	[simem:s6], [sflag:s4] =	dma.local [hbm:s3], $0xF7A  }
0x26: {  	[smem:$0x3F91] =	sst s1;
	(tag) =	ssettag s2;
	_ =	strace s9  }
0x27: {  	s1 =	sld [smem:$0x3FA1]  }
0x28: {  	s2 =	sld [smem:$0x3FA2]  }
0x29: {  	s4 =	sld [smem:$0x3FA4]  }
0x2a: {  	p0 =	seq.s32 s5, $0x0;
	s5 =	sld [smem:$0x3FA5]  }
0x2b: {  	s6 =	sld [smem:$0x3FA6]  }
0x2c: {  	s7 =	sld [smem:$0x3FA7]  }
0x2d: {  	s3 =	simm.s32 $0x108;
	s8 =	sld [smem:$0x3FA8]  }
0x2e: {  	s3 =	simm.s32 @!p0 $0x1082;
	s9 =	sld [smem:$0x3FA9]  }
0x2f: {  	lr =	sadd.s32 s0, s3;
	s0 =	sld [smem:$0x3FA0]  }
0x30: {  	s3 =	sld [smem:$0x3FA3]  }
0x31: {  	[smem:$0x3FAC] =	sst s10  }
0x32: {  	s10 =	sld [smem:$0x3FAA];
	_ =	sdelay $0x3  }
0x33: {  	p0 =	seq.s32 s10, $0x1;
	s10 =	sld [smem:$0x3FAC];
	_ =	sdelay $0x3  }
0x34: {  	[smem:$0x3FAC] =	sst s10  }
0x35: {  	s10 =	sld [smem:$0x3FAB];
	_ =	sdelay $0x3  }
0x36: {  	p1 =	seq.s32 s10, $0x1;
	s10 =	sld [smem:$0x3FAC];
	_ =	sdelay $0x3  }
0x37: {  	[smem:$0x3FAC] =	sst s10  }
0x38: {  	s10 =	sld [smem:$0x3FAD]  }
0x39: {  	_ = 	snop;
	(pc) =	sbr.ind lr, $3  }
0x3a: {  	_ = 	snop  }
0x3b: {  	_ = 	snop  }
0x3c: {  	p2 =	seq.s32 s10, $0x1;
	s10 =	sld [smem:$0x3FAC]  }
0x3d: {  	_ =	shalt  }
0x3e: {  	_ =	shalt  }
0x3f: {  	_ =	shalt  }
0x40: {  	_ =	shalt  }
0x41: {  	_ =	shalt  }
0x42: {  	_ =	shalt  }
0x43: {  	_ =	shalt  }
0x44: {  	_ =	shalt  }
0x45: {  	_ =	shalt  }
0x46: {  	_ =	shalt  }
0x47: {  	_ =	shalt  }
0x48: {  	_ =	shalt  }
0x49: {  	_ =	shalt  }
0x4a: {  	_ =	shalt  }
0x4b: {  	_ =	shalt  }
0x4c: {  	_ =	shalt  }
0x4d: {  	_ =	shalt  }
0x4e: {  	_ =	shalt  }
0x4f: {  	_ =	shalt  }
0x50: {  	_ =	shalt  }
0x51: {  	_ =	shalt  }
0x52: {  	_ =	shalt  }
0x53: {  	_ =	shalt  }
0x54: {  	_ =	shalt  }
0x55: {  	_ =	shalt  }
0x56: {  	_ =	shalt  }
0x57: {  	_ =	shalt  }
0x58: {  	_ =	shalt  }
0x59: {  	_ =	shalt  }
0x5a: {  	_ =	shalt  }
0x5b: {  	_ =	shalt  }
0x5c: {  	_ =	shalt  }
0x5d: {  	_ =	shalt  }
0x5e: {  	_ =	shalt  }
0x5f: {  	_ =	shalt  }
0x60: {  	_ =	shalt  }
0x61: {  	_ =	shalt  }
0x62: {  	_ =	shalt  }
0x63: {  	_ =	shalt  }
0x64: {  	_ =	shalt  }
0x65: {  	_ =	shalt  }
0x66: {  	_ =	shalt  }
0x67: {  	_ =	shalt  }
0x68: {  	_ =	shalt  }
0x69: {  	_ =	shalt  }
0x6a: {  	_ =	shalt  }
0x6b: {  	_ =	shalt  }
0x6c: {  	_ =	shalt  }
0x6d: {  	_ =	shalt  }
0x6e: {  	_ =	shalt  }
0x6f: {  	_ =	shalt  }
0x70: {  	_ =	shalt  }
0x71: {  	_ =	shalt  }
0x72: {  	_ =	shalt  }
0x73: {  	_ =	shalt  }
0x74: {  	_ =	shalt  }
0x75: {  	_ =	shalt  }
0x76: {  	_ =	shalt  }
0x77: {  	_ =	shalt  }
0x78: {  	_ =	shalt  }
0x79: {  	_ =	shalt  }
0x7a: {  	_ =	shalt  }
0x7b: {  	_ =	shalt  }
0x7c: {  	_ =	shalt  }
0x7d: {  	_ =	shalt  }
0x7e: {  	_ =	shalt  }
0x7f: {  	_ =	shalt  }
0x80: {  	_ =	shalt  }
0x81: {  	_ =	shalt  }
0x82: {  	_ =	shalt  }
0x83: {  	_ =	shalt  }
0x84: {  	_ =	shalt  }
0x85: {  	_ =	shalt  }
0x86: {  	_ =	shalt  }
0x87: {  	_ =	shalt  }
.Lfunc_end0:
.L_simem_size_0:
called_computation_lowered:
.L_overlay_start_0:
0x88: {  	s2 =	sld [smem:$0x3FD9]  }
0x89: {  	s3 =	sld [smem:$0x3FFE];
	_ =	sdelay $0x1  }
0x8a: {  	s1 =	srdreg.scid  }
0x8b: {  	s0 =	sand.u32 $0x1, s1  }
0x8c: {  	s16 =	sshll.u32 s0, $0xA;
	s2 =	sadd.s32 s3, s2  }
0x8d: {  	s2 =	sadd.s32 s2, s16  }
0x8e: {  	[smem:$0x3FB8] =	sst s2  }
0x8f: {  	_ = 	snop  }
0x90: {  	(tm) =	ssettm $0x1  }
0x91: {  	s17 =	sld [smem:$0x3FFB];
	_ =	sdelay $0x3  }
0x92: {  	_ =	strace s17  }
0x93: {  	s2 =	sld [smem:$0x3FFC];
	_ =	sdelay $0x3  }
0x94: {  	_ =	strace s2  }
0x95: {  	s2 =	sld [smem:$0x3FFD];
	_ =	sdelay $0x3  }
0x96: {  	_ =	strace s2  }
0x97: {  	_ =	strace $0x8FFFFFFF  }
0x98: {  	s18 =	sld [smem:$0x3FDB];
	_ =	sdelay $0x1  }
0x99: {  	s19 =	simm.s32 $_scs_section_size  }
0x9a: {  	s4 =	simm.s32 $_size__tile_overlayer_lowered;
	s5 =	simm.s32 $_tile_overlayer_lowered  }
0x9b: {  	s22 =	simm.s32 $0x1BFF;
	s21 =	sshll.u32 s5, $0x1;
	s2 =	sadd.s32 s19, s18  }
0x9c: {  	s6 =	simm.s32 $0x0;
	s20 =	sshll.u32 s4, $0x1;
	s4 =	sadd.s32 s21, s2  }
0x9d: {  	[timem:s6], [sflag:s22] =	dma.local [hbm:s4], s20  }
0x9e: {  	_ =	swait.ge [sflag:s22], s20  }
0x9f: {  	s3 =	ssub.s32 $0x0, s20;
	[sflag:s22] =	ssyncset.done $0x0  }
0xa0: {  	[sflag:s22] =	ssyncadd.s32 s3;
	_ =	sdelay $0x1  }
0xa1: {  	s23 =	simm.s32 $0x1B8B  }
0xa2: {  	_ =	swait.ge [sflag:s23], $0x1  }
0xa3: {  	[sflag:s23] =	ssyncset.done $0x0  }
0xa4: {  	s25 =	simm.s32 $0x1B8E;
	s24 =	sld [smem:$0x3FFE];
	[sflag:s23] =	ssyncadd.s32 $0xFFFFFFFF  }
0xa5: {  	s26 =	simm.s32 $execute0_lowered;
	[smem:$0x3FD2] =	sst s25  }
0xa6: {  	s4 =	sshll.u32 s26, $0x1;
	_ =	strace $0x80000046;
	[dreg:$0x1] =	wrdreg $0xFFFFFFFF  }
0xa7: {  	s28 =	simm.s32 $_size_execute0_lowered;
	s2 =	sadd.s32 s2, s4;
	[dreg:$0x0] =	wrdreg $0x0  }
0xa8: {  	s4 =	sshll.u32 s28, $0x1;
	[dreg:$0x2] =	wrdreg s2  }
0xa9: {  	[dreg:$0x3] =	wrdreg s4  }
0xaa: {  	[dreg:$0x4] =	wrdreg $0xC0  }
0xab: {  	_ =	task [dreg:s6], $0x5FFFF  }
0xac: {  	[dreg:$0x1] =	wrdreg $0xFFFFFFFF  }
0xad: {  	[dreg:$0x0] =	wrdreg $0x60  }
0xae: {  	[dreg:$0x2] =	wrdreg s24  }
0xaf: {  	[dreg:$0x3] =	wrdreg $0x0  }
0xb0: {  	[dreg:$0x4] =	wrdreg $0x9  }
0xb1: {  	_ =	task.clear_ibuf [dreg:s6], $0x5FFFF;
	_ =	strace $0x90000046  }
0xb2: {  	s29 =	simm.s32 $0x9;
	_ =	strace $0x80000048  }
0xb3: {  	_ =	swait.ge [sflag:s29], $0x1  }
0xb4: {  	[sflag:s29] =	ssyncadd.s32 $0xFFFFFFFF  }
0xb5: {  	_ =	strace $0x90000048  }
0xb6: {  	_ =	sfence  }
0xb7: {  	s30 =	sld [smem:$0x0];
	_ =	sdelay $0x2  }
0xb8: {  	s31 =	sshll.u32 s1, $0xD;
	s1 =	sshrl.u32 s1, $0x2  }
0xb9: {  	s3 =	sand.u32 $0x4000, s31;
	s1 =	sadd.s32 s1, s30  }
0xba: {  	s0 =	sor.u32 s3, s0;
	s1 =	sshll.u32 s1, $0x11  }
0xbb: {  	s0 =	sor.u32 s1, s0  }
0xbc: {  	s0 =	sadd.s32 $0x8F2B, s0  }
0xbd: {  	[sflag:s0] =	ssyncadd.remote.s32 $0x1  }
0xbe: {  	_ =	sfence.sel $0xFFFF  }
0xbf: {  	[dreg:$0x0] =	wrdreg $0xFFFFFFFF;
	(pc) =	sbr.abs _section_cstart, $3  }
0xc0: {  	[dreg:$0x1] =	wrdreg $0xFFFFFFFF  }
0xc1: {  	_ =	task.clear_ibuf [dreg:s6], $0x2FFFF;
	_ =	strace $0x9FFFFFFF  }
0xc2: {  	(tm) =	ssettm $0x7FFFFFFF  }
0xc3: {  	_ =	shalt  }
tec
execute0_lowered:
.L_overlay_start_1:
0x0: {  	(tag) =	ssettag $0x1  }
0x1: {  	s4 =	rddreg [dreg:$0x0]  }
0x2: {  	s2 =	rddreg [dreg:$0x1]  }
0x3: {  	s0 =	rddreg [dreg:$0x2];
	s1 =	stileid.u32  }
0x4: {  	s5 =	srdreg.scid;
	s3 =	simm.s32 $0x0;
	s11 =	simm.s32 $0x50  }
0x5: {  	s12 =	simm.s32 $0x280;
	s15 =	simm.s32 $0x0;
	s5 =	sand.u32 $0x1, s5  }
0x6: {  	s6 =	smul.u32 $0x280, s1;
	[smem:$0x7FF] =	sst s3;
	s7 =	sshll.u32 s1, $0xB  }
0x7: {  	s13 =	sshll.u32 s1, $0x6;
	s8 =	smul.u32 $0x2800, s5;
	_ =	strace $0x80000047  }
0x8: {  	s7 =	sadd.s32 s7, s4;
	s9 =	ssub.s32 $0x2, s5;
	s5 =	sshll.u32 s5, $0xF  }
0x9: {  	s13 =	sor.u32 $0x1C01, s13;
	s10 =	sshrl.u32 s9, $0x1;
	s5 =	sadd.s32 s5, s7  }
0xa: {  	s8 =	sadd.s32 s6, s8;
	s31 =	ssub.s32 s9, s10;
	s9 =	simm.s32 $0x1  }
0xb: {  	s10 =	simm.s32 $0x300;
	s8 =	sshrl.u32 s8, $0x3;
	s7 =	smax.u32 s31, $0x1  }
0xc: {  	s30 =	sadd.s32 s8, s4;
	s4 =	sadd.s32 $0x4400, s5;
	s5 =	sadd.s32 s6, s2  }
0xd: {  	v0 =	vimm.f32 $1.000000000e+00;
	v1 =	vimm.f32 $0.0e+00;
	s8 =	simm.s32 $0x580;
	s6 =	sadd.s32 $0x14400, s30;
	s14 =	sshrl.u32 s5, $0x3  }
.LBB2_1:
0xe: {  	[tilespmem:$0x280] =	vst v0  }
0xf: {  	[tilespmem:$0x290] =	vst v0  }
0x10: {  	[tilespmem:$0x2A0] =	vst v0  }
0x11: {  	[tilespmem:$0x2B0] =	vst v0  }
0x12: {  	[tilespmem:$0x2C0] =	vst v0  }
0x13: {  	[tilespmem:$0x300] =	vst v1  }
0x14: {  	[tilespmem:$0x310] =	vst v1  }
0x15: {  	[tilespmem:$0x320] =	vst v1  }
0x16: {  	[tilespmem:$0x330] =	vst v1  }
0x17: {  	[tilespmem:$0x340] =	vst v1  }
0x18: {  	[tilespmem:$0x350] =	vst v1  }
0x19: {  	[tilespmem:$0x360] =	vst v1  }
0x1a: {  	[tilespmem:$0x370] =	vst v1  }
0x1b: {  	[tilespmem:$0x380] =	vst v1  }
0x1c: {  	[tilespmem:$0x390] =	vst v1  }
0x1d: {  	[tilespmem:$0x3A0] =	vst v1  }
0x1e: {  	[tilespmem:$0x3B0] =	vst v1  }
0x1f: {  	[tilespmem:$0x3C0] =	vst v1  }
0x20: {  	[tilespmem:$0x3D0] =	vst v1  }
0x21: {  	[tilespmem:$0x3E0] =	vst v1  }
0x22: {  	[tilespmem:$0x3F0] =	vst v1  }
0x23: {  	[tilespmem:$0x400] =	vst v1  }
0x24: {  	[tilespmem:$0x410] =	vst v1  }
0x25: {  	[tilespmem:$0x420] =	vst v1  }
0x26: {  	[tilespmem:$0x430] =	vst v1  }
0x27: {  	[tilespmem:$0x440] =	vst v1  }
0x28: {  	[tilespmem:$0x450] =	vst v1  }
0x29: {  	[tilespmem:$0x460] =	vst v1  }
0x2a: {  	[tilespmem:$0x470] =	vst v1  }
0x2b: {  	[tilespmem:$0x480] =	vst v1  }
0x2c: {  	[tilespmem:$0x490] =	vst v1  }
0x2d: {  	[tilespmem:$0x4A0] =	vst v1  }
0x2e: {  	[tilespmem:$0x4B0] =	vst v1  }
0x2f: {  	[tilespmem:$0x4C0] =	vst v1  }
0x30: {  	[tilespmem:$0x4D0] =	vst v1  }
0x31: {  	[tilespmem:$0x4E0] =	vst v1  }
0x32: {  	[tilespmem:$0x4F0] =	vst v1  }
0x33: {  	[tilespmem:$0x500] =	vst v1  }
0x34: {  	[tilespmem:$0x510] =	vst v1  }
0x35: {  	[tilespmem:$0x520] =	vst v1  }
0x36: {  	[tilespmem:$0x530] =	vst v1  }
0x37: {  	[tilespmem:$0x540] =	vst v1  }
0x38: {  	[tilespmem:$0x550] =	vst v1  }
0x39: {  	[tilespmem:$0x560] =	vst v1  }
0x3a: {  	[tilespmem:$0x570] =	vst v1  }
0x3b: {  	[tilespmem:s8], [sflag:$0x1] =	stream.linear.gather [hbm4b:s4+s3], $0x3E80, $0x38;
	[tilespmem:$0x4580] =	vst v63  }
0x3c: {  	_ =	swait.ge [sflag:s9], $0x3E80  }
0x3d: {  	[sflag:s9] =	ssyncset.done $0x0  }
0x3e: {  	[sflag:s9] =	ssyncadd.s32 $0xFFFFC180  }
0x3f: {  	[spmem:s5] =	stream.linear.scatter [tilespmem:s10], [sflag:$0x1], $0x280, $0x38;
	[tilespmem:$0x4580] =	vst v63  }
0x40: {  	_ =	swait.ge [sflag:s9], $0x280  }
0x41: {  	[sflag:s9] =	ssyncset.done $0x0  }
0x42: {  	[sflag:s9] =	ssyncadd.s32 $0xFFFFFD80  }
0x43: {  	s16 =	simm.s32 $0x580;
	[bflag:$0x0] =	sbarrier.arrive $0xFFFF  }
0x44: {  	[spmem:s2] =	stream.indirect.scatter.add.f32 [tilespmem:s12], [sflag:$0x1], $0x1, s16, s11, $0xb8;
	[tilespmem:$0x4580] =	vst v63  }
0x45: {  	s16 =	simm.s32 $0x200;
	_ =	swait.ge [sflag:s9], $0x50  }
.LBB2_2:
0x46: {  	s17 =	sshra.s32 s16, $0x2;
	[sflag:s9] =	ssyncset.done $0x0;
	p0 =	sne.s32 s16, $0xF800  }
.Ltmp0:
0x47: {  	s17 =	sadd.s32 $0x580, s17;
	[sflag:s9] =	ssyncadd.s32 $0xFFFFFFB0;
	(pc) =	sbr.rel @p0 .LBB2_2-.Ltmp0, $3  }
0x48: {  	[spmem:s2] =	stream.indirect.scatter.add.f32 [tilespmem:s12], [sflag:$0x1], $0x1, s17, s11, $0xb8;
	[tilespmem:$0x4580] =	vst v63  }
0x49: {  	s16 =	sadd.s32 $0x200, s16;
	_ =	sdelay $0x1  }
0x4a: {  	_ =	swait.ge [sflag:s9], $0x50  }
0x4b: {  	[sflag:s9] =	ssyncset.done $0x0;
	s15 =	sadd.s32 $0x1, s15  }
0x4c: {  	[sflag:s9] =	ssyncadd.s32 $0xFFFFFFB0;
	p0 =	sne.s32 s15, s7  }
.Ltmp1:
0x4d: {  	[bflag:$0x0] =	sbarrier.arrive $0xFFFF;
	(pc) =	sbr.rel @p0 .LBB2_1-.Ltmp1, $4  }
0x4e: {  	[hbm:s6], [sflag:s13] =	dma.local [spmem:s14], $0x50  }
0x4f: {  	_ =	swait.ge [sflag:s9], $0x50  }
0x50: {  	[sflag:s9] =	ssyncset.done $0x0  }
0x51: {  	[sflag:s9] =	ssyncadd.s32 $0xFFFFFFB0  }
0x52: {  	_ =	sfence.sel $0x180000  }
0x53: {  	[bflag:$0x0] =	sbarrier.arrive $0xFFFF  }
0x54: {  	p0 =	sne.s32 s1, $0x0;
	_ =	strace $0x90000047  }
0x55: {  	s0 =	sadd.s32 @!p0 $0x100000, s0;
	[bflag:$0x2] =	sbarrier.arrive $0xFFFF  }
0x56: {  	[sflag:s0] =	ssyncadd.tile.s32 @!p0 $0x1;
	_ =	shalt  }
.Lfunc_end2:
_tile_overlayer_lowered:
.L_overlay_start_2:
0x57: {  	(tag) =	ssettag $0x2  }
0x58: {  	s0 =	rddreg [dreg:$0x0];
	s2 =	stileid.u32  }
0x59: {  	s1 =	rddreg [dreg:$0x1];
	p0 =	sne.s32 s2, $0x0  }
0x5a: {  	s3 =	rddreg [dreg:$0x2];
	[bflag:$0x3] =	sbarrier.arrive $0xFFFF;
	s2 =	simm.s32 @!p0 $0x1C01  }
0x5b: {  	[timem:s3], [sflag:s2] =	dma.local @!p0 [hbm:s0], s1  }
0x5c: {  	s0 =	simm.s32 @!p0 $0x1  }
0x5d: {  	_ =	swait.ge @!p0 [sflag:s0], s1  }
0x5e: {  	s1 =	ssub.s32 @!p0 $0x0, s1;
	[sflag:s0] =	ssyncset.done @!p0 $0x0  }
0x5f: {  	[sflag:s0] =	ssyncadd.s32 @!p0 s1  }
0x60: {  	[bflag:$0x3] =	sbarrier.arrive $0xFFFF  }
0x61: {  	_ =	shalt  }

// kernel: kernel.13.cloned.1.call-start
scs
__scs_entry_jumppad:
0x0: {  	(pc) =	sbr.rel $0x88, $3  }
0x1: {  	(tag) =	ssettag $0x0;
	lr =	simm.s32 $0x1  }
0x2: {  	[smem:$0x3F91] =	sst lr;
	_ =	strace $0xD0000000  }
0x3: {  	_ = 	snop  }
0x4: {  	_ = 	snop  }
0x5: {  	_ = 	snop  }
0x6: {  	_ = 	snop  }
0x7: {  	_ = 	snop  }
__scs_overlays_trampoline_lowered:
0x8: {  	[smem:$0x3FA0] =	sst s0  }
0x9: {  	[smem:$0x3FA1] =	sst s1  }
0xa: {  	[smem:$0x3FA2] =	sst s2  }
0xb: {  	[smem:$0x3FA3] =	sst s3  }
0xc: {  	[smem:$0x3FA4] =	sst s4  }
0xd: {  	[smem:$0x3FA5] =	sst s5  }
0xe: {  	[smem:$0x3FA6] =	sst s6  }
0xf: {  	[smem:$0x3FA7] =	sst s7  }
0x10: {  	[smem:$0x3FA8] =	sst s8  }
0x11: {  	[smem:$0x3FA9] =	sst s9;
	s0 =	simm.s32 @!p0 $0x0  }
0x12: {  	s1 =	sld [smem:$0x3F8F];
	s0 =	simm.s32 @p0 $0x1  }
0x13: {  	[smem:$0x3FAA] =	sst s0;
	s0 =	simm.s32 @!p1 $0x0  }
0x14: {  	s2 =	sld [smem:$0x3F8E];
	s0 =	simm.s32 @p1 $0x1  }
0x15: {  	[smem:$0x3FAB] =	sst s0;
	s0 =	simm.s32 @!p2 $0x0  }
0x16: {  	s3 =	sld [smem:$0x3FDB];
	s0 =	simm.s32 @p2 $0x1  }
0x17: {  	s4 =	simm.s32 $0x1BF5;
	[smem:$0x3FAD] =	sst s0  }
0x18: {  	s0 =	sld [smem:$0x3F90];
	_ =	swait.ge [sflag:s4], $0x0  }
0x19: {  	s7 =	sld [smem:$0x3F91]  }
0x1a: {  	s8 =	sadd.s32 $0xFFFFE003, lr  }
0x1b: {  	s9 =	sadd.s32 $0xFFFFFEF7, lr;
	s5 =	simm.s32 $0xFFFFFFFF;
	p2 =	slt.u32 s8, $0xFFFFF086  }
0x1c: {  	p1 =	slt.u32 s9, $0xF7A;
	s5 =	simm.s32 @!p2 $0x0  }
0x1d: {  	s5 =	simm.s32 @p1 $0x1;
	p0 =	seq.s32 s7, s2  }
0x1e: {  	s7 =	smul.u32 @!p0 $0xF7A, s2;
	p2 =	seq.s32 @!p0 s5, $0x0  }
0x1f: {  	s9 =	smul.u32 $0xF7A, s1;
	s8 =	simm.s32 @!p0 $0x1BF5;
	p2 =	por !p2, p0  }
0x20: {  	[sflag:s8] =	ssyncset.s32 @!p0 $0xFFFFF086;
	s6 =	sadd.s32 @!p0 s3, s7;
	s7 =	simm.s32 @!p0 $0x108  }
0x21: {  	s3 =	sadd.s32 s3, s9;
	s6 =	sadd.s32 @!p0 $0x88, s6;
	s7 =	simm.s32 @p2 $0x1082  }
0x22: {  	[simem:s7], [sflag:s8] =	dma.local @!p0 [hbm:s6], $0xF7A  }
0x23: {  	s9 =	sor.u32 $0xD0000000, s2;
	s6 =	simm.s32 $0x108;
	_ =	swait.ge @!p0 [sflag:s8], $0x0  }
0x24: {  	s3 =	sadd.s32 $0x88, s3;
	s6 =	simm.s32 @!p1 $0x1082;
	[sflag:s4] =	ssyncset.s32 $0xFFFFF086  }
0x25: {  	[simem:s6], [sflag:s4] =	dma.local [hbm:s3], $0xF7A  }
0x26: {  	[smem:$0x3F91] =	sst s1;
	(tag) =	ssettag s2;
	_ =	strace s9  }
0x27: {  	s1 =	sld [smem:$0x3FA1]  }
0x28: {  	s2 =	sld [smem:$0x3FA2]  }
0x29: {  	s4 =	sld [smem:$0x3FA4]  }
0x2a: {  	p0 =	seq.s32 s5, $0x0;
	s5 =	sld [smem:$0x3FA5]  }
0x2b: {  	s6 =	sld [smem:$0x3FA6]  }
0x2c: {  	s7 =	sld [smem:$0x3FA7]  }
0x2d: {  	s3 =	simm.s32 $0x108;
	s8 =	sld [smem:$0x3FA8]  }
0x2e: {  	s3 =	simm.s32 @!p0 $0x1082;
	s9 =	sld [smem:$0x3FA9]  }
0x2f: {  	lr =	sadd.s32 s0, s3;
	s0 =	sld [smem:$0x3FA0]  }
0x30: {  	s3 =	sld [smem:$0x3FA3]  }
0x31: {  	[smem:$0x3FAC] =	sst s10  }
0x32: {  	s10 =	sld [smem:$0x3FAA];
	_ =	sdelay $0x3  }
0x33: {  	p0 =	seq.s32 s10, $0x1;
	s10 =	sld [smem:$0x3FAC];
	_ =	sdelay $0x3  }
0x34: {  	[smem:$0x3FAC] =	sst s10  }
0x35: {  	s10 =	sld [smem:$0x3FAB];
	_ =	sdelay $0x3  }
0x36: {  	p1 =	seq.s32 s10, $0x1;
	s10 =	sld [smem:$0x3FAC];
	_ =	sdelay $0x3  }
0x37: {  	[smem:$0x3FAC] =	sst s10  }
0x38: {  	s10 =	sld [smem:$0x3FAD]  }
0x39: {  	_ = 	snop;
	(pc) =	sbr.ind lr, $3  }
0x3a: {  	_ = 	snop  }
0x3b: {  	_ = 	snop  }
0x3c: {  	p2 =	seq.s32 s10, $0x1;
	s10 =	sld [smem:$0x3FAC]  }
0x3d: {  	_ =	shalt  }
0x3e: {  	_ =	shalt  }
0x3f: {  	_ =	shalt  }
0x40: {  	_ =	shalt  }
0x41: {  	_ =	shalt  }
0x42: {  	_ =	shalt  }
0x43: {  	_ =	shalt  }
0x44: {  	_ =	shalt  }
0x45: {  	_ =	shalt  }
0x46: {  	_ =	shalt  }
0x47: {  	_ =	shalt  }
0x48: {  	_ =	shalt  }
0x49: {  	_ =	shalt  }
0x4a: {  	_ =	shalt  }
0x4b: {  	_ =	shalt  }
0x4c: {  	_ =	shalt  }
0x4d: {  	_ =	shalt  }
0x4e: {  	_ =	shalt  }
0x4f: {  	_ =	shalt  }
0x50: {  	_ =	shalt  }
0x51: {  	_ =	shalt  }
0x52: {  	_ =	shalt  }
0x53: {  	_ =	shalt  }
0x54: {  	_ =	shalt  }
0x55: {  	_ =	shalt  }
0x56: {  	_ =	shalt  }
0x57: {  	_ =	shalt  }
0x58: {  	_ =	shalt  }
0x59: {  	_ =	shalt  }
0x5a: {  	_ =	shalt  }
0x5b: {  	_ =	shalt  }
0x5c: {  	_ =	shalt  }
0x5d: {  	_ =	shalt  }
0x5e: {  	_ =	shalt  }
0x5f: {  	_ =	shalt  }
0x60: {  	_ =	shalt  }
0x61: {  	_ =	shalt  }
0x62: {  	_ =	shalt  }
0x63: {  	_ =	shalt  }
0x64: {  	_ =	shalt  }
0x65: {  	_ =	shalt  }
0x66: {  	_ =	shalt  }
0x67: {  	_ =	shalt  }
0x68: {  	_ =	shalt  }
0x69: {  	_ =	shalt  }
0x6a: {  	_ =	shalt  }
0x6b: {  	_ =	shalt  }
0x6c: {  	_ =	shalt  }
0x6d: {  	_ =	shalt  }
0x6e: {  	_ =	shalt  }
0x6f: {  	_ =	shalt  }
0x70: {  	_ =	shalt  }
0x71: {  	_ =	shalt  }
0x72: {  	_ =	shalt  }
0x73: {  	_ =	shalt  }
0x74: {  	_ =	shalt  }
0x75: {  	_ =	shalt  }
0x76: {  	_ =	shalt  }
0x77: {  	_ =	shalt  }
0x78: {  	_ =	shalt  }
0x79: {  	_ =	shalt  }
0x7a: {  	_ =	shalt  }
0x7b: {  	_ =	shalt  }
0x7c: {  	_ =	shalt  }
0x7d: {  	_ =	shalt  }
0x7e: {  	_ =	shalt  }
0x7f: {  	_ =	shalt  }
0x80: {  	_ =	shalt  }
0x81: {  	_ =	shalt  }
0x82: {  	_ =	shalt  }
0x83: {  	_ =	shalt  }
0x84: {  	_ =	shalt  }
0x85: {  	_ =	shalt  }
0x86: {  	_ =	shalt  }
0x87: {  	_ =	shalt  }
.Lfunc_end0:
.L_simem_size_0:
called_computation.1_lowered:
.L_overlay_start_0:
0x88: {  	s2 =	sld [smem:$0x3FD9]  }
0x89: {  	s3 =	sld [smem:$0x3FFE];
	_ =	sdelay $0x1  }
0x8a: {  	s1 =	srdreg.scid  }
0x8b: {  	s0 =	sand.u32 $0x1, s1  }
0x8c: {  	s16 =	sshll.u32 s0, $0xA;
	s2 =	sadd.s32 s3, s2  }
0x8d: {  	s2 =	sadd.s32 s2, s16  }
0x8e: {  	[smem:$0x3FB8] =	sst s2  }
0x8f: {  	_ = 	snop  }
0x90: {  	(tm) =	ssettm $0x1  }
0x91: {  	s17 =	sld [smem:$0x3FFB];
	_ =	sdelay $0x3  }
0x92: {  	_ =	strace s17  }
0x93: {  	s2 =	sld [smem:$0x3FFC];
	_ =	sdelay $0x3  }
0x94: {  	_ =	strace s2  }
0x95: {  	s2 =	sld [smem:$0x3FFD];
	_ =	sdelay $0x3  }
0x96: {  	_ =	strace s2  }
0x97: {  	_ =	strace $0x8FFFFFFF  }
0x98: {  	s18 =	sld [smem:$0x3FDB];
	_ =	sdelay $0x1  }
0x99: {  	s19 =	simm.s32 $_scs_section_size  }
0x9a: {  	s4 =	simm.s32 $_size__tile_overlayer_lowered;
	s5 =	simm.s32 $_tile_overlayer_lowered  }
0x9b: {  	s22 =	simm.s32 $0x1BFF;
	s21 =	sshll.u32 s5, $0x1;
	s2 =	sadd.s32 s19, s18  }
0x9c: {  	s6 =	simm.s32 $0x0;
	s20 =	sshll.u32 s4, $0x1;
	s4 =	sadd.s32 s21, s2  }
0x9d: {  	[timem:s6], [sflag:s22] =	dma.local [hbm:s4], s20  }
0x9e: {  	_ =	swait.ge [sflag:s22], s20  }
0x9f: {  	s3 =	ssub.s32 $0x0, s20;
	[sflag:s22] =	ssyncset.done $0x0  }
0xa0: {  	[sflag:s22] =	ssyncadd.s32 s3;
	_ =	sdelay $0x1  }
0xa1: {  	s23 =	simm.s32 $0x1B8B  }
0xa2: {  	_ =	swait.ge [sflag:s23], $0x1  }
0xa3: {  	[sflag:s23] =	ssyncset.done $0x0  }
0xa4: {  	s25 =	simm.s32 $0x1B8E;
	s24 =	sld [smem:$0x3FFE];
	[sflag:s23] =	ssyncadd.s32 $0xFFFFFFFF  }
0xa5: {  	s26 =	simm.s32 $execute0_lowered;
	[smem:$0x3FD2] =	sst s25  }
0xa6: {  	s4 =	sshll.u32 s26, $0x1;
	_ =	strace $0x80000049;
	[dreg:$0x1] =	wrdreg $0xFFFFFFFF  }
0xa7: {  	s28 =	simm.s32 $_size_execute0_lowered;
	s2 =	sadd.s32 s2, s4;
	[dreg:$0x0] =	wrdreg $0x0  }
0xa8: {  	s4 =	sshll.u32 s28, $0x1;
	[dreg:$0x2] =	wrdreg s2  }
0xa9: {  	[dreg:$0x3] =	wrdreg s4  }
0xaa: {  	[dreg:$0x4] =	wrdreg $0xC0  }
0xab: {  	_ =	task [dreg:s6], $0x5FFFF  }
0xac: {  	[dreg:$0x1] =	wrdreg $0xFFFFFFFF  }
0xad: {  	[dreg:$0x0] =	wrdreg $0x60  }
0xae: {  	[dreg:$0x2] =	wrdreg s24  }
0xaf: {  	[dreg:$0x3] =	wrdreg $0x0  }
0xb0: {  	[dreg:$0x4] =	wrdreg $0x9  }
0xb1: {  	_ =	task.clear_ibuf [dreg:s6], $0x5FFFF;
	_ =	strace $0x90000049  }
0xb2: {  	s29 =	simm.s32 $0x9;
	_ =	strace $0x8000004B  }
0xb3: {  	_ =	swait.ge [sflag:s29], $0x1  }
0xb4: {  	[sflag:s29] =	ssyncadd.s32 $0xFFFFFFFF  }
0xb5: {  	_ =	strace $0x9000004B  }
0xb6: {  	_ =	sfence  }
0xb7: {  	s30 =	sld [smem:$0x0];
	_ =	sdelay $0x2  }
0xb8: {  	s31 =	sshll.u32 s1, $0xD;
	s1 =	sshrl.u32 s1, $0x2  }
0xb9: {  	s3 =	sand.u32 $0x4000, s31;
	s1 =	sadd.s32 s1, s30  }
0xba: {  	s0 =	sor.u32 s3, s0;
	s1 =	sshll.u32 s1, $0x11  }
0xbb: {  	s0 =	sor.u32 s1, s0  }
0xbc: {  	s0 =	sadd.s32 $0x8F2B, s0  }
0xbd: {  	[sflag:s0] =	ssyncadd.remote.s32 $0x1  }
0xbe: {  	_ =	sfence.sel $0xFFFF  }
0xbf: {  	[dreg:$0x0] =	wrdreg $0xFFFFFFFF;
	(pc) =	sbr.abs _section_cstart, $3  }
0xc0: {  	[dreg:$0x1] =	wrdreg $0xFFFFFFFF  }
0xc1: {  	_ =	task.clear_ibuf [dreg:s6], $0x2FFFF;
	_ =	strace $0x9FFFFFFF  }
0xc2: {  	(tm) =	ssettm $0x7FFFFFFF  }
0xc3: {  	_ =	shalt  }
tec
execute0_lowered:
.L_overlay_start_1:
0x0: {  	(tag) =	ssettag $0x1  }
0x1: {  	s0 =	srdreg.scid  }
0x2: {  	s2 =	stileid.u32;
	s7 =	rddreg [dreg:$0x0];
	s6 =	simm.s32 $0x0  }
0x3: {  	s14 =	simm.s32 $0x5;
	s15 =	simm.s32 $0x16000;
	s19 =	simm.s32 $0x50  }
0x4: {  	s20 =	simm.s32 $0x1A000;
	s21 =	simm.s32 $0x138D0;
	s22 =	simm.s32 $0x1C800  }
0x5: {  	s28 =	simm.s32 $0x16080;
	s29 =	simm.s32 $0x4;
	s30 =	simm.s32 $0x19E00  }
0x6: {  	s31 =	simm.s32 $0x0;
	s0 =	sand.u32 $0x1, s0;
	s8 =	smul.u32 $0x2700, s2  }
0x7: {  	s5 =	sshll.u32 s2, $0x7;
	[smem:$0x7FF] =	sst s6;
	s10 =	smul.u32 $0x4E000, s2  }
0x8: {  	s11 =	sadd.s32 $0x6D000, s7;
	p0 =	sne.s32 s2, $0x0;
	s26 =	sshll.u32 s2, $0x6  }
0x9: {  	s1 =	sshll.u32 s0, $0x4;
	s5 =	sand.u32 $0x380, s5;
	s13 =	smul.u32 $0x27100, s0  }
0xa: {  	s23 =	ssub.s32 $0x2, s0;
	s0 =	smul.u32 $0x138800, s0;
	s16 =	sor.u32 $0x1C05, s26  }
0xb: {  	s26 =	simm.s32 $0x2;
	s4 =	sor.u32 s2, s1;
	s24 =	sshrl.u32 s23, $0x1  }
0xc: {  	s25 =	sshrl.u32 s10, $0x2;
	s1 =	sshrl.u32 s4, $0x3;
	s4 =	sshll.u32 s4, $0xB  }
0xd: {  	s12 =	ssub.s32 s23, s24;
	s0 =	sshrl.u32 s0, $0x3;
	s23 =	simm.s32 $0x1  }
0xe: {  	s24 =	simm.s32 $0x3;
	s3 =	smul.u32 $0x13C00, s1;
	s1 =	rddreg [dreg:$0x1]  }
0xf: {  	_ =	strace $0x8000004A;
	s9 =	sadd.s32 s4, s7;
	s0 =	sadd.s32 s11, s0  }
0x10: {  	s10 =	smax.u32 s12, $0x1;
	s17 =	sadd.s32 s25, s1;
	s18 =	sadd.s32 $0x138000, s1  }
0x11: {  	s25 =	simm.s32 $0x13920;
	s3 =	sor.u32 s5, s3;
	s17 =	sshrl.u32 s17, $0x3  }
0x12: {  	s18 =	sshrl.u32 @!p0 s18, $0x3;
	s5 =	sshrl.u32 s3, $0x3;
	s3 =	sadd.s32 $0x1EC00, s7  }
0x13: {  	s5 =	sadd.s32 s5, s7;
	s6 =	sadd.s32 s3, s8;
	s8 =	sadd.s32 s8, s13  }
0x14: {  	s7 =	sadd.s32 $0x45C00, s7;
	s13 =	simm.s32 $0x13880;
	s4 =	sadd.s32 $0x14E00, s5  }
0x15: {  	s5 =	sadd.s32 $0x4400, s9;
	s8 =	sadd.s32 s11, s8;
	s9 =	sadd.s32 $0x27000, s0  }
.LBB2_1:
0x16: {  	s0 =	simm.s32 $0x80;
	s2 =	simm.s32 $0x400  }
0x17: {  	[tilespmem:s13], [sflag:$0x5] =	stream.strided.gather [hbm4b:s4+s0], $0x2780, s2, s0, $0x38;
	[tilespmem:$0x1F000] =	vst v63  }
0x18: {  	_ =	swait.ge [sflag:s14], $0x2780  }
0x19: {  	[sflag:s14] =	ssyncset.done $0x0  }
0x1a: {  	s12 =	simm.s32 $0x0;
	[sflag:s14] =	ssyncadd.s32 $0xFFFFD880  }
0x1b: {  	[tilespmem:s15], [sflag:$0x5] =	stream.linear.gather [hbm4b:s5+s12], $0x3E80, $0x38;
	[tilespmem:$0x1F000] =	vst v63  }
0x1c: {  	_ =	swait.ge [sflag:s14], $0x3E80  }
0x1d: {  	[sflag:s14] =	ssyncset.done $0x0  }
0x1e: {  	[sflag:s14] =	ssyncadd.s32 $0xFFFFC180  }
0x1f: {  	[spmem:s17], [sflag:s16] =	dma.local [hbm:s6], $0x2700  }
0x20: {  	_ =	swait.ge [sflag:s14], $0x2700  }
0x21: {  	[sflag:s14] =	ssyncset.done $0x0  }
0x22: {  	s0 =	simm.s32 @!p0 $0x5;
	[sflag:s14] =	ssyncadd.s32 $0xFFFFD900  }
0x23: {  	[spmem:s18], [sflag:s16] =	dma.local @!p0 [hbm:s7], $0x100  }
0x24: {  	_ =	swait.ge @!p0 [sflag:s0], $0x100  }
0x25: {  	[sflag:s0] =	ssyncset.done @!p0 $0x0  }
0x26: {  	[sflag:s0] =	ssyncadd.s32 @!p0 $0xFFFFFF00  }
0x27: {  	[bflag:$0x0] =	sbarrier.arrive $0xFFFF  }
0x28: {  	[tilespmem:s20], [sflag:$0x1] =	stream.indirect.gather [hbm4b:s3+s19], $0x80, s13, s19, $0xb8;
	[tilespmem:$0x1F000] =	vst v63  }
0x29: {  	_ = 	snop  }
0x2a: {  	[tilespmem:s22], [sflag:$0x2] =	stream.indirect.gather [hbm4b:s3+s19], $0x80, s21, s19, $0xb8;
	[tilespmem:$0x1F000] =	vst v63  }
0x2b: {  	_ =	swait.ge [sflag:s23], $0x2800  }
0x2c: {  	[sflag:s23] =	ssyncset.done $0x0  }
0x2d: {  	[sflag:s23] =	ssyncadd.s32 $0xFFFFD800  }
0x2e: {  	[spmem:s1] =	stream.indirect.scatter.add.f32 [tilespmem:s20], [sflag:$0x3], $0x80, s15, s19, $0xb8;
	[tilespmem:$0x1F000] =	vst v63  }
0x2f: {  	_ =	swait.ge [sflag:s24], $0x2800  }
0x30: {  	[sflag:s24] =	ssyncset.done $0x0  }
0x31: {  	[sflag:s24] =	ssyncadd.s32 $0xFFFFD800  }
0x32: {  	[tilespmem:s20], [sflag:$0x1] =	stream.indirect.gather [hbm4b:s3+s19], $0x80, s25, s19, $0xb8;
	[tilespmem:$0x1F000] =	vst v63  }
0x33: {  	_ =	swait.ge [sflag:s26], $0x2800  }
0x34: {  	[sflag:s26] =	ssyncset.done $0x0  }
0x35: {  	[sflag:s26] =	ssyncadd.s32 $0xFFFFD800  }
0x36: {  	[spmem:s1] =	stream.indirect.scatter.add.f32 [tilespmem:s22], [sflag:$0x4], $0x80, s28, s19, $0xb8;
	[tilespmem:$0x1F000] =	vst v63  }
0x37: {  	_ =	swait.ge [sflag:s29], $0x2800  }
0x38: {  	[sflag:s29] =	ssyncset.done $0x0  }
0x39: {  	s2 =	simm.s32 $0x13970;
	[sflag:s29] =	ssyncadd.s32 $0xFFFFD800  }
0x3a: {  	[tilespmem:s22], [sflag:$0x2] =	stream.indirect.gather [hbm4b:s3+s19], $0x80, s2, s19, $0xb8;
	[tilespmem:$0x1F000] =	vst v63  }
0x3b: {  	_ =	swait.ge [sflag:s23], $0x2800  }
0x3c: {  	[sflag:s23] =	ssyncset.done $0x0  }
0x3d: {  	s11 =	simm.s32 $0x16100;
	[sflag:s23] =	ssyncadd.s32 $0xFFFFD800  }
0x3e: {  	[spmem:s1] =	stream.indirect.scatter.add.f32 [tilespmem:s20], [sflag:$0x3], $0x80, s11, s19, $0xb8;
	[tilespmem:$0x1F000] =	vst v63  }
0x3f: {  	_ =	swait.ge [sflag:s24], $0x2800  }
0x40: {  	[sflag:s24] =	ssyncset.done $0x0  }
0x41: {  	s12 =	simm.s32 $0x139C0;
	[sflag:s24] =	ssyncadd.s32 $0xFFFFD800  }
0x42: {  	[tilespmem:s20], [sflag:$0x1] =	stream.indirect.gather [hbm4b:s3+s19], $0x80, s12, s19, $0xb8;
	[tilespmem:$0x1F000] =	vst v63  }
0x43: {  	_ =	swait.ge [sflag:s26], $0x2800  }
0x44: {  	s0 =	simm.s32 $0xFFFF1000;
	[sflag:s26] =	ssyncset.done $0x0  }
0x45: {  	s2 =	simm.s32 $0x13A60;
	s11 =	simm.s32 $0x16180;
	[sflag:s26] =	ssyncadd.s32 $0xFFFFD800  }
.LBB2_2:
0x46: {  	[spmem:s1] =	stream.indirect.scatter.add.f32 [tilespmem:s22], [sflag:$0x4], $0x80, s11, s19, $0xb8;
	[tilespmem:$0x1F000] =	vst v63  }
0x47: {  	s11 =	smov.u32 s0  }
0x48: {  	p1 =	sne.s32 s0, $0xFFFFFC00;
	s0 =	sadd.s32 $0x400, s0;
	_ =	swait.ge [sflag:s29], $0x2800  }
0x49: {  	[sflag:s29] =	ssyncset.done $0x0  }
0x4a: {  	s12 =	sadd.s32 $0xFFFFFFB0, s2;
	[sflag:s29] =	ssyncadd.s32 $0xFFFFD800  }
0x4b: {  	[tilespmem:s22], [sflag:$0x2] =	stream.indirect.gather [hbm4b:s3+s19], $0x80, s12, s19, $0xb8;
	[tilespmem:$0x1F000] =	vst v63  }
0x4c: {  	_ =	swait.ge [sflag:s23], $0x2800  }
0x4d: {  	s11 =	sshra.s32 s11, $0x2;
	[sflag:s23] =	ssyncset.done $0x0  }
0x4e: {  	s12 =	sadd.s32 $0x19E00, s11;
	[sflag:s23] =	ssyncadd.s32 $0xFFFFD800  }
0x4f: {  	[spmem:s1] =	stream.indirect.scatter.add.f32 [tilespmem:s20], [sflag:$0x3], $0x80, s12, s19, $0xb8;
	[tilespmem:$0x1F000] =	vst v63  }
0x50: {  	_ =	swait.ge [sflag:s24], $0x2800  }
0x51: {  	[sflag:s24] =	ssyncset.done $0x0  }
.Ltmp0:
0x52: {  	[sflag:s24] =	ssyncadd.s32 $0xFFFFD800;
	(pc) =	sbr.rel @p1 .LBB2_2-.Ltmp0, $4  }
0x53: {  	[tilespmem:s20], [sflag:$0x1] =	stream.indirect.gather [hbm4b:s3+s19], $0x80, s2, s19, $0xb8;
	[tilespmem:$0x1F000] =	vst v63  }
0x54: {  	_ =	swait.ge [sflag:s26], $0x2800  }
0x55: {  	[sflag:s26] =	ssyncset.done $0x0  }
0x56: {  	s11 =	sadd.s32 $0x19E80, s11;
	s2 =	sadd.s32 $0xA0, s2;
	[sflag:s26] =	ssyncadd.s32 $0xFFFFD800  }
0x57: {  	[spmem:s1] =	stream.indirect.scatter.add.f32 [tilespmem:s22], [sflag:$0x4], $0x80, s11, s19, $0xb8;
	[tilespmem:$0x1F000] =	vst v63  }
0x58: {  	_ =	swait.ge [sflag:s23], $0x2800  }
0x59: {  	[sflag:s23] =	ssyncset.done $0x0  }
0x5a: {  	[sflag:s23] =	ssyncadd.s32 $0xFFFFD800  }
0x5b: {  	[spmem:s1] =	stream.indirect.scatter.add.f32 [tilespmem:s20], [sflag:$0x3], $0x80, s30, s19, $0xb8;
	[tilespmem:$0x1F000] =	vst v63  }
0x5c: {  	_ =	swait.ge [sflag:s29], $0x2800  }
0x5d: {  	[sflag:s29] =	ssyncset.done $0x0  }
0x5e: {  	[sflag:s29] =	ssyncadd.s32 $0xFFFFD800  }
0x5f: {  	_ =	swait.ge [sflag:s24], $0x2800  }
0x60: {  	[sflag:s24] =	ssyncset.done $0x0  }
0x61: {  	[sflag:s24] =	ssyncadd.s32 $0xFFFFD800  }
0x62: {  	[bflag:$0x0] =	sbarrier.arrive $0xFFFF  }
0x63: {  	[hbm:s8], [sflag:s16] =	dma.local [spmem:s17], $0x2700  }
0x64: {  	s31 =	sadd.s32 $0x1, s31;
	_ =	swait.ge [sflag:s14], $0x2700  }
0x65: {  	p1 =	sne.s32 s31, s10;
	[sflag:s14] =	ssyncset.done $0x0  }
.Ltmp1:
0x66: {  	s0 =	simm.s32 @!p0 $0x5;
	[sflag:s14] =	ssyncadd.s32 $0xFFFFD900;
	(pc) =	sbr.rel @p1 .LBB2_1-.Ltmp1, $4  }
0x67: {  	[hbm:s9], [sflag:s16] =	dma.local @!p0 [spmem:s18], $0x100  }
0x68: {  	_ =	swait.ge @!p0 [sflag:s0], $0x100  }
0x69: {  	[sflag:s0] =	ssyncset.done @!p0 $0x0  }
0x6a: {  	[sflag:s0] =	ssyncadd.s32 @!p0 $0xFFFFFF00  }
0x6b: {  	_ =	sfence.sel $0x180000  }
0x6c: {  	[bflag:$0x0] =	sbarrier.arrive $0xFFFF  }
0x6d: {  	_ =	strace $0x9000004A  }
0x6e: {  	[bflag:$0x2] =	sbarrier.arrive $0xFFFF  }
0x6f: {  	s0 =	rddreg [dreg:$0x2]  }
0x70: {  	s0 =	sadd.s32 @!p0 $0x100000, s0  }
0x71: {  	[sflag:s0] =	ssyncadd.tile.s32 @!p0 $0x1;
	_ =	shalt  }
.Lfunc_end2:
_tile_overlayer_lowered:
.L_overlay_start_2:
0x72: {  	(tag) =	ssettag $0x2  }
0x73: {  	s0 =	rddreg [dreg:$0x0];
	s2 =	stileid.u32  }
0x74: {  	s1 =	rddreg [dreg:$0x1];
	p0 =	sne.s32 s2, $0x0  }
0x75: {  	s3 =	rddreg [dreg:$0x2];
	[bflag:$0x3] =	sbarrier.arrive $0xFFFF;
	s2 =	simm.s32 @!p0 $0x1C05  }
0x76: {  	[timem:s3], [sflag:s2] =	dma.local @!p0 [hbm:s0], s1  }
0x77: {  	s0 =	simm.s32 @!p0 $0x5  }
0x78: {  	_ =	swait.ge @!p0 [sflag:s0], s1  }
0x79: {  	s1 =	ssub.s32 @!p0 $0x0, s1;
	[sflag:s0] =	ssyncset.done @!p0 $0x0  }
0x7a: {  	[sflag:s0] =	ssyncadd.s32 @!p0 s1  }
0x7b: {  	[bflag:$0x3] =	sbarrier.arrive $0xFFFF  }
0x7c: {  	_ =	shalt  }

// kernel: kernel.16.cloned.1.call-start
scs
__scs_entry_jumppad:
0x0: {  	(pc) =	sbr.rel $0x88, $3  }
0x1: {  	(tag) =	ssettag $0x0;
	lr =	simm.s32 $0x1  }
0x2: {  	[smem:$0x3F91] =	sst lr;
	_ =	strace $0xD0000000  }
0x3: {  	_ = 	snop  }
0x4: {  	_ = 	snop  }
0x5: {  	_ = 	snop  }
0x6: {  	_ = 	snop  }
0x7: {  	_ = 	snop  }
__scs_overlays_trampoline_lowered:
0x8: {  	[smem:$0x3FA0] =	sst s0  }
0x9: {  	[smem:$0x3FA1] =	sst s1  }
0xa: {  	[smem:$0x3FA2] =	sst s2  }
0xb: {  	[smem:$0x3FA3] =	sst s3  }
0xc: {  	[smem:$0x3FA4] =	sst s4  }
0xd: {  	[smem:$0x3FA5] =	sst s5  }
0xe: {  	[smem:$0x3FA6] =	sst s6  }
0xf: {  	[smem:$0x3FA7] =	sst s7  }
0x10: {  	[smem:$0x3FA8] =	sst s8  }
0x11: {  	[smem:$0x3FA9] =	sst s9;
	s0 =	simm.s32 @!p0 $0x0  }
0x12: {  	s1 =	sld [smem:$0x3F8F];
	s0 =	simm.s32 @p0 $0x1  }
0x13: {  	[smem:$0x3FAA] =	sst s0;
	s0 =	simm.s32 @!p1 $0x0  }
0x14: {  	s2 =	sld [smem:$0x3F8E];
	s0 =	simm.s32 @p1 $0x1  }
0x15: {  	[smem:$0x3FAB] =	sst s0;
	s0 =	simm.s32 @!p2 $0x0  }
0x16: {  	s3 =	sld [smem:$0x3FDB];
	s0 =	simm.s32 @p2 $0x1  }
0x17: {  	s4 =	simm.s32 $0x1BF5;
	[smem:$0x3FAD] =	sst s0  }
0x18: {  	s0 =	sld [smem:$0x3F90];
	_ =	swait.ge [sflag:s4], $0x0  }
0x19: {  	s7 =	sld [smem:$0x3F91]  }
0x1a: {  	s8 =	sadd.s32 $0xFFFFE003, lr  }
0x1b: {  	s9 =	sadd.s32 $0xFFFFFEF7, lr;
	s5 =	simm.s32 $0xFFFFFFFF;
	p2 =	slt.u32 s8, $0xFFFFF086  }
0x1c: {  	p1 =	slt.u32 s9, $0xF7A;
	s5 =	simm.s32 @!p2 $0x0  }
0x1d: {  	s5 =	simm.s32 @p1 $0x1;
	p0 =	seq.s32 s7, s2  }
0x1e: {  	s7 =	smul.u32 @!p0 $0xF7A, s2;
	p2 =	seq.s32 @!p0 s5, $0x0  }
0x1f: {  	s9 =	smul.u32 $0xF7A, s1;
	s8 =	simm.s32 @!p0 $0x1BF5;
	p2 =	por !p2, p0  }
0x20: {  	[sflag:s8] =	ssyncset.s32 @!p0 $0xFFFFF086;
	s6 =	sadd.s32 @!p0 s3, s7;
	s7 =	simm.s32 @!p0 $0x108  }
0x21: {  	s3 =	sadd.s32 s3, s9;
	s6 =	sadd.s32 @!p0 $0x88, s6;
	s7 =	simm.s32 @p2 $0x1082  }
0x22: {  	[simem:s7], [sflag:s8] =	dma.local @!p0 [hbm:s6], $0xF7A  }
0x23: {  	s9 =	sor.u32 $0xD0000000, s2;
	s6 =	simm.s32 $0x108;
	_ =	swait.ge @!p0 [sflag:s8], $0x0  }
0x24: {  	s3 =	sadd.s32 $0x88, s3;
	s6 =	simm.s32 @!p1 $0x1082;
	[sflag:s4] =	ssyncset.s32 $0xFFFFF086  }
0x25: {  	[simem:s6], [sflag:s4] =	dma.local [hbm:s3], $0xF7A  }
0x26: {  	[smem:$0x3F91] =	sst s1;
	(tag) =	ssettag s2;
	_ =	strace s9  }
0x27: {  	s1 =	sld [smem:$0x3FA1]  }
0x28: {  	s2 =	sld [smem:$0x3FA2]  }
0x29: {  	s4 =	sld [smem:$0x3FA4]  }
0x2a: {  	p0 =	seq.s32 s5, $0x0;
	s5 =	sld [smem:$0x3FA5]  }
0x2b: {  	s6 =	sld [smem:$0x3FA6]  }
0x2c: {  	s7 =	sld [smem:$0x3FA7]  }
0x2d: {  	s3 =	simm.s32 $0x108;
	s8 =	sld [smem:$0x3FA8]  }
0x2e: {  	s3 =	simm.s32 @!p0 $0x1082;
	s9 =	sld [smem:$0x3FA9]  }
0x2f: {  	lr =	sadd.s32 s0, s3;
	s0 =	sld [smem:$0x3FA0]  }
0x30: {  	s3 =	sld [smem:$0x3FA3]  }
0x31: {  	[smem:$0x3FAC] =	sst s10  }
0x32: {  	s10 =	sld [smem:$0x3FAA];
	_ =	sdelay $0x3  }
0x33: {  	p0 =	seq.s32 s10, $0x1;
	s10 =	sld [smem:$0x3FAC];
	_ =	sdelay $0x3  }
0x34: {  	[smem:$0x3FAC] =	sst s10  }
0x35: {  	s10 =	sld [smem:$0x3FAB];
	_ =	sdelay $0x3  }
0x36: {  	p1 =	seq.s32 s10, $0x1;
	s10 =	sld [smem:$0x3FAC];
	_ =	sdelay $0x3  }
0x37: {  	[smem:$0x3FAC] =	sst s10  }
0x38: {  	s10 =	sld [smem:$0x3FAD]  }
0x39: {  	_ = 	snop;
	(pc) =	sbr.ind lr, $3  }
0x3a: {  	_ = 	snop  }
0x3b: {  	_ = 	snop  }
0x3c: {  	p2 =	seq.s32 s10, $0x1;
	s10 =	sld [smem:$0x3FAC]  }
0x3d: {  	_ =	shalt  }
0x3e: {  	_ =	shalt  }
0x3f: {  	_ =	shalt  }
0x40: {  	_ =	shalt  }
0x41: {  	_ =	shalt  }
0x42: {  	_ =	shalt  }
0x43: {  	_ =	shalt  }
0x44: {  	_ =	shalt  }
0x45: {  	_ =	shalt  }
0x46: {  	_ =	shalt  }
0x47: {  	_ =	shalt  }
0x48: {  	_ =	shalt  }
0x49: {  	_ =	shalt  }
0x4a: {  	_ =	shalt  }
0x4b: {  	_ =	shalt  }
0x4c: {  	_ =	shalt  }
0x4d: {  	_ =	shalt  }
0x4e: {  	_ =	shalt  }
0x4f: {  	_ =	shalt  }
0x50: {  	_ =	shalt  }
0x51: {  	_ =	shalt  }
0x52: {  	_ =	shalt  }
0x53: {  	_ =	shalt  }
0x54: {  	_ =	shalt  }
0x55: {  	_ =	shalt  }
0x56: {  	_ =	shalt  }
0x57: {  	_ =	shalt  }
0x58: {  	_ =	shalt  }
0x59: {  	_ =	shalt  }
0x5a: {  	_ =	shalt  }
0x5b: {  	_ =	shalt  }
0x5c: {  	_ =	shalt  }
0x5d: {  	_ =	shalt  }
0x5e: {  	_ =	shalt  }
0x5f: {  	_ =	shalt  }
0x60: {  	_ =	shalt  }
0x61: {  	_ =	shalt  }
0x62: {  	_ =	shalt  }
0x63: {  	_ =	shalt  }
0x64: {  	_ =	shalt  }
0x65: {  	_ =	shalt  }
0x66: {  	_ =	shalt  }
0x67: {  	_ =	shalt  }
0x68: {  	_ =	shalt  }
0x69: {  	_ =	shalt  }
0x6a: {  	_ =	shalt  }
0x6b: {  	_ =	shalt  }
0x6c: {  	_ =	shalt  }
0x6d: {  	_ =	shalt  }
0x6e: {  	_ =	shalt  }
0x6f: {  	_ =	shalt  }
0x70: {  	_ =	shalt  }
0x71: {  	_ =	shalt  }
0x72: {  	_ =	shalt  }
0x73: {  	_ =	shalt  }
0x74: {  	_ =	shalt  }
0x75: {  	_ =	shalt  }
0x76: {  	_ =	shalt  }
0x77: {  	_ =	shalt  }
0x78: {  	_ =	shalt  }
0x79: {  	_ =	shalt  }
0x7a: {  	_ =	shalt  }
0x7b: {  	_ =	shalt  }
0x7c: {  	_ =	shalt  }
0x7d: {  	_ =	shalt  }
0x7e: {  	_ =	shalt  }
0x7f: {  	_ =	shalt  }
0x80: {  	_ =	shalt  }
0x81: {  	_ =	shalt  }
0x82: {  	_ =	shalt  }
0x83: {  	_ =	shalt  }
0x84: {  	_ =	shalt  }
0x85: {  	_ =	shalt  }
0x86: {  	_ =	shalt  }
0x87: {  	_ =	shalt  }
.Lfunc_end0:
.L_simem_size_0:
called_computation.2_lowered:
.L_overlay_start_0:
0x88: {  	s2 =	sld [smem:$0x3FD9]  }
0x89: {  	s3 =	sld [smem:$0x3FFE];
	_ =	sdelay $0x1  }
0x8a: {  	s1 =	srdreg.scid  }
0x8b: {  	s0 =	sand.u32 $0x1, s1  }
0x8c: {  	s16 =	sshll.u32 s0, $0xA;
	s2 =	sadd.s32 s3, s2  }
0x8d: {  	s2 =	sadd.s32 s2, s16  }
0x8e: {  	[smem:$0x3FB8] =	sst s2  }
0x8f: {  	_ = 	snop  }
0x90: {  	(tm) =	ssettm $0x1  }
0x91: {  	s17 =	sld [smem:$0x3FFB];
	_ =	sdelay $0x3  }
0x92: {  	_ =	strace s17  }
0x93: {  	s2 =	sld [smem:$0x3FFC];
	_ =	sdelay $0x3  }
0x94: {  	_ =	strace s2  }
0x95: {  	s2 =	sld [smem:$0x3FFD];
	_ =	sdelay $0x3  }
0x96: {  	_ =	strace s2  }
0x97: {  	_ =	strace $0x8FFFFFFF  }
0x98: {  	s18 =	sld [smem:$0x3FDB];
	_ =	sdelay $0x1  }
0x99: {  	s19 =	simm.s32 $_scs_section_size  }
0x9a: {  	s4 =	simm.s32 $_size__tile_overlayer_lowered;
	s5 =	simm.s32 $_tile_overlayer_lowered  }
0x9b: {  	s22 =	simm.s32 $0x1BFF;
	s21 =	sshll.u32 s5, $0x1;
	s2 =	sadd.s32 s19, s18  }
0x9c: {  	s6 =	simm.s32 $0x0;
	s20 =	sshll.u32 s4, $0x1;
	s4 =	sadd.s32 s21, s2  }
0x9d: {  	[timem:s6], [sflag:s22] =	dma.local [hbm:s4], s20  }
0x9e: {  	_ =	swait.ge [sflag:s22], s20  }
0x9f: {  	s3 =	ssub.s32 $0x0, s20;
	[sflag:s22] =	ssyncset.done $0x0  }
0xa0: {  	[sflag:s22] =	ssyncadd.s32 s3;
	_ =	sdelay $0x1  }
0xa1: {  	s23 =	simm.s32 $0x1B8B  }
0xa2: {  	_ =	swait.ge [sflag:s23], $0x1  }
0xa3: {  	[sflag:s23] =	ssyncset.done $0x0  }
0xa4: {  	s25 =	simm.s32 $0x1B8E;
	s24 =	sld [smem:$0x3FFE];
	[sflag:s23] =	ssyncadd.s32 $0xFFFFFFFF  }
0xa5: {  	s26 =	simm.s32 $execute0_lowered;
	[smem:$0x3FD2] =	sst s25  }
0xa6: {  	s4 =	sshll.u32 s26, $0x1;
	_ =	strace $0x8000004C;
	[dreg:$0x1] =	wrdreg $0xFFFFFFFF  }
0xa7: {  	s28 =	simm.s32 $_size_execute0_lowered;
	s2 =	sadd.s32 s2, s4;
	[dreg:$0x0] =	wrdreg $0x0  }
0xa8: {  	s4 =	sshll.u32 s28, $0x1;
	[dreg:$0x2] =	wrdreg s2  }
0xa9: {  	[dreg:$0x3] =	wrdreg s4  }
0xaa: {  	[dreg:$0x4] =	wrdreg $0xC0  }
0xab: {  	_ =	task [dreg:s6], $0x5FFFF  }
0xac: {  	[dreg:$0x1] =	wrdreg $0xFFFFFFFF  }
0xad: {  	[dreg:$0x0] =	wrdreg $0x60  }
0xae: {  	[dreg:$0x2] =	wrdreg s24  }
0xaf: {  	[dreg:$0x3] =	wrdreg $0x0  }
0xb0: {  	[dreg:$0x4] =	wrdreg $0x9  }
0xb1: {  	_ =	task.clear_ibuf [dreg:s6], $0x5FFFF;
	_ =	strace $0x9000004C  }
0xb2: {  	s29 =	simm.s32 $0x9;
	_ =	strace $0x8000004E  }
0xb3: {  	_ =	swait.ge [sflag:s29], $0x1  }
0xb4: {  	[sflag:s29] =	ssyncadd.s32 $0xFFFFFFFF  }
0xb5: {  	_ =	strace $0x9000004E  }
0xb6: {  	_ =	sfence  }
0xb7: {  	s30 =	sld [smem:$0x0];
	_ =	sdelay $0x2  }
0xb8: {  	s31 =	sshll.u32 s1, $0xD;
	s1 =	sshrl.u32 s1, $0x2  }
0xb9: {  	s3 =	sand.u32 $0x4000, s31;
	s1 =	sadd.s32 s1, s30  }
0xba: {  	s0 =	sor.u32 s3, s0;
	s1 =	sshll.u32 s1, $0x11  }
0xbb: {  	s0 =	sor.u32 s1, s0  }
0xbc: {  	s0 =	sadd.s32 $0x8F2B, s0  }
0xbd: {  	[sflag:s0] =	ssyncadd.remote.s32 $0x1  }
0xbe: {  	_ =	sfence.sel $0xFFFF  }
0xbf: {  	[dreg:$0x0] =	wrdreg $0xFFFFFFFF;
	(pc) =	sbr.abs _section_cstart, $3  }
0xc0: {  	[dreg:$0x1] =	wrdreg $0xFFFFFFFF  }
0xc1: {  	_ =	task.clear_ibuf [dreg:s6], $0x2FFFF;
	_ =	strace $0x9FFFFFFF  }
0xc2: {  	(tm) =	ssettm $0x7FFFFFFF  }
0xc3: {  	_ =	shalt  }
tec
execute0_lowered:
.L_overlay_start_1:
0x0: {  	(tag) =	ssettag $0x1  }
0x1: {  	s0 =	srdreg.scid  }
0x2: {  	s2 =	stileid.u32;
	s7 =	rddreg [dreg:$0x0];
	s6 =	simm.s32 $0x0  }
0x3: {  	s14 =	simm.s32 $0x5;
	s15 =	simm.s32 $0x16000;
	s19 =	simm.s32 $0x50  }
0x4: {  	s20 =	simm.s32 $0x1A000;
	s21 =	simm.s32 $0x138D0;
	s22 =	simm.s32 $0x1C800  }
0x5: {  	s28 =	simm.s32 $0x16080;
	s29 =	simm.s32 $0x4;
	s30 =	simm.s32 $0x19E00  }
0x6: {  	s31 =	simm.s32 $0x0;
	s0 =	sand.u32 $0x1, s0;
	s8 =	smul.u32 $0x2700, s2  }
0x7: {  	s5 =	sshll.u32 s2, $0x7;
	[smem:$0x7FF] =	sst s6;
	s10 =	smul.u32 $0x4E000, s2  }
0x8: {  	s11 =	sadd.s32 $0x94200, s7;
	p0 =	sne.s32 s2, $0x0;
	s26 =	sshll.u32 s2, $0x6  }
0x9: {  	s1 =	sshll.u32 s0, $0x4;
	s5 =	sand.u32 $0x380, s5;
	s13 =	smul.u32 $0x27100, s0  }
0xa: {  	s23 =	ssub.s32 $0x2, s0;
	s0 =	smul.u32 $0x138800, s0;
	s16 =	sor.u32 $0x1C05, s26  }
0xb: {  	s26 =	simm.s32 $0x2;
	s4 =	sor.u32 s2, s1;
	s24 =	sshrl.u32 s23, $0x1  }
0xc: {  	s25 =	sshrl.u32 s10, $0x2;
	s1 =	sshrl.u32 s4, $0x3;
	s4 =	sshll.u32 s4, $0xB  }
0xd: {  	s12 =	ssub.s32 s23, s24;
	s0 =	sshrl.u32 s0, $0x3;
	s23 =	simm.s32 $0x1  }
0xe: {  	s24 =	simm.s32 $0x3;
	s3 =	smul.u32 $0x13C00, s1;
	s1 =	rddreg [dreg:$0x1]  }
0xf: {  	_ =	strace $0x8000004D;
	s9 =	sadd.s32 s4, s7;
	s0 =	sadd.s32 s11, s0  }
0x10: {  	s10 =	smax.u32 s12, $0x1;
	s17 =	sadd.s32 s25, s1;
	s18 =	sadd.s32 $0x138000, s1  }
0x11: {  	s25 =	simm.s32 $0x13920;
	s3 =	sor.u32 s5, s3;
	s17 =	sshrl.u32 s17, $0x3  }
0x12: {  	s18 =	sshrl.u32 @!p0 s18, $0x3;
	s5 =	sshrl.u32 s3, $0x3;
	s3 =	sadd.s32 $0x1EC00, s7  }
0x13: {  	s5 =	sadd.s32 s5, s7;
	s6 =	sadd.s32 s3, s8;
	s8 =	sadd.s32 s8, s13  }
0x14: {  	s7 =	sadd.s32 $0x45C00, s7;
	s13 =	simm.s32 $0x13880;
	s4 =	sadd.s32 $0x14E00, s5  }
0x15: {  	s5 =	sadd.s32 $0x4400, s9;
	s8 =	sadd.s32 s11, s8;
	s9 =	sadd.s32 $0x27000, s0  }
.LBB2_1:
0x16: {  	s0 =	simm.s32 $0x80;
	s2 =	simm.s32 $0x400  }
0x17: {  	[tilespmem:s13], [sflag:$0x5] =	stream.strided.gather [hbm4b:s4+s0], $0x2780, s2, s0, $0x38;
	[tilespmem:$0x1F000] =	vst v63  }
0x18: {  	_ =	swait.ge [sflag:s14], $0x2780  }
0x19: {  	[sflag:s14] =	ssyncset.done $0x0  }
0x1a: {  	s12 =	simm.s32 $0x0;
	[sflag:s14] =	ssyncadd.s32 $0xFFFFD880  }
0x1b: {  	[tilespmem:s15], [sflag:$0x5] =	stream.linear.gather [hbm4b:s5+s12], $0x3E80, $0x38;
	[tilespmem:$0x1F000] =	vst v63  }
0x1c: {  	_ =	swait.ge [sflag:s14], $0x3E80  }
0x1d: {  	[sflag:s14] =	ssyncset.done $0x0  }
0x1e: {  	[sflag:s14] =	ssyncadd.s32 $0xFFFFC180  }
0x1f: {  	[spmem:s17], [sflag:s16] =	dma.local [hbm:s6], $0x2700  }
0x20: {  	_ =	swait.ge [sflag:s14], $0x2700  }
0x21: {  	[sflag:s14] =	ssyncset.done $0x0  }
0x22: {  	s0 =	simm.s32 @!p0 $0x5;
	[sflag:s14] =	ssyncadd.s32 $0xFFFFD900  }
0x23: {  	[spmem:s18], [sflag:s16] =	dma.local @!p0 [hbm:s7], $0x100  }
0x24: {  	_ =	swait.ge @!p0 [sflag:s0], $0x100  }
0x25: {  	[sflag:s0] =	ssyncset.done @!p0 $0x0  }
0x26: {  	[sflag:s0] =	ssyncadd.s32 @!p0 $0xFFFFFF00  }
0x27: {  	[bflag:$0x0] =	sbarrier.arrive $0xFFFF  }
0x28: {  	[tilespmem:s20], [sflag:$0x1] =	stream.indirect.gather [hbm4b:s3+s19], $0x80, s13, s19, $0xb8;
	[tilespmem:$0x1F000] =	vst v63  }
0x29: {  	_ = 	snop  }
0x2a: {  	[tilespmem:s22], [sflag:$0x2] =	stream.indirect.gather [hbm4b:s3+s19], $0x80, s21, s19, $0xb8;
	[tilespmem:$0x1F000] =	vst v63  }
0x2b: {  	_ =	swait.ge [sflag:s23], $0x2800  }
0x2c: {  	[sflag:s23] =	ssyncset.done $0x0  }
0x2d: {  	[sflag:s23] =	ssyncadd.s32 $0xFFFFD800  }
0x2e: {  	[spmem:s1] =	stream.indirect.scatter.add.f32 [tilespmem:s20], [sflag:$0x3], $0x80, s15, s19, $0xb8;
	[tilespmem:$0x1F000] =	vst v63  }
0x2f: {  	_ =	swait.ge [sflag:s24], $0x2800  }
0x30: {  	[sflag:s24] =	ssyncset.done $0x0  }
0x31: {  	[sflag:s24] =	ssyncadd.s32 $0xFFFFD800  }
0x32: {  	[tilespmem:s20], [sflag:$0x1] =	stream.indirect.gather [hbm4b:s3+s19], $0x80, s25, s19, $0xb8;
	[tilespmem:$0x1F000] =	vst v63  }
0x33: {  	_ =	swait.ge [sflag:s26], $0x2800  }
0x34: {  	[sflag:s26] =	ssyncset.done $0x0  }
0x35: {  	[sflag:s26] =	ssyncadd.s32 $0xFFFFD800  }
0x36: {  	[spmem:s1] =	stream.indirect.scatter.add.f32 [tilespmem:s22], [sflag:$0x4], $0x80, s28, s19, $0xb8;
	[tilespmem:$0x1F000] =	vst v63  }
0x37: {  	_ =	swait.ge [sflag:s29], $0x2800  }
0x38: {  	[sflag:s29] =	ssyncset.done $0x0  }
0x39: {  	s2 =	simm.s32 $0x13970;
	[sflag:s29] =	ssyncadd.s32 $0xFFFFD800  }
0x3a: {  	[tilespmem:s22], [sflag:$0x2] =	stream.indirect.gather [hbm4b:s3+s19], $0x80, s2, s19, $0xb8;
	[tilespmem:$0x1F000] =	vst v63  }
0x3b: {  	_ =	swait.ge [sflag:s23], $0x2800  }
0x3c: {  	[sflag:s23] =	ssyncset.done $0x0  }
0x3d: {  	s11 =	simm.s32 $0x16100;
	[sflag:s23] =	ssyncadd.s32 $0xFFFFD800  }
0x3e: {  	[spmem:s1] =	stream.indirect.scatter.add.f32 [tilespmem:s20], [sflag:$0x3], $0x80, s11, s19, $0xb8;
	[tilespmem:$0x1F000] =	vst v63  }
0x3f: {  	_ =	swait.ge [sflag:s24], $0x2800  }
0x40: {  	[sflag:s24] =	ssyncset.done $0x0  }
0x41: {  	s12 =	simm.s32 $0x139C0;
	[sflag:s24] =	ssyncadd.s32 $0xFFFFD800  }
0x42: {  	[tilespmem:s20], [sflag:$0x1] =	stream.indirect.gather [hbm4b:s3+s19], $0x80, s12, s19, $0xb8;
	[tilespmem:$0x1F000] =	vst v63  }
0x43: {  	_ =	swait.ge [sflag:s26], $0x2800  }
0x44: {  	s0 =	simm.s32 $0xFFFF1000;
	[sflag:s26] =	ssyncset.done $0x0  }
0x45: {  	s2 =	simm.s32 $0x13A60;
	s11 =	simm.s32 $0x16180;
	[sflag:s26] =	ssyncadd.s32 $0xFFFFD800  }
.LBB2_2:
0x46: {  	[spmem:s1] =	stream.indirect.scatter.add.f32 [tilespmem:s22], [sflag:$0x4], $0x80, s11, s19, $0xb8;
	[tilespmem:$0x1F000] =	vst v63  }
0x47: {  	s11 =	smov.u32 s0  }
0x48: {  	p1 =	sne.s32 s0, $0xFFFFFC00;
	s0 =	sadd.s32 $0x400, s0;
	_ =	swait.ge [sflag:s29], $0x2800  }
0x49: {  	[sflag:s29] =	ssyncset.done $0x0  }
0x4a: {  	s12 =	sadd.s32 $0xFFFFFFB0, s2;
	[sflag:s29] =	ssyncadd.s32 $0xFFFFD800  }
0x4b: {  	[tilespmem:s22], [sflag:$0x2] =	stream.indirect.gather [hbm4b:s3+s19], $0x80, s12, s19, $0xb8;
	[tilespmem:$0x1F000] =	vst v63  }
0x4c: {  	_ =	swait.ge [sflag:s23], $0x2800  }
0x4d: {  	s11 =	sshra.s32 s11, $0x2;
	[sflag:s23] =	ssyncset.done $0x0  }
0x4e: {  	s12 =	sadd.s32 $0x19E00, s11;
	[sflag:s23] =	ssyncadd.s32 $0xFFFFD800  }
0x4f: {  	[spmem:s1] =	stream.indirect.scatter.add.f32 [tilespmem:s20], [sflag:$0x3], $0x80, s12, s19, $0xb8;
	[tilespmem:$0x1F000] =	vst v63  }
0x50: {  	_ =	swait.ge [sflag:s24], $0x2800  }
0x51: {  	[sflag:s24] =	ssyncset.done $0x0  }
.Ltmp0:
0x52: {  	[sflag:s24] =	ssyncadd.s32 $0xFFFFD800;
	(pc) =	sbr.rel @p1 .LBB2_2-.Ltmp0, $4  }
0x53: {  	[tilespmem:s20], [sflag:$0x1] =	stream.indirect.gather [hbm4b:s3+s19], $0x80, s2, s19, $0xb8;
	[tilespmem:$0x1F000] =	vst v63  }
0x54: {  	_ =	swait.ge [sflag:s26], $0x2800  }
0x55: {  	[sflag:s26] =	ssyncset.done $0x0  }
0x56: {  	s11 =	sadd.s32 $0x19E80, s11;
	s2 =	sadd.s32 $0xA0, s2;
	[sflag:s26] =	ssyncadd.s32 $0xFFFFD800  }
0x57: {  	[spmem:s1] =	stream.indirect.scatter.add.f32 [tilespmem:s22], [sflag:$0x4], $0x80, s11, s19, $0xb8;
	[tilespmem:$0x1F000] =	vst v63  }
0x58: {  	_ =	swait.ge [sflag:s23], $0x2800  }
0x59: {  	[sflag:s23] =	ssyncset.done $0x0  }
0x5a: {  	[sflag:s23] =	ssyncadd.s32 $0xFFFFD800  }
0x5b: {  	[spmem:s1] =	stream.indirect.scatter.add.f32 [tilespmem:s20], [sflag:$0x3], $0x80, s30, s19, $0xb8;
	[tilespmem:$0x1F000] =	vst v63  }
0x5c: {  	_ =	swait.ge [sflag:s29], $0x2800  }
0x5d: {  	[sflag:s29] =	ssyncset.done $0x0  }
0x5e: {  	[sflag:s29] =	ssyncadd.s32 $0xFFFFD800  }
0x5f: {  	_ =	swait.ge [sflag:s24], $0x2800  }
0x60: {  	[sflag:s24] =	ssyncset.done $0x0  }
0x61: {  	[sflag:s24] =	ssyncadd.s32 $0xFFFFD800  }
0x62: {  	[bflag:$0x0] =	sbarrier.arrive $0xFFFF  }
0x63: {  	[hbm:s8], [sflag:s16] =	dma.local [spmem:s17], $0x2700  }
0x64: {  	s31 =	sadd.s32 $0x1, s31;
	_ =	swait.ge [sflag:s14], $0x2700  }
0x65: {  	p1 =	sne.s32 s31, s10;
	[sflag:s14] =	ssyncset.done $0x0  }
.Ltmp1:
0x66: {  	s0 =	simm.s32 @!p0 $0x5;
	[sflag:s14] =	ssyncadd.s32 $0xFFFFD900;
	(pc) =	sbr.rel @p1 .LBB2_1-.Ltmp1, $4  }
0x67: {  	[hbm:s9], [sflag:s16] =	dma.local @!p0 [spmem:s18], $0x100  }
0x68: {  	_ =	swait.ge @!p0 [sflag:s0], $0x100  }
0x69: {  	[sflag:s0] =	ssyncset.done @!p0 $0x0  }
0x6a: {  	[sflag:s0] =	ssyncadd.s32 @!p0 $0xFFFFFF00  }
0x6b: {  	_ =	sfence.sel $0x180000  }
0x6c: {  	[bflag:$0x0] =	sbarrier.arrive $0xFFFF  }
0x6d: {  	_ =	strace $0x9000004D  }
0x6e: {  	[bflag:$0x2] =	sbarrier.arrive $0xFFFF  }
0x6f: {  	s0 =	rddreg [dreg:$0x2]  }
0x70: {  	s0 =	sadd.s32 @!p0 $0x100000, s0  }
0x71: {  	[sflag:s0] =	ssyncadd.tile.s32 @!p0 $0x1;
	_ =	shalt  }
.Lfunc_end2:
_tile_overlayer_lowered:
.L_overlay_start_2:
0x72: {  	(tag) =	ssettag $0x2  }
0x73: {  	s0 =	rddreg [dreg:$0x0];
	s2 =	stileid.u32  }
0x74: {  	s1 =	rddreg [dreg:$0x1];
	p0 =	sne.s32 s2, $0x0  }
0x75: {  	s3 =	rddreg [dreg:$0x2];
	[bflag:$0x3] =	sbarrier.arrive $0xFFFF;
	s2 =	simm.s32 @!p0 $0x1C05  }
0x76: {  	[timem:s3], [sflag:s2] =	dma.local @!p0 [hbm:s0], s1  }
0x77: {  	s0 =	simm.s32 @!p0 $0x5  }
0x78: {  	_ =	swait.ge @!p0 [sflag:s0], s1  }
0x79: {  	s1 =	ssub.s32 @!p0 $0x0, s1;
	[sflag:s0] =	ssyncset.done @!p0 $0x0  }
0x7a: {  	[sflag:s0] =	ssyncadd.s32 @!p0 s1  }
0x7b: {  	[bflag:$0x3] =	sbarrier.arrive $0xFFFF  }
0x7c: {  	_ =	shalt  }

// kernel: kernel.19.cloned.1.call-start
scs
__scs_entry_jumppad:
0x0: {  	(pc) =	sbr.rel $0x88, $3  }
0x1: {  	(tag) =	ssettag $0x0;
	lr =	simm.s32 $0x1  }
0x2: {  	[smem:$0x3F91] =	sst lr;
	_ =	strace $0xD0000000  }
0x3: {  	_ = 	snop  }
0x4: {  	_ = 	snop  }
0x5: {  	_ = 	snop  }
0x6: {  	_ = 	snop  }
0x7: {  	_ = 	snop  }
__scs_overlays_trampoline_lowered:
0x8: {  	[smem:$0x3FA0] =	sst s0  }
0x9: {  	[smem:$0x3FA1] =	sst s1  }
0xa: {  	[smem:$0x3FA2] =	sst s2  }
0xb: {  	[smem:$0x3FA3] =	sst s3  }
0xc: {  	[smem:$0x3FA4] =	sst s4  }
0xd: {  	[smem:$0x3FA5] =	sst s5  }
0xe: {  	[smem:$0x3FA6] =	sst s6  }
0xf: {  	[smem:$0x3FA7] =	sst s7  }
0x10: {  	[smem:$0x3FA8] =	sst s8  }
0x11: {  	[smem:$0x3FA9] =	sst s9;
	s0 =	simm.s32 @!p0 $0x0  }
0x12: {  	s1 =	sld [smem:$0x3F8F];
	s0 =	simm.s32 @p0 $0x1  }
0x13: {  	[smem:$0x3FAA] =	sst s0;
	s0 =	simm.s32 @!p1 $0x0  }
0x14: {  	s2 =	sld [smem:$0x3F8E];
	s0 =	simm.s32 @p1 $0x1  }
0x15: {  	[smem:$0x3FAB] =	sst s0;
	s0 =	simm.s32 @!p2 $0x0  }
0x16: {  	s3 =	sld [smem:$0x3FDB];
	s0 =	simm.s32 @p2 $0x1  }
0x17: {  	s4 =	simm.s32 $0x1BF5;
	[smem:$0x3FAD] =	sst s0  }
0x18: {  	s0 =	sld [smem:$0x3F90];
	_ =	swait.ge [sflag:s4], $0x0  }
0x19: {  	s7 =	sld [smem:$0x3F91]  }
0x1a: {  	s8 =	sadd.s32 $0xFFFFE003, lr  }
0x1b: {  	s9 =	sadd.s32 $0xFFFFFEF7, lr;
	s5 =	simm.s32 $0xFFFFFFFF;
	p2 =	slt.u32 s8, $0xFFFFF086  }
0x1c: {  	p1 =	slt.u32 s9, $0xF7A;
	s5 =	simm.s32 @!p2 $0x0  }
0x1d: {  	s5 =	simm.s32 @p1 $0x1;
	p0 =	seq.s32 s7, s2  }
0x1e: {  	s7 =	smul.u32 @!p0 $0xF7A, s2;
	p2 =	seq.s32 @!p0 s5, $0x0  }
0x1f: {  	s9 =	smul.u32 $0xF7A, s1;
	s8 =	simm.s32 @!p0 $0x1BF5;
	p2 =	por !p2, p0  }
0x20: {  	[sflag:s8] =	ssyncset.s32 @!p0 $0xFFFFF086;
	s6 =	sadd.s32 @!p0 s3, s7;
	s7 =	simm.s32 @!p0 $0x108  }
0x21: {  	s3 =	sadd.s32 s3, s9;
	s6 =	sadd.s32 @!p0 $0x88, s6;
	s7 =	simm.s32 @p2 $0x1082  }
0x22: {  	[simem:s7], [sflag:s8] =	dma.local @!p0 [hbm:s6], $0xF7A  }
0x23: {  	s9 =	sor.u32 $0xD0000000, s2;
	s6 =	simm.s32 $0x108;
	_ =	swait.ge @!p0 [sflag:s8], $0x0  }
0x24: {  	s3 =	sadd.s32 $0x88, s3;
	s6 =	simm.s32 @!p1 $0x1082;
	[sflag:s4] =	ssyncset.s32 $0xFFFFF086  }
0x25: {  	[simem:s6], [sflag:s4] =	dma.local [hbm:s3], $0xF7A  }
0x26: {  	[smem:$0x3F91] =	sst s1;
	(tag) =	ssettag s2;
	_ =	strace s9  }
0x27: {  	s1 =	sld [smem:$0x3FA1]  }
0x28: {  	s2 =	sld [smem:$0x3FA2]  }
0x29: {  	s4 =	sld [smem:$0x3FA4]  }
0x2a: {  	p0 =	seq.s32 s5, $0x0;
	s5 =	sld [smem:$0x3FA5]  }
0x2b: {  	s6 =	sld [smem:$0x3FA6]  }
0x2c: {  	s7 =	sld [smem:$0x3FA7]  }
0x2d: {  	s3 =	simm.s32 $0x108;
	s8 =	sld [smem:$0x3FA8]  }
0x2e: {  	s3 =	simm.s32 @!p0 $0x1082;
	s9 =	sld [smem:$0x3FA9]  }
0x2f: {  	lr =	sadd.s32 s0, s3;
	s0 =	sld [smem:$0x3FA0]  }
0x30: {  	s3 =	sld [smem:$0x3FA3]  }
0x31: {  	[smem:$0x3FAC] =	sst s10  }
0x32: {  	s10 =	sld [smem:$0x3FAA];
	_ =	sdelay $0x3  }
0x33: {  	p0 =	seq.s32 s10, $0x1;
	s10 =	sld [smem:$0x3FAC];
	_ =	sdelay $0x3  }
0x34: {  	[smem:$0x3FAC] =	sst s10  }
0x35: {  	s10 =	sld [smem:$0x3FAB];
	_ =	sdelay $0x3  }
0x36: {  	p1 =	seq.s32 s10, $0x1;
	s10 =	sld [smem:$0x3FAC];
	_ =	sdelay $0x3  }
0x37: {  	[smem:$0x3FAC] =	sst s10  }
0x38: {  	s10 =	sld [smem:$0x3FAD]  }
0x39: {  	_ = 	snop;
	(pc) =	sbr.ind lr, $3  }
0x3a: {  	_ = 	snop  }
0x3b: {  	_ = 	snop  }
0x3c: {  	p2 =	seq.s32 s10, $0x1;
	s10 =	sld [smem:$0x3FAC]  }
0x3d: {  	_ =	shalt  }
0x3e: {  	_ =	shalt  }
0x3f: {  	_ =	shalt  }
0x40: {  	_ =	shalt  }
0x41: {  	_ =	shalt  }
0x42: {  	_ =	shalt  }
0x43: {  	_ =	shalt  }
0x44: {  	_ =	shalt  }
0x45: {  	_ =	shalt  }
0x46: {  	_ =	shalt  }
0x47: {  	_ =	shalt  }
0x48: {  	_ =	shalt  }
0x49: {  	_ =	shalt  }
0x4a: {  	_ =	shalt  }
0x4b: {  	_ =	shalt  }
0x4c: {  	_ =	shalt  }
0x4d: {  	_ =	shalt  }
0x4e: {  	_ =	shalt  }
0x4f: {  	_ =	shalt  }
0x50: {  	_ =	shalt  }
0x51: {  	_ =	shalt  }
0x52: {  	_ =	shalt  }
0x53: {  	_ =	shalt  }
0x54: {  	_ =	shalt  }
0x55: {  	_ =	shalt  }
0x56: {  	_ =	shalt  }
0x57: {  	_ =	shalt  }
0x58: {  	_ =	shalt  }
0x59: {  	_ =	shalt  }
0x5a: {  	_ =	shalt  }
0x5b: {  	_ =	shalt  }
0x5c: {  	_ =	shalt  }
0x5d: {  	_ =	shalt  }
0x5e: {  	_ =	shalt  }
0x5f: {  	_ =	shalt  }
0x60: {  	_ =	shalt  }
0x61: {  	_ =	shalt  }
0x62: {  	_ =	shalt  }
0x63: {  	_ =	shalt  }
0x64: {  	_ =	shalt  }
0x65: {  	_ =	shalt  }
0x66: {  	_ =	shalt  }
0x67: {  	_ =	shalt  }
0x68: {  	_ =	shalt  }
0x69: {  	_ =	shalt  }
0x6a: {  	_ =	shalt  }
0x6b: {  	_ =	shalt  }
0x6c: {  	_ =	shalt  }
0x6d: {  	_ =	shalt  }
0x6e: {  	_ =	shalt  }
0x6f: {  	_ =	shalt  }
0x70: {  	_ =	shalt  }
0x71: {  	_ =	shalt  }
0x72: {  	_ =	shalt  }
0x73: {  	_ =	shalt  }
0x74: {  	_ =	shalt  }
0x75: {  	_ =	shalt  }
0x76: {  	_ =	shalt  }
0x77: {  	_ =	shalt  }
0x78: {  	_ =	shalt  }
0x79: {  	_ =	shalt  }
0x7a: {  	_ =	shalt  }
0x7b: {  	_ =	shalt  }
0x7c: {  	_ =	shalt  }
0x7d: {  	_ =	shalt  }
0x7e: {  	_ =	shalt  }
0x7f: {  	_ =	shalt  }
0x80: {  	_ =	shalt  }
0x81: {  	_ =	shalt  }
0x82: {  	_ =	shalt  }
0x83: {  	_ =	shalt  }
0x84: {  	_ =	shalt  }
0x85: {  	_ =	shalt  }
0x86: {  	_ =	shalt  }
0x87: {  	_ =	shalt  }
.Lfunc_end0:
.L_simem_size_0:
called_computation.3_lowered:
.L_overlay_start_0:
0x88: {  	s2 =	sld [smem:$0x3FD9]  }
0x89: {  	s3 =	sld [smem:$0x3FFE];
	_ =	sdelay $0x1  }
0x8a: {  	s1 =	srdreg.scid  }
0x8b: {  	s0 =	sand.u32 $0x1, s1  }
0x8c: {  	s16 =	sshll.u32 s0, $0xA;
	s2 =	sadd.s32 s3, s2  }
0x8d: {  	s2 =	sadd.s32 s2, s16  }
0x8e: {  	[smem:$0x3FB8] =	sst s2  }
0x8f: {  	_ = 	snop  }
0x90: {  	(tm) =	ssettm $0x1  }
0x91: {  	s17 =	sld [smem:$0x3FFB];
	_ =	sdelay $0x3  }
0x92: {  	_ =	strace s17  }
0x93: {  	s2 =	sld [smem:$0x3FFC];
	_ =	sdelay $0x3  }
0x94: {  	_ =	strace s2  }
0x95: {  	s2 =	sld [smem:$0x3FFD];
	_ =	sdelay $0x3  }
0x96: {  	_ =	strace s2  }
0x97: {  	_ =	strace $0x8FFFFFFF  }
0x98: {  	s18 =	sld [smem:$0x3FDB];
	_ =	sdelay $0x1  }
0x99: {  	s19 =	simm.s32 $_scs_section_size  }
0x9a: {  	s4 =	simm.s32 $_size__tile_overlayer_lowered;
	s5 =	simm.s32 $_tile_overlayer_lowered  }
0x9b: {  	s22 =	simm.s32 $0x1BFF;
	s21 =	sshll.u32 s5, $0x1;
	s2 =	sadd.s32 s19, s18  }
0x9c: {  	s6 =	simm.s32 $0x0;
	s20 =	sshll.u32 s4, $0x1;
	s4 =	sadd.s32 s21, s2  }
0x9d: {  	[timem:s6], [sflag:s22] =	dma.local [hbm:s4], s20  }
0x9e: {  	_ =	swait.ge [sflag:s22], s20  }
0x9f: {  	s3 =	ssub.s32 $0x0, s20;
	[sflag:s22] =	ssyncset.done $0x0  }
0xa0: {  	[sflag:s22] =	ssyncadd.s32 s3;
	_ =	sdelay $0x1  }
0xa1: {  	s23 =	simm.s32 $0x1B8B  }
0xa2: {  	_ =	swait.ge [sflag:s23], $0x1  }
0xa3: {  	[sflag:s23] =	ssyncset.done $0x0  }
0xa4: {  	s25 =	simm.s32 $0x1B8E;
	s24 =	sld [smem:$0x3FFE];
	[sflag:s23] =	ssyncadd.s32 $0xFFFFFFFF  }
0xa5: {  	s26 =	simm.s32 $execute0_lowered;
	[smem:$0x3FD2] =	sst s25  }
0xa6: {  	s4 =	sshll.u32 s26, $0x1;
	_ =	strace $0x8000004F;
	[dreg:$0x1] =	wrdreg $0xFFFFFFFF  }
0xa7: {  	s28 =	simm.s32 $_size_execute0_lowered;
	s2 =	sadd.s32 s2, s4;
	[dreg:$0x0] =	wrdreg $0x0  }
0xa8: {  	s4 =	sshll.u32 s28, $0x1;
	[dreg:$0x2] =	wrdreg s2  }
0xa9: {  	[dreg:$0x3] =	wrdreg s4  }
0xaa: {  	[dreg:$0x4] =	wrdreg $0xC0  }
0xab: {  	_ =	task [dreg:s6], $0x5FFFF  }
0xac: {  	[dreg:$0x1] =	wrdreg $0xFFFFFFFF  }
0xad: {  	[dreg:$0x0] =	wrdreg $0x60  }
0xae: {  	[dreg:$0x2] =	wrdreg s24  }
0xaf: {  	[dreg:$0x3] =	wrdreg $0x0  }
0xb0: {  	[dreg:$0x4] =	wrdreg $0x9  }
0xb1: {  	_ =	task.clear_ibuf [dreg:s6], $0x5FFFF;
	_ =	strace $0x9000004F  }
0xb2: {  	s29 =	simm.s32 $0x9;
	_ =	strace $0x80000051  }
0xb3: {  	_ =	swait.ge [sflag:s29], $0x1  }
0xb4: {  	[sflag:s29] =	ssyncadd.s32 $0xFFFFFFFF  }
0xb5: {  	_ =	strace $0x90000051  }
0xb6: {  	_ =	sfence  }
0xb7: {  	s30 =	sld [smem:$0x0];
	_ =	sdelay $0x2  }
0xb8: {  	s31 =	sshll.u32 s1, $0xD;
	s1 =	sshrl.u32 s1, $0x2  }
0xb9: {  	s3 =	sand.u32 $0x4000, s31;
	s1 =	sadd.s32 s1, s30  }
0xba: {  	s0 =	sor.u32 s3, s0;
	s1 =	sshll.u32 s1, $0x11  }
0xbb: {  	s0 =	sor.u32 s1, s0  }
0xbc: {  	s0 =	sadd.s32 $0x8F2B, s0  }
0xbd: {  	[sflag:s0] =	ssyncadd.remote.s32 $0x1  }
0xbe: {  	_ =	sfence.sel $0xFFFF  }
0xbf: {  	[dreg:$0x0] =	wrdreg $0xFFFFFFFF;
	(pc) =	sbr.abs _section_cstart, $3  }
0xc0: {  	[dreg:$0x1] =	wrdreg $0xFFFFFFFF  }
0xc1: {  	_ =	task.clear_ibuf [dreg:s6], $0x2FFFF;
	_ =	strace $0x9FFFFFFF  }
0xc2: {  	(tm) =	ssettm $0x7FFFFFFF  }
0xc3: {  	_ =	shalt  }
tec
execute0_lowered:
.L_overlay_start_1:
0x0: {  	(tag) =	ssettag $0x1  }
0x1: {  	s0 =	srdreg.scid  }
0x2: {  	s2 =	stileid.u32;
	s7 =	rddreg [dreg:$0x0];
	s6 =	simm.s32 $0x0  }
0x3: {  	s14 =	simm.s32 $0x5;
	s15 =	simm.s32 $0x16000;
	s19 =	simm.s32 $0x50  }
0x4: {  	s20 =	simm.s32 $0x1A000;
	s21 =	simm.s32 $0x138D0;
	s22 =	simm.s32 $0x1C800  }
0x5: {  	s28 =	simm.s32 $0x16080;
	s29 =	simm.s32 $0x4;
	s30 =	simm.s32 $0x19E00  }
0x6: {  	s31 =	simm.s32 $0x0;
	s0 =	sand.u32 $0x1, s0;
	s8 =	smul.u32 $0x2700, s2  }
0x7: {  	s5 =	sshll.u32 s2, $0x7;
	[smem:$0x7FF] =	sst s6;
	s10 =	smul.u32 $0x4E000, s2  }
0x8: {  	s11 =	sadd.s32 $0x94200, s7;
	p0 =	sne.s32 s2, $0x0;
	s26 =	sshll.u32 s2, $0x6  }
0x9: {  	s1 =	sshll.u32 s0, $0x4;
	s5 =	sand.u32 $0x380, s5;
	s13 =	smul.u32 $0x27100, s0  }
0xa: {  	s23 =	ssub.s32 $0x2, s0;
	s0 =	smul.u32 $0x138800, s0;
	s16 =	sor.u32 $0x1C05, s26  }
0xb: {  	s26 =	simm.s32 $0x2;
	s4 =	sor.u32 s2, s1;
	s24 =	sshrl.u32 s23, $0x1  }
0xc: {  	s25 =	sshrl.u32 s10, $0x2;
	s1 =	sshrl.u32 s4, $0x3;
	s4 =	sshll.u32 s4, $0xB  }
0xd: {  	s12 =	ssub.s32 s23, s24;
	s0 =	sshrl.u32 s0, $0x3;
	s23 =	simm.s32 $0x1  }
0xe: {  	s24 =	simm.s32 $0x3;
	s3 =	smul.u32 $0x13C00, s1;
	s1 =	rddreg [dreg:$0x1]  }
0xf: {  	_ =	strace $0x80000050;
	s9 =	sadd.s32 s4, s7;
	s0 =	sadd.s32 s11, s0  }
0x10: {  	s10 =	smax.u32 s12, $0x1;
	s17 =	sadd.s32 s25, s1;
	s18 =	sadd.s32 $0x138000, s1  }
0x11: {  	s25 =	simm.s32 $0x13920;
	s3 =	sor.u32 s5, s3;
	s17 =	sshrl.u32 s17, $0x3  }
0x12: {  	s18 =	sshrl.u32 @!p0 s18, $0x3;
	s5 =	sshrl.u32 s3, $0x3;
	s3 =	sadd.s32 $0x1EC00, s7  }
0x13: {  	s5 =	sadd.s32 s5, s7;
	s6 =	sadd.s32 s3, s8;
	s8 =	sadd.s32 s8, s13  }
0x14: {  	s7 =	sadd.s32 $0x45C00, s7;
	s13 =	simm.s32 $0x13880;
	s4 =	sadd.s32 $0x14E00, s5  }
0x15: {  	s5 =	sadd.s32 $0x4400, s9;
	s8 =	sadd.s32 s11, s8;
	s9 =	sadd.s32 $0x27000, s0  }
.LBB2_1:
0x16: {  	s0 =	simm.s32 $0x80;
	s2 =	simm.s32 $0x400  }
0x17: {  	[tilespmem:s13], [sflag:$0x5] =	stream.strided.gather [hbm4b:s4+s0], $0x2780, s2, s0, $0x38;
	[tilespmem:$0x1F000] =	vst v63  }
0x18: {  	_ =	swait.ge [sflag:s14], $0x2780  }
0x19: {  	[sflag:s14] =	ssyncset.done $0x0  }
0x1a: {  	s12 =	simm.s32 $0x0;
	[sflag:s14] =	ssyncadd.s32 $0xFFFFD880  }
0x1b: {  	[tilespmem:s15], [sflag:$0x5] =	stream.linear.gather [hbm4b:s5+s12], $0x3E80, $0x38;
	[tilespmem:$0x1F000] =	vst v63  }
0x1c: {  	_ =	swait.ge [sflag:s14], $0x3E80  }
0x1d: {  	[sflag:s14] =	ssyncset.done $0x0  }
0x1e: {  	[sflag:s14] =	ssyncadd.s32 $0xFFFFC180  }
0x1f: {  	[spmem:s17], [sflag:s16] =	dma.local [hbm:s6], $0x2700  }
0x20: {  	_ =	swait.ge [sflag:s14], $0x2700  }
0x21: {  	[sflag:s14] =	ssyncset.done $0x0  }
0x22: {  	s0 =	simm.s32 @!p0 $0x5;
	[sflag:s14] =	ssyncadd.s32 $0xFFFFD900  }
0x23: {  	[spmem:s18], [sflag:s16] =	dma.local @!p0 [hbm:s7], $0x100  }
0x24: {  	_ =	swait.ge @!p0 [sflag:s0], $0x100  }
0x25: {  	[sflag:s0] =	ssyncset.done @!p0 $0x0  }
0x26: {  	[sflag:s0] =	ssyncadd.s32 @!p0 $0xFFFFFF00  }
0x27: {  	[bflag:$0x0] =	sbarrier.arrive $0xFFFF  }
0x28: {  	[tilespmem:s20], [sflag:$0x1] =	stream.indirect.gather [hbm4b:s3+s19], $0x80, s13, s19, $0xb8;
	[tilespmem:$0x1F000] =	vst v63  }
0x29: {  	_ = 	snop  }
0x2a: {  	[tilespmem:s22], [sflag:$0x2] =	stream.indirect.gather [hbm4b:s3+s19], $0x80, s21, s19, $0xb8;
	[tilespmem:$0x1F000] =	vst v63  }
0x2b: {  	_ =	swait.ge [sflag:s23], $0x2800  }
0x2c: {  	[sflag:s23] =	ssyncset.done $0x0  }
0x2d: {  	[sflag:s23] =	ssyncadd.s32 $0xFFFFD800  }
0x2e: {  	[spmem:s1] =	stream.indirect.scatter.add.f32 [tilespmem:s20], [sflag:$0x3], $0x80, s15, s19, $0xb8;
	[tilespmem:$0x1F000] =	vst v63  }
0x2f: {  	_ =	swait.ge [sflag:s24], $0x2800  }
0x30: {  	[sflag:s24] =	ssyncset.done $0x0  }
0x31: {  	[sflag:s24] =	ssyncadd.s32 $0xFFFFD800  }
0x32: {  	[tilespmem:s20], [sflag:$0x1] =	stream.indirect.gather [hbm4b:s3+s19], $0x80, s25, s19, $0xb8;
	[tilespmem:$0x1F000] =	vst v63  }
0x33: {  	_ =	swait.ge [sflag:s26], $0x2800  }
0x34: {  	[sflag:s26] =	ssyncset.done $0x0  }
0x35: {  	[sflag:s26] =	ssyncadd.s32 $0xFFFFD800  }
0x36: {  	[spmem:s1] =	stream.indirect.scatter.add.f32 [tilespmem:s22], [sflag:$0x4], $0x80, s28, s19, $0xb8;
	[tilespmem:$0x1F000] =	vst v63  }
0x37: {  	_ =	swait.ge [sflag:s29], $0x2800  }
0x38: {  	[sflag:s29] =	ssyncset.done $0x0  }
0x39: {  	s2 =	simm.s32 $0x13970;
	[sflag:s29] =	ssyncadd.s32 $0xFFFFD800  }
0x3a: {  	[tilespmem:s22], [sflag:$0x2] =	stream.indirect.gather [hbm4b:s3+s19], $0x80, s2, s19, $0xb8;
	[tilespmem:$0x1F000] =	vst v63  }
0x3b: {  	_ =	swait.ge [sflag:s23], $0x2800  }
0x3c: {  	[sflag:s23] =	ssyncset.done $0x0  }
0x3d: {  	s11 =	simm.s32 $0x16100;
	[sflag:s23] =	ssyncadd.s32 $0xFFFFD800  }
0x3e: {  	[spmem:s1] =	stream.indirect.scatter.add.f32 [tilespmem:s20], [sflag:$0x3], $0x80, s11, s19, $0xb8;
	[tilespmem:$0x1F000] =	vst v63  }
0x3f: {  	_ =	swait.ge [sflag:s24], $0x2800  }
0x40: {  	[sflag:s24] =	ssyncset.done $0x0  }
0x41: {  	s12 =	simm.s32 $0x139C0;
	[sflag:s24] =	ssyncadd.s32 $0xFFFFD800  }
0x42: {  	[tilespmem:s20], [sflag:$0x1] =	stream.indirect.gather [hbm4b:s3+s19], $0x80, s12, s19, $0xb8;
	[tilespmem:$0x1F000] =	vst v63  }
0x43: {  	_ =	swait.ge [sflag:s26], $0x2800  }
0x44: {  	s0 =	simm.s32 $0xFFFF1000;
	[sflag:s26] =	ssyncset.done $0x0  }
0x45: {  	s2 =	simm.s32 $0x13A60;
	s11 =	simm.s32 $0x16180;
	[sflag:s26] =	ssyncadd.s32 $0xFFFFD800  }
.LBB2_2:
0x46: {  	[spmem:s1] =	stream.indirect.scatter.add.f32 [tilespmem:s22], [sflag:$0x4], $0x80, s11, s19, $0xb8;
	[tilespmem:$0x1F000] =	vst v63  }
0x47: {  	s11 =	smov.u32 s0  }
0x48: {  	p1 =	sne.s32 s0, $0xFFFFFC00;
	s0 =	sadd.s32 $0x400, s0;
	_ =	swait.ge [sflag:s29], $0x2800  }
0x49: {  	[sflag:s29] =	ssyncset.done $0x0  }
0x4a: {  	s12 =	sadd.s32 $0xFFFFFFB0, s2;
	[sflag:s29] =	ssyncadd.s32 $0xFFFFD800  }
0x4b: {  	[tilespmem:s22], [sflag:$0x2] =	stream.indirect.gather [hbm4b:s3+s19], $0x80, s12, s19, $0xb8;
	[tilespmem:$0x1F000] =	vst v63  }
0x4c: {  	_ =	swait.ge [sflag:s23], $0x2800  }
0x4d: {  	s11 =	sshra.s32 s11, $0x2;
	[sflag:s23] =	ssyncset.done $0x0  }
0x4e: {  	s12 =	sadd.s32 $0x19E00, s11;
	[sflag:s23] =	ssyncadd.s32 $0xFFFFD800  }
0x4f: {  	[spmem:s1] =	stream.indirect.scatter.add.f32 [tilespmem:s20], [sflag:$0x3], $0x80, s12, s19, $0xb8;
	[tilespmem:$0x1F000] =	vst v63  }
0x50: {  	_ =	swait.ge [sflag:s24], $0x2800  }
0x51: {  	[sflag:s24] =	ssyncset.done $0x0  }
.Ltmp0:
0x52: {  	[sflag:s24] =	ssyncadd.s32 $0xFFFFD800;
	(pc) =	sbr.rel @p1 .LBB2_2-.Ltmp0, $4  }
0x53: {  	[tilespmem:s20], [sflag:$0x1] =	stream.indirect.gather [hbm4b:s3+s19], $0x80, s2, s19, $0xb8;
	[tilespmem:$0x1F000] =	vst v63  }
0x54: {  	_ =	swait.ge [sflag:s26], $0x2800  }
0x55: {  	[sflag:s26] =	ssyncset.done $0x0  }
0x56: {  	s11 =	sadd.s32 $0x19E80, s11;
	s2 =	sadd.s32 $0xA0, s2;
	[sflag:s26] =	ssyncadd.s32 $0xFFFFD800  }
0x57: {  	[spmem:s1] =	stream.indirect.scatter.add.f32 [tilespmem:s22], [sflag:$0x4], $0x80, s11, s19, $0xb8;
	[tilespmem:$0x1F000] =	vst v63  }
0x58: {  	_ =	swait.ge [sflag:s23], $0x2800  }
0x59: {  	[sflag:s23] =	ssyncset.done $0x0  }
0x5a: {  	[sflag:s23] =	ssyncadd.s32 $0xFFFFD800  }
0x5b: {  	[spmem:s1] =	stream.indirect.scatter.add.f32 [tilespmem:s20], [sflag:$0x3], $0x80, s30, s19, $0xb8;
	[tilespmem:$0x1F000] =	vst v63  }
0x5c: {  	_ =	swait.ge [sflag:s29], $0x2800  }
0x5d: {  	[sflag:s29] =	ssyncset.done $0x0  }
0x5e: {  	[sflag:s29] =	ssyncadd.s32 $0xFFFFD800  }
0x5f: {  	_ =	swait.ge [sflag:s24], $0x2800  }
0x60: {  	[sflag:s24] =	ssyncset.done $0x0  }
0x61: {  	[sflag:s24] =	ssyncadd.s32 $0xFFFFD800  }
0x62: {  	[bflag:$0x0] =	sbarrier.arrive $0xFFFF  }
0x63: {  	[hbm:s8], [sflag:s16] =	dma.local [spmem:s17], $0x2700  }
0x64: {  	s31 =	sadd.s32 $0x1, s31;
	_ =	swait.ge [sflag:s14], $0x2700  }
0x65: {  	p1 =	sne.s32 s31, s10;
	[sflag:s14] =	ssyncset.done $0x0  }
.Ltmp1:
0x66: {  	s0 =	simm.s32 @!p0 $0x5;
	[sflag:s14] =	ssyncadd.s32 $0xFFFFD900;
	(pc) =	sbr.rel @p1 .LBB2_1-.Ltmp1, $4  }
0x67: {  	[hbm:s9], [sflag:s16] =	dma.local @!p0 [spmem:s18], $0x100  }
0x68: {  	_ =	swait.ge @!p0 [sflag:s0], $0x100  }
0x69: {  	[sflag:s0] =	ssyncset.done @!p0 $0x0  }
0x6a: {  	[sflag:s0] =	ssyncadd.s32 @!p0 $0xFFFFFF00  }
0x6b: {  	_ =	sfence.sel $0x180000  }
0x6c: {  	[bflag:$0x0] =	sbarrier.arrive $0xFFFF  }
0x6d: {  	_ =	strace $0x90000050  }
0x6e: {  	[bflag:$0x2] =	sbarrier.arrive $0xFFFF  }
0x6f: {  	s0 =	rddreg [dreg:$0x2]  }
0x70: {  	s0 =	sadd.s32 @!p0 $0x100000, s0  }
0x71: {  	[sflag:s0] =	ssyncadd.tile.s32 @!p0 $0x1;
	_ =	shalt  }
.Lfunc_end2:
_tile_overlayer_lowered:
.L_overlay_start_2:
0x72: {  	(tag) =	ssettag $0x2  }
0x73: {  	s0 =	rddreg [dreg:$0x0];
	s2 =	stileid.u32  }
0x74: {  	s1 =	rddreg [dreg:$0x1];
	p0 =	sne.s32 s2, $0x0  }
0x75: {  	s3 =	rddreg [dreg:$0x2];
	[bflag:$0x3] =	sbarrier.arrive $0xFFFF;
	s2 =	simm.s32 @!p0 $0x1C05  }
0x76: {  	[timem:s3], [sflag:s2] =	dma.local @!p0 [hbm:s0], s1  }
0x77: {  	s0 =	simm.s32 @!p0 $0x5  }
0x78: {  	_ =	swait.ge @!p0 [sflag:s0], s1  }
0x79: {  	s1 =	ssub.s32 @!p0 $0x0, s1;
	[sflag:s0] =	ssyncset.done @!p0 $0x0  }
0x7a: {  	[sflag:s0] =	ssyncadd.s32 @!p0 s1  }
0x7b: {  	[bflag:$0x3] =	sbarrier.arrive $0xFFFF  }
0x7c: {  	_ =	shalt  }

</sc_bundles>
